<compile_context>
chip_gen: v7x
topology: tpu7x:2x2x1
jax: 0.10.2.dev20260603
libtpu: 0.0.44.dev20260713+nightly
codegen_flags: <defaults>
</compile_context>

<pallas_src>
import functools

import jax
import jax.numpy as jnp
import numpy as np
from jax import lax
from jax.experimental import pallas as pl
from jax.experimental.pallas import tpu as pltpu
from jax.experimental.pallas import tpu_sc as plsc

B, S, D = 1, 2048, 1024
H, KVH, HD = 16, 4, 64
FF, E, TOPK = 1024, 2 * 4, 2
EPS = 1e-5
THETA = 150000.0
HALF = HD // 2

BS1 = 512
BQ = 512
BS3 = 512
BLK = 256
NB = 24
PADTOT = NB * BLK

NC, NS = 2, 16
NW = NC * NS


def _rope_packed(x, cosv, sins):
    w = x.shape[1]
    col = jax.lax.broadcasted_iota(jnp.int32, (1, w), 1)
    c = col % HD
    left = jnp.concatenate([x[:, HALF:], x[:, :HALF]], axis=1)
    right = jnp.concatenate([x[:, w - HALF:], x[:, :w - HALF]], axis=1)
    xp = jnp.where(c < HALF, left, right)
    return x * cosv + xp * sins


def _rope_tables(width):
    col = np.arange(width)
    c = col % HD
    i = c % HALF
    invf = THETA ** (-2.0 * i / HD)
    ang = np.arange(S)[:, None] * invf[None, :]
    sign = np.where(c < HALF, -1.0, 1.0)
    return (jnp.asarray(np.cos(ang), dtype=jnp.float32),
            jnp.asarray(np.sin(ang) * sign, dtype=jnp.float32))


LOG2E = float(np.log2(np.e))


def _prologue_kernel(h_ref, ln1_ref, qw_ref, qb_ref, kw_ref, kb_ref,
                     vw_ref, vb_ref, cq_ref, sq_ref, ck_ref, sk_ref,
                     q_ref, k_ref, v_ref):
    h = h_ref[...]
    var = jnp.mean(h * h, axis=1, keepdims=True)
    x = (h * jax.lax.rsqrt(var + EPS)) * ln1_ref[...]
    q = jnp.dot(x, qw_ref[...], preferred_element_type=jnp.float32) + qb_ref[...]
    k = jnp.dot(x, kw_ref[...], preferred_element_type=jnp.float32) + kb_ref[...]
    v = jnp.dot(x, vw_ref[...], preferred_element_type=jnp.float32) + vb_ref[...]
    q_ref[...] = _rope_packed(q, cq_ref[...], sq_ref[...]) * (0.125 * LOG2E)
    kr = _rope_packed(k, ck_ref[...], sk_ref[...])
    for kh in range(KVH):
        k_ref[kh] = kr[:, kh * HD:(kh + 1) * HD]
        v_ref[kh] = v[:, kh * HD:(kh + 1) * HD]


def _attn_kernel(q_ref, k_ref, v_ref, o_ref):
    q4 = q_ref[...]
    k = k_ref[0]
    v = v_ref[0]
    outs = []
    for j in range(4):
        q = q4[:, j * HD:(j + 1) * HD]
        s = jnp.dot(q, k.T, preferred_element_type=jnp.float32)
        p = jnp.exp2(s)
        denom = jnp.sum(p, axis=1, keepdims=True)
        outs.append(jnp.dot(p, v, preferred_element_type=jnp.float32)
                    / denom)
    o_ref[...] = jnp.concatenate(outs, axis=1)


def _post_kernel(attn_ref, h_ref, ow_ref, ob_ref, ln2_ref, rw_ref, rb_ref,
                 hid_ref, x2_ref, logits_ref):
    a = attn_ref[...]
    hid = (jnp.dot(a, ow_ref[...], preferred_element_type=jnp.float32)
           + ob_ref[...] + h_ref[...])
    hid_ref[...] = hid
    var = jnp.mean(hid * hid, axis=1, keepdims=True)
    x2 = (hid * jax.lax.rsqrt(var + EPS)) * ln2_ref[...]
    x2_ref[...] = x2
    logits_ref[...] = (jnp.dot(x2, rw_ref[...],
                               preferred_element_type=jnp.float32)
                       + rb_ref[...])


def _routing_kernel(lg_ref, w0_ref, w1_ref, p0_ref, p1_ref, sp_ref, g_ref):
    lg = lg_ref[...]
    colf = jax.lax.broadcasted_iota(jnp.int32, (S, E), 1).astype(jnp.float32)
    m1 = jnp.max(lg, axis=1, keepdims=True)
    a1 = jnp.min(jnp.where(lg == m1, colf, float(E)), axis=1, keepdims=True)
    masked = jnp.where(colf == a1, -jnp.inf, lg)
    m2 = jnp.max(masked, axis=1, keepdims=True)
    a2 = jnp.min(jnp.where(masked == m2, colf, float(E)), axis=1,
                 keepdims=True)
    z = jnp.exp(m2 - m1)
    w0_ref[...] = 1.0 / (1.0 + z)
    w1_ref[...] = z / (1.0 + z)

    one0 = (colf == a1).astype(jnp.float32)
    one1 = (colf == a2).astype(jnp.float32)
    ri = jax.lax.broadcasted_iota(jnp.int32, (S, S), 0)
    ci = jax.lax.broadcasted_iota(jnp.int32, (S, S), 1)
    tril = (ci < ri).astype(jnp.float32)
    excl0 = jnp.dot(tril, one0, preferred_element_type=jnp.float32)
    excl1 = jnp.dot(tril, one1, preferred_element_type=jnp.float32)
    cnt0 = jnp.sum(one0, axis=0, keepdims=True)
    cnt = cnt0 + jnp.sum(one1, axis=0, keepdims=True)
    pcnt = jnp.ceil(cnt * (1.0 / BLK)) * BLK
    eri = jax.lax.broadcasted_iota(jnp.int32, (E, E), 0)
    eci = jax.lax.broadcasted_iota(jnp.int32, (E, E), 1)
    etril = (eri < eci).astype(jnp.float32)
    poff = jnp.dot(pcnt, etril, preferred_element_type=jnp.float32)
    p0 = jnp.sum((poff + excl0) * one0, axis=1, keepdims=True)
    p1 = jnp.sum((poff + cnt0 + excl1) * one1, axis=1, keepdims=True)
    p0i = p0.astype(jnp.int32)
    p1i = p1.astype(jnp.int32)
    p0_ref[...] = p0i
    p1_ref[...] = p1i

    tcol = jax.lax.broadcasted_iota(jnp.int32, (S, BLK), 0)
    for b in range(NB):
        prange = b * BLK + jax.lax.broadcasted_iota(jnp.int32, (1, BLK), 1)
        g0 = jnp.sum(jnp.where(p0i == prange, tcol, 0), axis=0, keepdims=True)
        g1 = jnp.sum(jnp.where(p1i == prange, tcol, 0), axis=0, keepdims=True)
        g_ref[b] = g0 + g1

    ident = (eri == eci).astype(jnp.float32)
    pcnt_c = jnp.sum(ident * pcnt, axis=1, keepdims=True)
    poff_c = jnp.sum(ident * poff, axis=1, keepdims=True)
    bstart = jax.lax.broadcasted_iota(jnp.int32, (E, 32), 1
                                      ).astype(jnp.float32) * BLK
    within = jnp.logical_and(bstart >= poff_c, bstart < poff_c + pcnt_c)
    erow = jax.lax.broadcasted_iota(jnp.int32, (E, 32), 0).astype(jnp.float32)
    be = jnp.sum(jnp.where(within, erow, 0.0), axis=0, keepdims=True)
    used = jnp.sum(pcnt, axis=1, keepdims=True) * (1.0 / BLK)
    maxbe = jnp.max(be, axis=1, keepdims=True)
    bidx = jax.lax.broadcasted_iota(jnp.int32, (1, 32), 1).astype(jnp.float32)
    befix = jnp.where(bidx < used, be, maxbe)
    sp = jnp.concatenate([used, befix[:, :31]], axis=1)
    sp_ref[...] = sp.astype(jnp.int32)


def _expert_kernel(sp_ref, xg_ref, gu_ref, gub_ref, dn_ref, dnb_ref, out_ref):
    b = pl.program_id(0)

    @pl.when(b < sp_ref[0])
    def _():
        gu = (jnp.dot(xg_ref[...], gu_ref[0],
                      preferred_element_type=jnp.float32) + gub_ref[0])
        gate = gu[:, :FF]
        up = gu[:, FF:]
        gate = gate * jax.nn.sigmoid(1.702 * gate)
        act = (up + 1.0) * gate
        out_ref[...] = (jnp.dot(act, dn_ref[0],
                                preferred_element_type=jnp.float32)
                        + dnb_ref[0])


def _combine_kernel(hid_ref, b0_ref, b1_ref, w0_ref, w1_ref, out_ref):
    out_ref[...] = (hid_ref[...] + w0_ref[...] * b0_ref[...]
                    + w1_ref[...] * b1_ref[...])


def _sc_gather(table, idx, nrows, ncols, ch):
    b_per_w = nrows // NW
    nch = b_per_w // ch
    assert nch * ch == b_per_w
    mesh = plsc.VectorSubcoreMesh(core_axis_name="c", subcore_axis_name="s")

    @functools.partial(
        pl.kernel, mesh=mesh,
        out_type=jax.ShapeDtypeStruct((nrows, ncols), jnp.float32),
        scratch_types=[
            pltpu.VMEM((b_per_w,), jnp.int32),
            pltpu.VMEM((ch, ncols), jnp.float32),
            pltpu.VMEM((ch, ncols), jnp.float32),
            pltpu.SemaphoreType.DMA,
            pltpu.SemaphoreType.DMA,
            pltpu.SemaphoreType.DMA,
            pltpu.SemaphoreType.DMA,
        ],
    )
    def gather(table_hbm, idx_hbm, out_hbm, idx_v, rows0, rows1, g0, g1,
               w0, w1):
        wid = lax.axis_index("s") * NC + lax.axis_index("c")
        base = wid * b_per_w
        pltpu.sync_copy(idx_hbm.at[pl.ds(base, b_per_w)], idx_v)
        bufs = (rows0, rows1)
        gsem = (g0, g1)
        wsem = (w0, w1)

        def start_gather(c):
            pltpu.make_async_copy(
                table_hbm.at[idx_v.at[pl.ds(c * ch, ch)]],
                bufs[c % 2], gsem[c % 2]).start()

        start_gather(0)
        if nch > 1:
            start_gather(1)
        for c in range(nch):
            b = c % 2
            pltpu.make_async_copy(table_hbm.at[idx_v.at[pl.ds(0, ch)]],
                                  bufs[b], gsem[b]).wait()
            pltpu.make_async_copy(
                bufs[b], out_hbm.at[pl.ds(base + c * ch, ch)],
                wsem[b]).start()
            if c + 2 < nch:
                pltpu.make_async_copy(
                    bufs[b], out_hbm.at[pl.ds(base, ch)], wsem[b]).wait()
                start_gather(c + 2)
        for c in range(max(nch - 2, 0), nch):
            b = c % 2
            pltpu.make_async_copy(
                bufs[b], out_hbm.at[pl.ds(base, ch)], wsem[b]).wait()

    return gather(table, idx)


def kernel(hidden_states, position_ids, q_w, q_b, k_w, k_b, v_w, v_b, o_w, o_b,
           ln1_w, ln2_w, router_w, router_b, gate_up, gate_up_b, down, down_b):
    h = hidden_states.reshape(S, D)
    f32 = jnp.float32
    i32 = jnp.int32

    cos_q, sin_q = _rope_tables(H * HD)
    cos_k, sin_k = _rope_tables(KVH * HD)

    q, k, v = pl.pallas_call(
        _prologue_kernel,
        grid=(S // BS1,),
        in_specs=[
            pl.BlockSpec((BS1, D), lambda i: (i, 0)),
            pl.BlockSpec((1, D), lambda i: (0, 0)),
            pl.BlockSpec((D, H * HD), lambda i: (0, 0)),
            pl.BlockSpec((1, H * HD), lambda i: (0, 0)),
            pl.BlockSpec((D, KVH * HD), lambda i: (0, 0)),
            pl.BlockSpec((1, KVH * HD), lambda i: (0, 0)),
            pl.BlockSpec((D, KVH * HD), lambda i: (0, 0)),
            pl.BlockSpec((1, KVH * HD), lambda i: (0, 0)),
            pl.BlockSpec((BS1, H * HD), lambda i: (i, 0)),
            pl.BlockSpec((BS1, H * HD), lambda i: (i, 0)),
            pl.BlockSpec((BS1, KVH * HD), lambda i: (i, 0)),
            pl.BlockSpec((BS1, KVH * HD), lambda i: (i, 0)),
        ],
        out_specs=[
            pl.BlockSpec((BS1, H * HD), lambda i: (i, 0)),
            pl.BlockSpec((KVH, BS1, HD), lambda i: (0, i, 0)),
            pl.BlockSpec((KVH, BS1, HD), lambda i: (0, i, 0)),
        ],
        out_shape=[
            jax.ShapeDtypeStruct((S, H * HD), f32),
            jax.ShapeDtypeStruct((KVH, S, HD), f32),
            jax.ShapeDtypeStruct((KVH, S, HD), f32),
        ],
    )(h, ln1_w.reshape(1, D), q_w, q_b.reshape(1, -1), k_w, k_b.reshape(1, -1),
      v_w, v_b.reshape(1, -1), cos_q, sin_q, cos_k, sin_k)

    attn_flat = pl.pallas_call(
        _attn_kernel,
        grid=(H // 4, S // BQ),
        in_specs=[
            pl.BlockSpec((BQ, 4 * HD), lambda hp, sq: (sq, hp)),
            pl.BlockSpec((1, S, HD), lambda hp, sq: (hp, 0, 0)),
            pl.BlockSpec((1, S, HD), lambda hp, sq: (hp, 0, 0)),
        ],
        out_specs=pl.BlockSpec((BQ, 4 * HD), lambda hp, sq: (sq, hp)),
        out_shape=jax.ShapeDtypeStruct((S, H * HD), f32),
    )(q, k, v)

    hid, x2, logits = pl.pallas_call(
        _post_kernel,
        grid=(S // BS3,),
        in_specs=[
            pl.BlockSpec((BS3, H * HD), lambda i: (i, 0)),
            pl.BlockSpec((BS3, D), lambda i: (i, 0)),
            pl.BlockSpec((H * HD, D), lambda i: (0, 0)),
            pl.BlockSpec((1, D), lambda i: (0, 0)),
            pl.BlockSpec((1, D), lambda i: (0, 0)),
            pl.BlockSpec((D, E), lambda i: (0, 0)),
            pl.BlockSpec((1, E), lambda i: (0, 0)),
        ],
        out_specs=[
            pl.BlockSpec((BS3, D), lambda i: (i, 0)),
            pl.BlockSpec((BS3, D), lambda i: (i, 0)),
            pl.BlockSpec((BS3, E), lambda i: (i, 0)),
        ],
        out_shape=[
            jax.ShapeDtypeStruct((S, D), f32),
            jax.ShapeDtypeStruct((S, D), f32),
            jax.ShapeDtypeStruct((S, E), f32),
        ],
    )(attn_flat, h, o_w, o_b.reshape(1, D), ln2_w.reshape(1, D),
      router_w, router_b.reshape(1, E))

    w0, w1, p0, p1, sp, g = pl.pallas_call(
        _routing_kernel,
        out_shape=[
            jax.ShapeDtypeStruct((S, 1), f32),
            jax.ShapeDtypeStruct((S, 1), f32),
            jax.ShapeDtypeStruct((S, 1), i32),
            jax.ShapeDtypeStruct((S, 1), i32),
            jax.ShapeDtypeStruct((1, 32), i32),
            jax.ShapeDtypeStruct((NB, 1, BLK), i32),
        ],
    )(logits)

    xg = _sc_gather(x2, g.reshape(PADTOT), PADTOT, D, 48)

    eo = pl.pallas_call(
        _expert_kernel,
        grid_spec=pltpu.PrefetchScalarGridSpec(
            num_scalar_prefetch=1,
            grid=(NB,),
            in_specs=[
                pl.BlockSpec((BLK, D), lambda b, sp_r: (b, 0)),
                pl.BlockSpec((1, D, 2 * FF), lambda b, sp_r: (sp_r[1 + b], 0, 0)),
                pl.BlockSpec((1, 1, 2 * FF), lambda b, sp_r: (sp_r[1 + b], 0, 0)),
                pl.BlockSpec((1, FF, D), lambda b, sp_r: (sp_r[1 + b], 0, 0)),
                pl.BlockSpec((1, 1, D), lambda b, sp_r: (sp_r[1 + b], 0, 0)),
            ],
            out_specs=pl.BlockSpec((BLK, D), lambda b, sp_r: (b, 0)),
        ),
        out_shape=jax.ShapeDtypeStruct((PADTOT, D), f32),
        compiler_params=pltpu.CompilerParams(
            dimension_semantics=("arbitrary",)),
    )(sp.reshape(32), xg, gate_up, gate_up_b.reshape(E, 1, 2 * FF), down,
      down_b.reshape(E, 1, D))

    pidx = jnp.concatenate([p0.reshape(S), p1.reshape(S)])
    buf = _sc_gather(eo, pidx, 2 * S, D, 32)

    final = pl.pallas_call(
        _combine_kernel,
        grid=(S // BS3,),
        in_specs=[
            pl.BlockSpec((BS3, D), lambda i: (i, 0)),
            pl.BlockSpec((BS3, D), lambda i: (i, 0)),
            pl.BlockSpec((BS3, D), lambda i: (i, 0)),
            pl.BlockSpec((BS3, 1), lambda i: (i, 0)),
            pl.BlockSpec((BS3, 1), lambda i: (i, 0)),
        ],
        out_specs=pl.BlockSpec((BS3, D), lambda i: (i, 0)),
        out_shape=jax.ShapeDtypeStruct((S, D), f32),
    )(hid, buf[:S], buf[S:], w0, w1)

    return final.reshape(B, S, D)

# --- scband reference (transcript-rebuilt; emitter-appended) ---
"""Pipeline reference for scband-hfdecoder-layer-29686813950452 (READ-ONLY COPY).

The authoritative reference and input builder live on the scoring server;
editing this copy changes nothing except your own understanding.
"""

import jax, jax.numpy as jnp
import numpy as np

B, S, D = 1, 2048, 1024
H, KVH, HD = 16, 4, 64
FF, E, TOPK = 1024, 8, 2
EPS = 1e-5
THETA = 150000.0

def _k(i):
    return jax.random.fold_in(jax.random.key(0), i)

def setup_inputs():
    s = 0.02
    inp = {}
    inp['hidden_states'] = jax.random.normal(_k(0), (B, S, D), dtype=jnp.float32)
    inp['position_ids'] = jnp.arange(S, dtype=jnp.int32).reshape(1, S)
    inp['q_w'] = jax.random.normal(_k(1), (D, H * HD), dtype=jnp.float32) * s
    inp['q_b'] = jnp.zeros((H * HD,), dtype=jnp.float32)
    inp['k_w'] = jax.random.normal(_k(2), (D, KVH * HD), dtype=jnp.float32) * s
    inp['k_b'] = jnp.zeros((KVH * HD,), dtype=jnp.float32)
    inp['v_w'] = jax.random.normal(_k(3), (D, KVH * HD), dtype=jnp.float32) * s
    inp['v_b'] = jnp.zeros((KVH * HD,), dtype=jnp.float32)
    inp['o_w'] = jax.random.normal(_k(4), (H * HD, D), dtype=jnp.float32) * s
    inp['o_b'] = jnp.zeros((D,), dtype=jnp.float32)
    inp['ln1_w'] = jnp.ones((D,), dtype=jnp.float32)
    inp['ln2_w'] = jnp.ones((D,), dtype=jnp.float32)
    inp['router_w'] = jax.random.normal(_k(5), (D, E), dtype=jnp.float32) * s
    inp['router_b'] = jnp.zeros((E,), dtype=jnp.float32)
    inp['gate_up'] = jax.random.normal(_k(6), (E, D, 2 * FF), dtype=jnp.float32) * s
    inp['gate_up_b'] = jnp.zeros((E, 2 * FF), dtype=jnp.float32)
    inp['down'] = jax.random.normal(_k(7), (E, FF, D), dtype=jnp.float32) * s
    inp['down_b'] = jnp.zeros((E, D), dtype=jnp.float32)
    return inp

def rotate_half(x):
    x1 = x[..., : x.shape[-1] // 2]
    x2 = x[..., x.shape[-1] // 2 :]
    return jnp.concatenate((-x2, x1), axis=-1)

def rmsnorm(x, w):
    var = jnp.mean(x * x, axis=-1, keepdims=True)
    return w * (x * jax.lax.rsqrt(var + EPS))

def _forward(hidden_states, position_ids, q_w, q_b, k_w, k_b, v_w, v_b, o_w, o_b, ln1_w, ln2_w, router_w, router_b, gate_up, gate_up_b, down, down_b):
    residual = hidden_states
    x = rmsnorm(hidden_states, ln1_w)
    q = (x @ q_w + q_b).reshape(B, S, H, HD).transpose(0, 2, 1, 3)
    k = (x @ k_w + k_b).reshape(B, S, KVH, HD).transpose(0, 2, 1, 3)
    v = (x @ v_w + v_b).reshape(B, S, KVH, HD).transpose(0, 2, 1, 3)
    inv_freq = 1.0 / (THETA ** (jnp.arange(0, HD, 2, dtype=jnp.float32) / HD))
    pos = position_ids.reshape(-1).astype(jnp.float32)
    freqs = jnp.outer(pos, inv_freq)
    emb = jnp.concatenate((freqs, freqs), axis=-1)
    cos = jnp.cos(emb)[None, None, :, :]
    sin = jnp.sin(emb)[None, None, :, :]
    q = q * cos + rotate_half(q) * sin
    k = k * cos + rotate_half(k) * sin
    k = jnp.repeat(k, H // KVH, axis=1)
    v = jnp.repeat(v, H // KVH, axis=1)
    attn = jnp.matmul(q, k.transpose(0, 1, 3, 2)) / np.sqrt(HD).astype(np.float32)
    attn = jax.nn.softmax(attn, axis=-1)
    out = jnp.matmul(attn, v).transpose(0, 2, 1, 3).reshape(B, S, H * HD)
    attn_out = out @ o_w + o_b
    hidden = residual + attn_out
    residual2 = hidden
    x2 = rmsnorm(hidden, ln2_w)
    flat = x2.reshape(-1, D)
    logits = flat @ router_w + router_b
    rw, sel = jax.lax.top_k(logits, TOPK)
    rw = jax.nn.softmax(rw, axis=-1)
    final = jnp.zeros_like(flat)
    for e in range(E):
        ew = jnp.sum(rw * (sel == e).astype(flat.dtype), axis=-1)
        gu = flat @ gate_up[e] + gate_up_b[e]
        gate, up = gu[:, :FF], gu[:, FF:]
        gate = gate * jax.nn.sigmoid(1.702 * gate)
        act = (up + 1.0) * gate
        eo = act @ down[e] + down_b[e]
        final = final + eo * ew[:, None]
    moe_out = final.reshape(B, S, D)
    return residual2 + moe_out

def reference(hidden_states, position_ids, q_w, q_b, k_w, k_b, v_w, v_b, o_w, o_b, ln1_w, ln2_w, router_w, router_b, gate_up, gate_up_b, down, down_b):
    return _forward(hidden_states, position_ids, q_w, q_b, k_w, k_b, v_w, v_b, o_w, o_b, ln1_w, ln2_w, router_w, router_b, gate_up, gate_up_b, down, down_b)

if __name__ == "__main__":
    import jax
    _d = setup_inputs()
    print(jax.jit(kernel)(*tuple(_d.values())))

</pallas_src>

<mosaic_0001>
#map = affine_map<(d0, d1) -> (0, 0)>
#map1 = affine_map<(d0, d1) -> (0)>
module attributes {stable_mosaic.version = 14 : i64} {
  func.func @gather(%arg0: i32, %arg1: i32, %arg2: memref<6144x1024xf32, #tpu.memory_space<hbm>>, %arg3: memref<4096xi32, #tpu.memory_space<hbm>>, %arg4: memref<4096x1024xf32, #tpu.memory_space<hbm>>, %arg5: memref<128xi32, #tpu.memory_space<vmem>>, %arg6: memref<32x1024xf32, #tpu.memory_space<vmem>>, %arg7: memref<32x1024xf32, #tpu.memory_space<vmem>>, %arg8: memref<!tpu.dma_semaphore, #tpu.memory_space<semaphore_mem>>, %arg9: memref<!tpu.dma_semaphore, #tpu.memory_space<semaphore_mem>>, %arg10: memref<!tpu.dma_semaphore, #tpu.memory_space<semaphore_mem>>, %arg11: memref<!tpu.dma_semaphore, #tpu.memory_space<semaphore_mem>>) attributes {dimension_semantics = [#tpu.dimension_semantics<core_parallel>, #tpu.dimension_semantics<subcore_parallel>], iteration_bounds = array<i64: 2, 16>, scalar_prefetch = 0 : i64, scratch_operands = 7 : i64, tpu.core_type = #tpu.core_type<sc_vector_subcore>, window_params = [{transform_indices = #map}, {transform_indices = #map1}, {transform_indices = #map}]} {
    %mul3A = arith.constant 2 : i32
    %mul3A_0 = arith.muli %arg1, %mul3A : i32
    %add3A = arith.addi %mul3A_0, %arg0 : i32
    %mul3A_1 = arith.constant 128 : i32
    %mul3A_2 = arith.muli %add3A, %mul3A_1 : i32
    "tpu.region"() ({
      %run_scoped3A = tpu.sem_alloc : memref<!tpu.dma_semaphore, #tpu.memory_space<semaphore_mem>>
      %dma_start3A_81 = tpu.memref_slice %arg3[%mul3A_2] : memref<4096xi32, #tpu.memory_space<hbm>> -> memref<128xi32, #tpu.memory_space<hbm>>
      %dma_start3A_82 = tpu.memref_slice %arg3[%mul3A_2] : memref<4096xi32, #tpu.memory_space<hbm>> -> memref<128xi32, #tpu.memory_space<hbm>>
      tpu.enqueue_dma source(%dma_start3A_82 : memref<128xi32, #tpu.memory_space<hbm>>) target(%arg5 : memref<128xi32, #tpu.memory_space<vmem>>) target_semaphore(%run_scoped3A : memref<!tpu.dma_semaphore, #tpu.memory_space<semaphore_mem>>)
      %dma_wait3A_83 = tpu.memref_slice %arg3[%mul3A_2] : memref<4096xi32, #tpu.memory_space<hbm>> -> memref<128xi32, #tpu.memory_space<hbm>>
      %dma_wait3A_84 = tpu.memref_slice %arg3[%mul3A_2] : memref<4096xi32, #tpu.memory_space<hbm>> -> memref<128xi32, #tpu.memory_space<hbm>>
      tpu.wait_dma2 semaphore(%run_scoped3A : memref<!tpu.dma_semaphore, #tpu.memory_space<semaphore_mem>>) src(%dma_wait3A_84 : memref<128xi32, #tpu.memory_space<hbm>>) dst(%arg5 : memref<128xi32, #tpu.memory_space<vmem>>)
      tpu.yield
    }) : () -> ()
    %dma_start3A = arith.constant 0 : i32
    %dma_start3A_3 = tpu.memref_slice %arg5[%dma_start3A] : memref<128xi32, #tpu.memory_space<vmem>> -> memref<32xi32, #tpu.memory_space<vmem>>
    %dma_start3A_4 = arith.constant 0 : i32
    %dma_start3A_5 = arith.constant 0 : i32
    %dma_start3A_6 = tpu.memref_slice %arg2[%dma_start3A_4, %dma_start3A_5] : memref<6144x1024xf32, #tpu.memory_space<hbm>> -> memref<6144x1024xf32, #tpu.memory_space<hbm>>
    tpu.enqueue_indirect_dma source(%dma_start3A_6 : memref<6144x1024xf32, #tpu.memory_space<hbm>>) target(%arg6 : memref<32x1024xf32, #tpu.memory_space<vmem>>) offsets(%dma_start3A_3 : memref<32xi32, #tpu.memory_space<vmem>>) semaphore(%arg8 : memref<!tpu.dma_semaphore, #tpu.memory_space<semaphore_mem>>)
    %dma_start3A_7 = arith.constant 32 : i32
    %dma_start3A_8 = tpu.memref_slice %arg5[%dma_start3A_7] : memref<128xi32, #tpu.memory_space<vmem>> -> memref<32xi32, #tpu.memory_space<vmem>>
    %dma_start3A_9 = arith.constant 0 : i32
    %dma_start3A_10 = arith.constant 0 : i32
    %dma_start3A_11 = tpu.memref_slice %arg2[%dma_start3A_9, %dma_start3A_10] : memref<6144x1024xf32, #tpu.memory_space<hbm>> -> memref<6144x1024xf32, #tpu.memory_space<hbm>>
    tpu.enqueue_indirect_dma source(%dma_start3A_11 : memref<6144x1024xf32, #tpu.memory_space<hbm>>) target(%arg7 : memref<32x1024xf32, #tpu.memory_space<vmem>>) offsets(%dma_start3A_8 : memref<32xi32, #tpu.memory_space<vmem>>) semaphore(%arg9 : memref<!tpu.dma_semaphore, #tpu.memory_space<semaphore_mem>>)
    %dma_wait3A = arith.constant 0 : i32
    %dma_wait3A_12 = tpu.memref_slice %arg5[%dma_wait3A] : memref<128xi32, #tpu.memory_space<vmem>> -> memref<32xi32, #tpu.memory_space<vmem>>
    %dma_wait3A_13 = arith.constant 0 : i32
    %dma_wait3A_14 = arith.constant 0 : i32
    %dma_wait3A_15 = tpu.memref_slice %arg2[%dma_wait3A_13, %dma_wait3A_14] : memref<6144x1024xf32, #tpu.memory_space<hbm>> -> memref<6144x1024xf32, #tpu.memory_space<hbm>>
    tpu.wait_indirect_dma semaphore(%arg8 : memref<!tpu.dma_semaphore, #tpu.memory_space<semaphore_mem>>) src(%dma_wait3A_15 : memref<6144x1024xf32, #tpu.memory_space<hbm>>) dst(%arg6 : memref<32x1024xf32, #tpu.memory_space<vmem>>)
    %add3A_16 = arith.constant 0 : i32
    %add3A_17 = arith.addi %mul3A_2, %add3A_16 : i32
    %dma_start3A_18 = arith.constant 0 : i32
    %dma_start3A_19 = tpu.memref_slice %arg4[%add3A_17, %dma_start3A_18] : memref<4096x1024xf32, #tpu.memory_space<hbm>> -> memref<32x1024xf32, #tpu.memory_space<hbm>>
    %dma_start3A_20 = arith.constant 0 : i32
    %dma_start3A_21 = tpu.memref_slice %arg4[%add3A_17, %dma_start3A_20] : memref<4096x1024xf32, #tpu.memory_space<hbm>> -> memref<32x1024xf32, #tpu.memory_space<hbm>>
    tpu.enqueue_dma source(%arg6 : memref<32x1024xf32, #tpu.memory_space<vmem>>) target(%dma_start3A_21 : memref<32x1024xf32, #tpu.memory_space<hbm>>) target_semaphore(%arg10 : memref<!tpu.dma_semaphore, #tpu.memory_space<semaphore_mem>>)
    %dma_wait3A_22 = arith.constant 0 : i32
    %dma_wait3A_23 = tpu.memref_slice %arg4[%mul3A_2, %dma_wait3A_22] : memref<4096x1024xf32, #tpu.memory_space<hbm>> -> memref<32x1024xf32, #tpu.memory_space<hbm>>
    %dma_wait3A_24 = arith.constant 0 : i32
    %dma_wait3A_25 = tpu.memref_slice %arg4[%mul3A_2, %dma_wait3A_24] : memref<4096x1024xf32, #tpu.memory_space<hbm>> -> memref<32x1024xf32, #tpu.memory_space<hbm>>
    tpu.wait_dma2 semaphore(%arg10 : memref<!tpu.dma_semaphore, #tpu.memory_space<semaphore_mem>>) src(%arg6 : memref<32x1024xf32, #tpu.memory_space<vmem>>) dst(%dma_wait3A_25 : memref<32x1024xf32, #tpu.memory_space<hbm>>)
    %dma_start3A_26 = arith.constant 64 : i32
    %dma_start3A_27 = tpu.memref_slice %arg5[%dma_start3A_26] : memref<128xi32, #tpu.memory_space<vmem>> -> memref<32xi32, #tpu.memory_space<vmem>>
    %dma_start3A_28 = arith.constant 0 : i32
    %dma_start3A_29 = arith.constant 0 : i32
    %dma_start3A_30 = tpu.memref_slice %arg2[%dma_start3A_28, %dma_start3A_29] : memref<6144x1024xf32, #tpu.memory_space<hbm>> -> memref<6144x1024xf32, #tpu.memory_space<hbm>>
    tpu.enqueue_indirect_dma source(%dma_start3A_30 : memref<6144x1024xf32, #tpu.memory_space<hbm>>) target(%arg6 : memref<32x1024xf32, #tpu.memory_space<vmem>>) offsets(%dma_start3A_27 : memref<32xi32, #tpu.memory_space<vmem>>) semaphore(%arg8 : memref<!tpu.dma_semaphore, #tpu.memory_space<semaphore_mem>>)
    %dma_wait3A_31 = arith.constant 0 : i32
    %dma_wait3A_32 = tpu.memref_slice %arg5[%dma_wait3A_31] : memref<128xi32, #tpu.memory_space<vmem>> -> memref<32xi32, #tpu.memory_space<vmem>>
    %dma_wait3A_33 = arith.constant 0 : i32
    %dma_wait3A_34 = arith.constant 0 : i32
    %dma_wait3A_35 = tpu.memref_slice %arg2[%dma_wait3A_33, %dma_wait3A_34] : memref<6144x1024xf32, #tpu.memory_space<hbm>> -> memref<6144x1024xf32, #tpu.memory_space<hbm>>
    tpu.wait_indirect_dma semaphore(%arg9 : memref<!tpu.dma_semaphore, #tpu.memory_space<semaphore_mem>>) src(%dma_wait3A_35 : memref<6144x1024xf32, #tpu.memory_space<hbm>>) dst(%arg7 : memref<32x1024xf32, #tpu.memory_space<vmem>>)
    %add3A_36 = arith.constant 32 : i32
    %add3A_37 = arith.addi %mul3A_2, %add3A_36 : i32
    %dma_start3A_38 = arith.constant 0 : i32
    %dma_start3A_39 = tpu.memref_slice %arg4[%add3A_37, %dma_start3A_38] : memref<4096x1024xf32, #tpu.memory_space<hbm>> -> memref<32x1024xf32, #tpu.memory_space<hbm>>
    %dma_start3A_40 = arith.constant 0 : i32
    %dma_start3A_41 = tpu.memref_slice %arg4[%add3A_37, %dma_start3A_40] : memref<4096x1024xf32, #tpu.memory_space<hbm>> -> memref<32x1024xf32, #tpu.memory_space<hbm>>
    tpu.enqueue_dma source(%arg7 : memref<32x1024xf32, #tpu.memory_space<vmem>>) target(%dma_start3A_41 : memref<32x1024xf32, #tpu.memory_space<hbm>>) target_semaphore(%arg11 : memref<!tpu.dma_semaphore, #tpu.memory_space<semaphore_mem>>)
    %dma_wait3A_42 = arith.constant 0 : i32
    %dma_wait3A_43 = tpu.memref_slice %arg4[%mul3A_2, %dma_wait3A_42] : memref<4096x1024xf32, #tpu.memory_space<hbm>> -> memref<32x1024xf32, #tpu.memory_space<hbm>>
    %dma_wait3A_44 = arith.constant 0 : i32
    %dma_wait3A_45 = tpu.memref_slice %arg4[%mul3A_2, %dma_wait3A_44] : memref<4096x1024xf32, #tpu.memory_space<hbm>> -> memref<32x1024xf32, #tpu.memory_space<hbm>>
    tpu.wait_dma2 semaphore(%arg11 : memref<!tpu.dma_semaphore, #tpu.memory_space<semaphore_mem>>) src(%arg7 : memref<32x1024xf32, #tpu.memory_space<vmem>>) dst(%dma_wait3A_45 : memref<32x1024xf32, #tpu.memory_space<hbm>>)
    %dma_start3A_46 = arith.constant 96 : i32
    %dma_start3A_47 = tpu.memref_slice %arg5[%dma_start3A_46] : memref<128xi32, #tpu.memory_space<vmem>> -> memref<32xi32, #tpu.memory_space<vmem>>
    %dma_start3A_48 = arith.constant 0 : i32
    %dma_start3A_49 = arith.constant 0 : i32
    %dma_start3A_50 = tpu.memref_slice %arg2[%dma_start3A_48, %dma_start3A_49] : memref<6144x1024xf32, #tpu.memory_space<hbm>> -> memref<6144x1024xf32, #tpu.memory_space<hbm>>
    tpu.enqueue_indirect_dma source(%dma_start3A_50 : memref<6144x1024xf32, #tpu.memory_space<hbm>>) target(%arg7 : memref<32x1024xf32, #tpu.memory_space<vmem>>) offsets(%dma_start3A_47 : memref<32xi32, #tpu.memory_space<vmem>>) semaphore(%arg9 : memref<!tpu.dma_semaphore, #tpu.memory_space<semaphore_mem>>)
    %dma_wait3A_51 = arith.constant 0 : i32
    %dma_wait3A_52 = tpu.memref_slice %arg5[%dma_wait3A_51] : memref<128xi32, #tpu.memory_space<vmem>> -> memref<32xi32, #tpu.memory_space<vmem>>
    %dma_wait3A_53 = arith.constant 0 : i32
    %dma_wait3A_54 = arith.constant 0 : i32
    %dma_wait3A_55 = tpu.memref_slice %arg2[%dma_wait3A_53, %dma_wait3A_54] : memref<6144x1024xf32, #tpu.memory_space<hbm>> -> memref<6144x1024xf32, #tpu.memory_space<hbm>>
    tpu.wait_indirect_dma semaphore(%arg8 : memref<!tpu.dma_semaphore, #tpu.memory_space<semaphore_mem>>) src(%dma_wait3A_55 : memref<6144x1024xf32, #tpu.memory_space<hbm>>) dst(%arg6 : memref<32x1024xf32, #tpu.memory_space<vmem>>)
    %add3A_56 = arith.constant 64 : i32
    %add3A_57 = arith.addi %mul3A_2, %add3A_56 : i32
    %dma_start3A_58 = arith.constant 0 : i32
    %dma_start3A_59 = tpu.memref_slice %arg4[%add3A_57, %dma_start3A_58] : memref<4096x1024xf32, #tpu.memory_space<hbm>> -> memref<32x1024xf32, #tpu.memory_space<hbm>>
    %dma_start3A_60 = arith.constant 0 : i32
    %dma_start3A_61 = tpu.memref_slice %arg4[%add3A_57, %dma_start3A_60] : memref<4096x1024xf32, #tpu.memory_space<hbm>> -> memref<32x1024xf32, #tpu.memory_space<hbm>>
    tpu.enqueue_dma source(%arg6 : memref<32x1024xf32, #tpu.memory_space<vmem>>) target(%dma_start3A_61 : memref<32x1024xf32, #tpu.memory_space<hbm>>) target_semaphore(%arg10 : memref<!tpu.dma_semaphore, #tpu.memory_space<semaphore_mem>>)
    %dma_wait3A_62 = arith.constant 0 : i32
    %dma_wait3A_63 = tpu.memref_slice %arg5[%dma_wait3A_62] : memref<128xi32, #tpu.memory_space<vmem>> -> memref<32xi32, #tpu.memory_space<vmem>>
    %dma_wait3A_64 = arith.constant 0 : i32
    %dma_wait3A_65 = arith.constant 0 : i32
    %dma_wait3A_66 = tpu.memref_slice %arg2[%dma_wait3A_64, %dma_wait3A_65] : memref<6144x1024xf32, #tpu.memory_space<hbm>> -> memref<6144x1024xf32, #tpu.memory_space<hbm>>
    tpu.wait_indirect_dma semaphore(%arg9 : memref<!tpu.dma_semaphore, #tpu.memory_space<semaphore_mem>>) src(%dma_wait3A_66 : memref<6144x1024xf32, #tpu.memory_space<hbm>>) dst(%arg7 : memref<32x1024xf32, #tpu.memory_space<vmem>>)
    %add3A_67 = arith.constant 96 : i32
    %add3A_68 = arith.addi %mul3A_2, %add3A_67 : i32
    %dma_start3A_69 = arith.constant 0 : i32
    %dma_start3A_70 = tpu.memref_slice %arg4[%add3A_68, %dma_start3A_69] : memref<4096x1024xf32, #tpu.memory_space<hbm>> -> memref<32x1024xf32, #tpu.memory_space<hbm>>
    %dma_start3A_71 = arith.constant 0 : i32
    %dma_start3A_72 = tpu.memref_slice %arg4[%add3A_68, %dma_start3A_71] : memref<4096x1024xf32, #tpu.memory_space<hbm>> -> memref<32x1024xf32, #tpu.memory_space<hbm>>
    tpu.enqueue_dma source(%arg7 : memref<32x1024xf32, #tpu.memory_space<vmem>>) target(%dma_start3A_72 : memref<32x1024xf32, #tpu.memory_space<hbm>>) target_semaphore(%arg11 : memref<!tpu.dma_semaphore, #tpu.memory_space<semaphore_mem>>)
    %dma_wait3A_73 = arith.constant 0 : i32
    %dma_wait3A_74 = tpu.memref_slice %arg4[%mul3A_2, %dma_wait3A_73] : memref<4096x1024xf32, #tpu.memory_space<hbm>> -> memref<32x1024xf32, #tpu.memory_space<hbm>>
    %dma_wait3A_75 = arith.constant 0 : i32
    %dma_wait3A_76 = tpu.memref_slice %arg4[%mul3A_2, %dma_wait3A_75] : memref<4096x1024xf32, #tpu.memory_space<hbm>> -> memref<32x1024xf32, #tpu.memory_space<hbm>>
    tpu.wait_dma2 semaphore(%arg10 : memref<!tpu.dma_semaphore, #tpu.memory_space<semaphore_mem>>) src(%arg6 : memref<32x1024xf32, #tpu.memory_space<vmem>>) dst(%dma_wait3A_76 : memref<32x1024xf32, #tpu.memory_space<hbm>>)
    %dma_wait3A_77 = arith.constant 0 : i32
    %dma_wait3A_78 = tpu.memref_slice %arg4[%mul3A_2, %dma_wait3A_77] : memref<4096x1024xf32, #tpu.memory_space<hbm>> -> memref<32x1024xf32, #tpu.memory_space<hbm>>
    %dma_wait3A_79 = arith.constant 0 : i32
    %dma_wait3A_80 = tpu.memref_slice %arg4[%mul3A_2, %dma_wait3A_79] : memref<4096x1024xf32, #tpu.memory_space<hbm>> -> memref<32x1024xf32, #tpu.memory_space<hbm>>
    tpu.wait_dma2 semaphore(%arg11 : memref<!tpu.dma_semaphore, #tpu.memory_space<semaphore_mem>>) src(%arg7 : memref<32x1024xf32, #tpu.memory_space<vmem>>) dst(%dma_wait3A_80 : memref<32x1024xf32, #tpu.memory_space<hbm>>)
    return
  }
}

#map = affine_map<(d0, d1) -> (0, 0)>
#map1 = affine_map<(d0, d1) -> (0)>
module attributes {stable_mosaic.version = 14 : i64} {
  func.func @gather(%arg0: i32, %arg1: i32, %arg2: memref<2048x1024xf32, #tpu.memory_space<hbm>>, %arg3: memref<6144xi32, #tpu.memory_space<hbm>>, %arg4: memref<6144x1024xf32, #tpu.memory_space<hbm>>, %arg5: memref<192xi32, #tpu.memory_space<vmem>>, %arg6: memref<48x1024xf32, #tpu.memory_space<vmem>>, %arg7: memref<48x1024xf32, #tpu.memory_space<vmem>>, %arg8: memref<!tpu.dma_semaphore, #tpu.memory_space<semaphore_mem>>, %arg9: memref<!tpu.dma_semaphore, #tpu.memory_space<semaphore_mem>>, %arg10: memref<!tpu.dma_semaphore, #tpu.memory_space<semaphore_mem>>, %arg11: memref<!tpu.dma_semaphore, #tpu.memory_space<semaphore_mem>>) attributes {dimension_semantics = [#tpu.dimension_semantics<core_parallel>, #tpu.dimension_semantics<subcore_parallel>], iteration_bounds = array<i64: 2, 16>, scalar_prefetch = 0 : i64, scratch_operands = 7 : i64, tpu.core_type = #tpu.core_type<sc_vector_subcore>, window_params = [{transform_indices = #map}, {transform_indices = #map1}, {transform_indices = #map}]} {
    %mul3A = arith.constant 2 : i32
    %mul3A_0 = arith.muli %arg1, %mul3A : i32
    %add3A = arith.addi %mul3A_0, %arg0 : i32
    %mul3A_1 = arith.constant 192 : i32
    %mul3A_2 = arith.muli %add3A, %mul3A_1 : i32
    "tpu.region"() ({
      %run_scoped3A = tpu.sem_alloc : memref<!tpu.dma_semaphore, #tpu.memory_space<semaphore_mem>>
      %dma_start3A_81 = tpu.memref_slice %arg3[%mul3A_2] : memref<6144xi32, #tpu.memory_space<hbm>> -> memref<192xi32, #tpu.memory_space<hbm>>
      %dma_start3A_82 = tpu.memref_slice %arg3[%mul3A_2] : memref<6144xi32, #tpu.memory_space<hbm>> -> memref<192xi32, #tpu.memory_space<hbm>>
      tpu.enqueue_dma source(%dma_start3A_82 : memref<192xi32, #tpu.memory_space<hbm>>) target(%arg5 : memref<192xi32, #tpu.memory_space<vmem>>) target_semaphore(%run_scoped3A : memref<!tpu.dma_semaphore, #tpu.memory_space<semaphore_mem>>)
      %dma_wait3A_83 = tpu.memref_slice %arg3[%mul3A_2] : memref<6144xi32, #tpu.memory_space<hbm>> -> memref<192xi32, #tpu.memory_space<hbm>>
      %dma_wait3A_84 = tpu.memref_slice %arg3[%mul3A_2] : memref<6144xi32, #tpu.memory_space<hbm>> -> memref<192xi32, #tpu.memory_space<hbm>>
      tpu.wait_dma2 semaphore(%run_scoped3A : memref<!tpu.dma_semaphore, #tpu.memory_space<semaphore_mem>>) src(%dma_wait3A_84 : memref<192xi32, #tpu.memory_space<hbm>>) dst(%arg5 : memref<192xi32, #tpu.memory_space<vmem>>)
      tpu.yield
    }) : () -> ()
    %dma_start3A = arith.constant 0 : i32
    %dma_start3A_3 = tpu.memref_slice %arg5[%dma_start3A] : memref<192xi32, #tpu.memory_space<vmem>> -> memref<48xi32, #tpu.memory_space<vmem>>
    %dma_start3A_4 = arith.constant 0 : i32
    %dma_start3A_5 = arith.constant 0 : i32
    %dma_start3A_6 = tpu.memref_slice %arg2[%dma_start3A_4, %dma_start3A_5] : memref<2048x1024xf32, #tpu.memory_space<hbm>> -> memref<2048x1024xf32, #tpu.memory_space<hbm>>
    tpu.enqueue_indirect_dma source(%dma_start3A_6 : memref<2048x1024xf32, #tpu.memory_space<hbm>>) target(%arg6 : memref<48x1024xf32, #tpu.memory_space<vmem>>) offsets(%dma_start3A_3 : memref<48xi32, #tpu.memory_space<vmem>>) semaphore(%arg8 : memref<!tpu.dma_semaphore, #tpu.memory_space<semaphore_mem>>)
    %dma_start3A_7 = arith.constant 48 : i32
    %dma_start3A_8 = tpu.memref_slice %arg5[%dma_start3A_7] : memref<192xi32, #tpu.memory_space<vmem>> -> memref<48xi32, #tpu.memory_space<vmem>>
    %dma_start3A_9 = arith.constant 0 : i32
    %dma_start3A_10 = arith.constant 0 : i32
    %dma_start3A_11 = tpu.memref_slice %arg2[%dma_start3A_9, %dma_start3A_10] : memref<2048x1024xf32, #tpu.memory_space<hbm>> -> memref<2048x1024xf32, #tpu.memory_space<hbm>>
    tpu.enqueue_indirect_dma source(%dma_start3A_11 : memref<2048x1024xf32, #tpu.memory_space<hbm>>) target(%arg7 : memref<48x1024xf32, #tpu.memory_space<vmem>>) offsets(%dma_start3A_8 : memref<48xi32, #tpu.memory_space<vmem>>) semaphore(%arg9 : memref<!tpu.dma_semaphore, #tpu.memory_space<semaphore_mem>>)
    %dma_wait3A = arith.constant 0 : i32
    %dma_wait3A_12 = tpu.memref_slice %arg5[%dma_wait3A] : memref<192xi32, #tpu.memory_space<vmem>> -> memref<48xi32, #tpu.memory_space<vmem>>
    %dma_wait3A_13 = arith.constant 0 : i32
    %dma_wait3A_14 = arith.constant 0 : i32
    %dma_wait3A_15 = tpu.memref_slice %arg2[%dma_wait3A_13, %dma_wait3A_14] : memref<2048x1024xf32, #tpu.memory_space<hbm>> -> memref<2048x1024xf32, #tpu.memory_space<hbm>>
    tpu.wait_indirect_dma semaphore(%arg8 : memref<!tpu.dma_semaphore, #tpu.memory_space<semaphore_mem>>) src(%dma_wait3A_15 : memref<2048x1024xf32, #tpu.memory_space<hbm>>) dst(%arg6 : memref<48x1024xf32, #tpu.memory_space<vmem>>)
    %add3A_16 = arith.constant 0 : i32
    %add3A_17 = arith.addi %mul3A_2, %add3A_16 : i32
    %dma_start3A_18 = arith.constant 0 : i32
    %dma_start3A_19 = tpu.memref_slice %arg4[%add3A_17, %dma_start3A_18] : memref<6144x1024xf32, #tpu.memory_space<hbm>> -> memref<48x1024xf32, #tpu.memory_space<hbm>>
    %dma_start3A_20 = arith.constant 0 : i32
    %dma_start3A_21 = tpu.memref_slice %arg4[%add3A_17, %dma_start3A_20] : memref<6144x1024xf32, #tpu.memory_space<hbm>> -> memref<48x1024xf32, #tpu.memory_space<hbm>>
    tpu.enqueue_dma source(%arg6 : memref<48x1024xf32, #tpu.memory_space<vmem>>) target(%dma_start3A_21 : memref<48x1024xf32, #tpu.memory_space<hbm>>) target_semaphore(%arg10 : memref<!tpu.dma_semaphore, #tpu.memory_space<semaphore_mem>>)
    %dma_wait3A_22 = arith.constant 0 : i32
    %dma_wait3A_23 = tpu.memref_slice %arg4[%mul3A_2, %dma_wait3A_22] : memref<6144x1024xf32, #tpu.memory_space<hbm>> -> memref<48x1024xf32, #tpu.memory_space<hbm>>
    %dma_wait3A_24 = arith.constant 0 : i32
    %dma_wait3A_25 = tpu.memref_slice %arg4[%mul3A_2, %dma_wait3A_24] : memref<6144x1024xf32, #tpu.memory_space<hbm>> -> memref<48x1024xf32, #tpu.memory_space<hbm>>
    tpu.wait_dma2 semaphore(%arg10 : memref<!tpu.dma_semaphore, #tpu.memory_space<semaphore_mem>>) src(%arg6 : memref<48x1024xf32, #tpu.memory_space<vmem>>) dst(%dma_wait3A_25 : memref<48x1024xf32, #tpu.memory_space<hbm>>)
    %dma_start3A_26 = arith.constant 96 : i32
    %dma_start3A_27 = tpu.memref_slice %arg5[%dma_start3A_26] : memref<192xi32, #tpu.memory_space<vmem>> -> memref<48xi32, #tpu.memory_space<vmem>>
    %dma_start3A_28 = arith.constant 0 : i32
    %dma_start3A_29 = arith.constant 0 : i32
    %dma_start3A_30 = tpu.memref_slice %arg2[%dma_start3A_28, %dma_start3A_29] : memref<2048x1024xf32, #tpu.memory_space<hbm>> -> memref<2048x1024xf32, #tpu.memory_space<hbm>>
    tpu.enqueue_indirect_dma source(%dma_start3A_30 : memref<2048x1024xf32, #tpu.memory_space<hbm>>) target(%arg6 : memref<48x1024xf32, #tpu.memory_space<vmem>>) offsets(%dma_start3A_27 : memref<48xi32, #tpu.memory_space<vmem>>) semaphore(%arg8 : memref<!tpu.dma_semaphore, #tpu.memory_space<semaphore_mem>>)
    %dma_wait3A_31 = arith.constant 0 : i32
    %dma_wait3A_32 = tpu.memref_slice %arg5[%dma_wait3A_31] : memref<192xi32, #tpu.memory_space<vmem>> -> memref<48xi32, #tpu.memory_space<vmem>>
    %dma_wait3A_33 = arith.constant 0 : i32
    %dma_wait3A_34 = arith.constant 0 : i32
    %dma_wait3A_35 = tpu.memref_slice %arg2[%dma_wait3A_33, %dma_wait3A_34] : memref<2048x1024xf32, #tpu.memory_space<hbm>> -> memref<2048x1024xf32, #tpu.memory_space<hbm>>
    tpu.wait_indirect_dma semaphore(%arg9 : memref<!tpu.dma_semaphore, #tpu.memory_space<semaphore_mem>>) src(%dma_wait3A_35 : memref<2048x1024xf32, #tpu.memory_space<hbm>>) dst(%arg7 : memref<48x1024xf32, #tpu.memory_space<vmem>>)
    %add3A_36 = arith.constant 48 : i32
    %add3A_37 = arith.addi %mul3A_2, %add3A_36 : i32
    %dma_start3A_38 = arith.constant 0 : i32
    %dma_start3A_39 = tpu.memref_slice %arg4[%add3A_37, %dma_start3A_38] : memref<6144x1024xf32, #tpu.memory_space<hbm>> -> memref<48x1024xf32, #tpu.memory_space<hbm>>
    %dma_start3A_40 = arith.constant 0 : i32
    %dma_start3A_41 = tpu.memref_slice %arg4[%add3A_37, %dma_start3A_40] : memref<6144x1024xf32, #tpu.memory_space<hbm>> -> memref<48x1024xf32, #tpu.memory_space<hbm>>
    tpu.enqueue_dma source(%arg7 : memref<48x1024xf32, #tpu.memory_space<vmem>>) target(%dma_start3A_41 : memref<48x1024xf32, #tpu.memory_space<hbm>>) target_semaphore(%arg11 : memref<!tpu.dma_semaphore, #tpu.memory_space<semaphore_mem>>)
    %dma_wait3A_42 = arith.constant 0 : i32
    %dma_wait3A_43 = tpu.memref_slice %arg4[%mul3A_2, %dma_wait3A_42] : memref<6144x1024xf32, #tpu.memory_space<hbm>> -> memref<48x1024xf32, #tpu.memory_space<hbm>>
    %dma_wait3A_44 = arith.constant 0 : i32
    %dma_wait3A_45 = tpu.memref_slice %arg4[%mul3A_2, %dma_wait3A_44] : memref<6144x1024xf32, #tpu.memory_space<hbm>> -> memref<48x1024xf32, #tpu.memory_space<hbm>>
    tpu.wait_dma2 semaphore(%arg11 : memref<!tpu.dma_semaphore, #tpu.memory_space<semaphore_mem>>) src(%arg7 : memref<48x1024xf32, #tpu.memory_space<vmem>>) dst(%dma_wait3A_45 : memref<48x1024xf32, #tpu.memory_space<hbm>>)
    %dma_start3A_46 = arith.constant 144 : i32
    %dma_start3A_47 = tpu.memref_slice %arg5[%dma_start3A_46] : memref<192xi32, #tpu.memory_space<vmem>> -> memref<48xi32, #tpu.memory_space<vmem>>
    %dma_start3A_48 = arith.constant 0 : i32
    %dma_start3A_49 = arith.constant 0 : i32
    %dma_start3A_50 = tpu.memref_slice %arg2[%dma_start3A_48, %dma_start3A_49] : memref<2048x1024xf32, #tpu.memory_space<hbm>> -> memref<2048x1024xf32, #tpu.memory_space<hbm>>
    tpu.enqueue_indirect_dma source(%dma_start3A_50 : memref<2048x1024xf32, #tpu.memory_space<hbm>>) target(%arg7 : memref<48x1024xf32, #tpu.memory_space<vmem>>) offsets(%dma_start3A_47 : memref<48xi32, #tpu.memory_space<vmem>>) semaphore(%arg9 : memref<!tpu.dma_semaphore, #tpu.memory_space<semaphore_mem>>)
    %dma_wait3A_51 = arith.constant 0 : i32
    %dma_wait3A_52 = tpu.memref_slice %arg5[%dma_wait3A_51] : memref<192xi32, #tpu.memory_space<vmem>> -> memref<48xi32, #tpu.memory_space<vmem>>
    %dma_wait3A_53 = arith.constant 0 : i32
    %dma_wait3A_54 = arith.constant 0 : i32
    %dma_wait3A_55 = tpu.memref_slice %arg2[%dma_wait3A_53, %dma_wait3A_54] : memref<2048x1024xf32, #tpu.memory_space<hbm>> -> memref<2048x1024xf32, #tpu.memory_space<hbm>>
    tpu.wait_indirect_dma semaphore(%arg8 : memref<!tpu.dma_semaphore, #tpu.memory_space<semaphore_mem>>) src(%dma_wait3A_55 : memref<2048x1024xf32, #tpu.memory_space<hbm>>) dst(%arg6 : memref<48x1024xf32, #tpu.memory_space<vmem>>)
    %add3A_56 = arith.constant 96 : i32
    %add3A_57 = arith.addi %mul3A_2, %add3A_56 : i32
    %dma_start3A_58 = arith.constant 0 : i32
    %dma_start3A_59 = tpu.memref_slice %arg4[%add3A_57, %dma_start3A_58] : memref<6144x1024xf32, #tpu.memory_space<hbm>> -> memref<48x1024xf32, #tpu.memory_space<hbm>>
    %dma_start3A_60 = arith.constant 0 : i32
    %dma_start3A_61 = tpu.memref_slice %arg4[%add3A_57, %dma_start3A_60] : memref<6144x1024xf32, #tpu.memory_space<hbm>> -> memref<48x1024xf32, #tpu.memory_space<hbm>>
    tpu.enqueue_dma source(%arg6 : memref<48x1024xf32, #tpu.memory_space<vmem>>) target(%dma_start3A_61 : memref<48x1024xf32, #tpu.memory_space<hbm>>) target_semaphore(%arg10 : memref<!tpu.dma_semaphore, #tpu.memory_space<semaphore_mem>>)
    %dma_wait3A_62 = arith.constant 0 : i32
    %dma_wait3A_63 = tpu.memref_slice %arg5[%dma_wait3A_62] : memref<192xi32, #tpu.memory_space<vmem>> -> memref<48xi32, #tpu.memory_space<vmem>>
    %dma_wait3A_64 = arith.constant 0 : i32
    %dma_wait3A_65 = arith.constant 0 : i32
    %dma_wait3A_66 = tpu.memref_slice %arg2[%dma_wait3A_64, %dma_wait3A_65] : memref<2048x1024xf32, #tpu.memory_space<hbm>> -> memref<2048x1024xf32, #tpu.memory_space<hbm>>
    tpu.wait_indirect_dma semaphore(%arg9 : memref<!tpu.dma_semaphore, #tpu.memory_space<semaphore_mem>>) src(%dma_wait3A_66 : memref<2048x1024xf32, #tpu.memory_space<hbm>>) dst(%arg7 : memref<48x1024xf32, #tpu.memory_space<vmem>>)
    %add3A_67 = arith.constant 144 : i32
    %add3A_68 = arith.addi %mul3A_2, %add3A_67 : i32
    %dma_start3A_69 = arith.constant 0 : i32
    %dma_start3A_70 = tpu.memref_slice %arg4[%add3A_68, %dma_start3A_69] : memref<6144x1024xf32, #tpu.memory_space<hbm>> -> memref<48x1024xf32, #tpu.memory_space<hbm>>
    %dma_start3A_71 = arith.constant 0 : i32
    %dma_start3A_72 = tpu.memref_slice %arg4[%add3A_68, %dma_start3A_71] : memref<6144x1024xf32, #tpu.memory_space<hbm>> -> memref<48x1024xf32, #tpu.memory_space<hbm>>
    tpu.enqueue_dma source(%arg7 : memref<48x1024xf32, #tpu.memory_space<vmem>>) target(%dma_start3A_72 : memref<48x1024xf32, #tpu.memory_space<hbm>>) target_semaphore(%arg11 : memref<!tpu.dma_semaphore, #tpu.memory_space<semaphore_mem>>)
    %dma_wait3A_73 = arith.constant 0 : i32
    %dma_wait3A_74 = tpu.memref_slice %arg4[%mul3A_2, %dma_wait3A_73] : memref<6144x1024xf32, #tpu.memory_space<hbm>> -> memref<48x1024xf32, #tpu.memory_space<hbm>>
    %dma_wait3A_75 = arith.constant 0 : i32
    %dma_wait3A_76 = tpu.memref_slice %arg4[%mul3A_2, %dma_wait3A_75] : memref<6144x1024xf32, #tpu.memory_space<hbm>> -> memref<48x1024xf32, #tpu.memory_space<hbm>>
    tpu.wait_dma2 semaphore(%arg10 : memref<!tpu.dma_semaphore, #tpu.memory_space<semaphore_mem>>) src(%arg6 : memref<48x1024xf32, #tpu.memory_space<vmem>>) dst(%dma_wait3A_76 : memref<48x1024xf32, #tpu.memory_space<hbm>>)
    %dma_wait3A_77 = arith.constant 0 : i32
    %dma_wait3A_78 = tpu.memref_slice %arg4[%mul3A_2, %dma_wait3A_77] : memref<6144x1024xf32, #tpu.memory_space<hbm>> -> memref<48x1024xf32, #tpu.memory_space<hbm>>
    %dma_wait3A_79 = arith.constant 0 : i32
    %dma_wait3A_80 = tpu.memref_slice %arg4[%mul3A_2, %dma_wait3A_79] : memref<6144x1024xf32, #tpu.memory_space<hbm>> -> memref<48x1024xf32, #tpu.memory_space<hbm>>
    tpu.wait_dma2 semaphore(%arg11 : memref<!tpu.dma_semaphore, #tpu.memory_space<semaphore_mem>>) src(%arg7 : memref<48x1024xf32, #tpu.memory_space<vmem>>) dst(%dma_wait3A_80 : memref<48x1024xf32, #tpu.memory_space<hbm>>)
    return
  }
}

module attributes {stable_mosaic.version = 14 : i64} {
  func.func @_attn_kernel(%arg0: i32, %arg1: i32, %arg2: memref<512x256xf32, #tpu.memory_space<vmem>>, %arg3: memref<1x2048x64xf32, #tpu.memory_space<vmem>>, %arg4: memref<1x2048x64xf32, #tpu.memory_space<vmem>>, %arg5: memref<512x256xf32, #tpu.memory_space<vmem>>) attributes {dimension_semantics = [#tpu.dimension_semantics<arbitrary>, #tpu.dimension_semantics<arbitrary>], iteration_bounds = array<i64: 4, 4>, scalar_prefetch = 0 : i64, scratch_operands = 0 : i64, tpu.core_type = #tpu.core_type<tc>, window_params = [{transform_indices = @transform_0, window_bounds = array<i64: 512, 256>}, {transform_indices = @transform_1, window_bounds = array<i64: 1, 2048, 64>}, {transform_indices = @transform_2, window_bounds = array<i64: 1, 2048, 64>}, {transform_indices = @transform_3, window_bounds = array<i64: 512, 256>}]} {
    %get3A = arith.constant 0 : index
    %get3A_0 = arith.constant 0 : index
    %get3A_1 = vector.load %arg2[%get3A, %get3A_0] : memref<512x256xf32, #tpu.memory_space<vmem>>, vector<512x256xf32>
    %get3A_2 = arith.constant 0 : index
    %get3A_3 = arith.constant 0 : index
    %get3A_4 = arith.constant 0 : index
    %get3A_5 = vector.load %arg3[%get3A_2, %get3A_3, %get3A_4] : memref<1x2048x64xf32, #tpu.memory_space<vmem>>, vector<1x2048x64xf32>
    %get3A_6 = vector.shape_cast %get3A_5 : vector<1x2048x64xf32> to vector<2048x64xf32>
    %get3A_7 = arith.constant 0 : index
    %get3A_8 = arith.constant 0 : index
    %get3A_9 = arith.constant 0 : index
    %get3A_10 = vector.load %arg4[%get3A_7, %get3A_8, %get3A_9] : memref<1x2048x64xf32, #tpu.memory_space<vmem>>, vector<1x2048x64xf32>
    %get3A_11 = vector.shape_cast %get3A_10 : vector<1x2048x64xf32> to vector<2048x64xf32>
    %slice3A = vector.extract_strided_slice %get3A_1 {offsets = [0, 0], sizes = [512, 64], strides = [1, 1]} : vector<512x256xf32> to vector<512x64xf32>
    %transpose3A = tpu.transpose %get3A_6, [1, 0] : vector<2048x64xf32> -> vector<64x2048xf32>
    %dot_general3A = arith.constant dense<0.000000e+00> : vector<512x2048xf32>
    %dot_general3A_12 = tpu.matmul %slice3A, %transpose3A, %dot_general3A {dimension_numbers = #tpu.dot_dimension_numbers<[1], [0], [0], [1], [0, 0, 1, 1], [], []>, transpose_lhs_hint = false} : vector<512x64xf32>, vector<64x2048xf32>, vector<512x2048xf32> -> vector<512x2048xf32>
    %exp23A = math.exp2 %dot_general3A_12 : vector<512x2048xf32>
    %reduce_sum3A = arith.constant dense<0.000000e+00> : vector<512xf32>
    %reduce_sum3A_13 = vector.multi_reduction <add>, %exp23A, %reduce_sum3A [1] : vector<512x2048xf32> to vector<512xf32>
    %broadcast_in_dim3A = vector.shape_cast %reduce_sum3A_13 : vector<512xf32> to vector<512x1xf32>
    %dot_general3A_14 = arith.constant dense<0.000000e+00> : vector<512x64xf32>
    %dot_general3A_15 = tpu.matmul %exp23A, %get3A_11, %dot_general3A_14 {dimension_numbers = #tpu.dot_dimension_numbers<[1], [0], [0], [1], [0, 0, 1, 1], [], []>, transpose_lhs_hint = false} : vector<512x2048xf32>, vector<2048x64xf32>, vector<512x64xf32> -> vector<512x64xf32>
    %div3A = vector.broadcast %broadcast_in_dim3A : vector<512x1xf32> to vector<512x64xf32>
    %div3A_16 = arith.divf %dot_general3A_15, %div3A : vector<512x64xf32>
    %slice3A_17 = vector.extract_strided_slice %get3A_1 {offsets = [0, 64], sizes = [512, 64], strides = [1, 1]} : vector<512x256xf32> to vector<512x64xf32>
    %transpose3A_18 = tpu.transpose %get3A_6, [1, 0] : vector<2048x64xf32> -> vector<64x2048xf32>
    %dot_general3A_19 = arith.constant dense<0.000000e+00> : vector<512x2048xf32>
    %dot_general3A_20 = tpu.matmul %slice3A_17, %transpose3A_18, %dot_general3A_19 {dimension_numbers = #tpu.dot_dimension_numbers<[1], [0], [0], [1], [0, 0, 1, 1], [], []>, transpose_lhs_hint = false} : vector<512x64xf32>, vector<64x2048xf32>, vector<512x2048xf32> -> vector<512x2048xf32>
    %exp23A_21 = math.exp2 %dot_general3A_20 : vector<512x2048xf32>
    %reduce_sum3A_22 = arith.constant dense<0.000000e+00> : vector<512xf32>
    %reduce_sum3A_23 = vector.multi_reduction <add>, %exp23A_21, %reduce_sum3A_22 [1] : vector<512x2048xf32> to vector<512xf32>
    %broadcast_in_dim3A_24 = vector.shape_cast %reduce_sum3A_23 : vector<512xf32> to vector<512x1xf32>
    %dot_general3A_25 = arith.constant dense<0.000000e+00> : vector<512x64xf32>
    %dot_general3A_26 = tpu.matmul %exp23A_21, %get3A_11, %dot_general3A_25 {dimension_numbers = #tpu.dot_dimension_numbers<[1], [0], [0], [1], [0, 0, 1, 1], [], []>, transpose_lhs_hint = false} : vector<512x2048xf32>, vector<2048x64xf32>, vector<512x64xf32> -> vector<512x64xf32>
    %div3A_27 = vector.broadcast %broadcast_in_dim3A_24 : vector<512x1xf32> to vector<512x64xf32>
    %div3A_28 = arith.divf %dot_general3A_26, %div3A_27 : vector<512x64xf32>
    %slice3A_29 = vector.extract_strided_slice %get3A_1 {offsets = [0, 128], sizes = [512, 64], strides = [1, 1]} : vector<512x256xf32> to vector<512x64xf32>
    %transpose3A_30 = tpu.transpose %get3A_6, [1, 0] : vector<2048x64xf32> -> vector<64x2048xf32>
    %dot_general3A_31 = arith.constant dense<0.000000e+00> : vector<512x2048xf32>
    %dot_general3A_32 = tpu.matmul %slice3A_29, %transpose3A_30, %dot_general3A_31 {dimension_numbers = #tpu.dot_dimension_numbers<[1], [0], [0], [1], [0, 0, 1, 1], [], []>, transpose_lhs_hint = false} : vector<512x64xf32>, vector<64x2048xf32>, vector<512x2048xf32> -> vector<512x2048xf32>
    %exp23A_33 = math.exp2 %dot_general3A_32 : vector<512x2048xf32>
    %reduce_sum3A_34 = arith.constant dense<0.000000e+00> : vector<512xf32>
    %reduce_sum3A_35 = vector.multi_reduction <add>, %exp23A_33, %reduce_sum3A_34 [1] : vector<512x2048xf32> to vector<512xf32>
    %broadcast_in_dim3A_36 = vector.shape_cast %reduce_sum3A_35 : vector<512xf32> to vector<512x1xf32>
    %dot_general3A_37 = arith.constant dense<0.000000e+00> : vector<512x64xf32>
    %dot_general3A_38 = tpu.matmul %exp23A_33, %get3A_11, %dot_general3A_37 {dimension_numbers = #tpu.dot_dimension_numbers<[1], [0], [0], [1], [0, 0, 1, 1], [], []>, transpose_lhs_hint = false} : vector<512x2048xf32>, vector<2048x64xf32>, vector<512x64xf32> -> vector<512x64xf32>
    %div3A_39 = vector.broadcast %broadcast_in_dim3A_36 : vector<512x1xf32> to vector<512x64xf32>
    %div3A_40 = arith.divf %dot_general3A_38, %div3A_39 : vector<512x64xf32>
    %slice3A_41 = vector.extract_strided_slice %get3A_1 {offsets = [0, 192], sizes = [512, 64], strides = [1, 1]} : vector<512x256xf32> to vector<512x64xf32>
    %transpose3A_42 = tpu.transpose %get3A_6, [1, 0] : vector<2048x64xf32> -> vector<64x2048xf32>
    %dot_general3A_43 = arith.constant dense<0.000000e+00> : vector<512x2048xf32>
    %dot_general3A_44 = tpu.matmul %slice3A_41, %transpose3A_42, %dot_general3A_43 {dimension_numbers = #tpu.dot_dimension_numbers<[1], [0], [0], [1], [0, 0, 1, 1], [], []>, transpose_lhs_hint = false} : vector<512x64xf32>, vector<64x2048xf32>, vector<512x2048xf32> -> vector<512x2048xf32>
    %exp23A_45 = math.exp2 %dot_general3A_44 : vector<512x2048xf32>
    %reduce_sum3A_46 = arith.constant dense<0.000000e+00> : vector<512xf32>
    %reduce_sum3A_47 = vector.multi_reduction <add>, %exp23A_45, %reduce_sum3A_46 [1] : vector<512x2048xf32> to vector<512xf32>
    %broadcast_in_dim3A_48 = vector.shape_cast %reduce_sum3A_47 : vector<512xf32> to vector<512x1xf32>
    %dot_general3A_49 = arith.constant dense<0.000000e+00> : vector<512x64xf32>
    %dot_general3A_50 = tpu.matmul %exp23A_45, %get3A_11, %dot_general3A_49 {dimension_numbers = #tpu.dot_dimension_numbers<[1], [0], [0], [1], [0, 0, 1, 1], [], []>, transpose_lhs_hint = false} : vector<512x2048xf32>, vector<2048x64xf32>, vector<512x64xf32> -> vector<512x64xf32>
    %div3A_51 = vector.broadcast %broadcast_in_dim3A_48 : vector<512x1xf32> to vector<512x64xf32>
    %div3A_52 = arith.divf %dot_general3A_50, %div3A_51 : vector<512x64xf32>
    %concatenate3A = tpu.concatenate %div3A_16, %div3A_28, %div3A_40, %div3A_52 in 1 : vector<512x64xf32>, vector<512x64xf32>, vector<512x64xf32>, vector<512x64xf32> -> vector<512x256xf32>
    %swap3A = arith.constant 0 : index
    %swap3A_53 = arith.constant 0 : index
    %swap3A_54 = vector.load %arg5[%swap3A, %swap3A_53] : memref<512x256xf32, #tpu.memory_space<vmem>>, vector<512x256xf32>
    tpu.vector_store %arg5[%swap3A, %swap3A_53], %concatenate3A {strides = array<i32>} : memref<512x256xf32, #tpu.memory_space<vmem>>, vector<512x256xf32>,
    return
  }
  func.func @transform_0(%arg0: i32, %arg1: i32) -> (i32, i32) {
    %c0_i32 = arith.constant 0 : i32
    return %arg1, %arg0 : i32, i32
  }
  func.func @transform_1(%arg0: i32, %arg1: i32) -> (i32, i32, i32) {
    %c0_i32 = arith.constant 0 : i32
    %c0_i32_0 = arith.constant 0 : i32
    %c0_i32_1 = arith.constant 0 : i32
    return %arg0, %c0_i32, %c0_i32_0 : i32, i32, i32
  }
  func.func @transform_2(%arg0: i32, %arg1: i32) -> (i32, i32, i32) {
    %c0_i32 = arith.constant 0 : i32
    %c0_i32_0 = arith.constant 0 : i32
    %c0_i32_1 = arith.constant 0 : i32
    return %arg0, %c0_i32, %c0_i32_0 : i32, i32, i32
  }
  func.func @transform_3(%arg0: i32, %arg1: i32) -> (i32, i32) {
    %c0_i32 = arith.constant 0 : i32
    return %arg1, %arg0 : i32, i32
  }
}

module attributes {stable_mosaic.version = 14 : i64} {
  func.func @_prologue_kernel(%arg0: i32, %arg1: memref<512x1024xf32, #tpu.memory_space<vmem>>, %arg2: memref<1x1024xf32, #tpu.memory_space<vmem>>, %arg3: memref<1024x1024xf32, #tpu.memory_space<vmem>>, %arg4: memref<1x1024xf32, #tpu.memory_space<vmem>>, %arg5: memref<1024x256xf32, #tpu.memory_space<vmem>>, %arg6: memref<1x256xf32, #tpu.memory_space<vmem>>, %arg7: memref<1024x256xf32, #tpu.memory_space<vmem>>, %arg8: memref<1x256xf32, #tpu.memory_space<vmem>>, %arg9: memref<512x1024xf32, #tpu.memory_space<vmem>>, %arg10: memref<512x1024xf32, #tpu.memory_space<vmem>>, %arg11: memref<512x256xf32, #tpu.memory_space<vmem>>, %arg12: memref<512x256xf32, #tpu.memory_space<vmem>>, %arg13: memref<512x1024xf32, #tpu.memory_space<vmem>>, %arg14: memref<4x512x64xf32, #tpu.memory_space<vmem>>, %arg15: memref<4x512x64xf32, #tpu.memory_space<vmem>>) attributes {dimension_semantics = [#tpu.dimension_semantics<arbitrary>], iteration_bounds = array<i64: 4>, scalar_prefetch = 0 : i64, scratch_operands = 0 : i64, tpu.core_type = #tpu.core_type<tc>, window_params = [{transform_indices = @transform_0, window_bounds = array<i64: 512, 1024>}, {pipeline_mode = #tpu.pipeline_mode<synchronous>, transform_indices = @transform_1, window_bounds = array<i64: 1, 1024>}, {pipeline_mode = #tpu.pipeline_mode<synchronous>, transform_indices = @transform_2, window_bounds = array<i64: 1024, 1024>}, {pipeline_mode = #tpu.pipeline_mode<synchronous>, transform_indices = @transform_3, window_bounds = array<i64: 1, 1024>}, {pipeline_mode = #tpu.pipeline_mode<synchronous>, transform_indices = @transform_4, window_bounds = array<i64: 1024, 256>}, {pipeline_mode = #tpu.pipeline_mode<synchronous>, transform_indices = @transform_5, window_bounds = array<i64: 1, 256>}, {pipeline_mode = #tpu.pipeline_mode<synchronous>, transform_indices = @transform_6, window_bounds = array<i64: 1024, 256>}, {pipeline_mode = #tpu.pipeline_mode<synchronous>, transform_indices = @transform_7, window_bounds = array<i64: 1, 256>}, {transform_indices = @transform_8, window_bounds = array<i64: 512, 1024>}, {transform_indices = @transform_9, window_bounds = array<i64: 512, 1024>}, {transform_indices = @transform_10, window_bounds = array<i64: 512, 256>}, {transform_indices = @transform_11, window_bounds = array<i64: 512, 256>}, {transform_indices = @transform_12, window_bounds = array<i64: 512, 1024>}, {transform_indices = @transform_13, window_bounds = array<i64: 4, 512, 64>}, {transform_indices = @transform_14, window_bounds = array<i64: 4, 512, 64>}]} {
    %get3A = arith.constant 0 : index
    %get3A_0 = arith.constant 0 : index
    %get3A_1 = vector.load %arg1[%get3A, %get3A_0] : memref<512x1024xf32, #tpu.memory_space<vmem>>, vector<512x1024xf32>
    %mul3A = arith.mulf %get3A_1, %get3A_1 : vector<512x1024xf32>
    %reduce_sum3A = arith.constant dense<0.000000e+00> : vector<512xf32>
    %reduce_sum3A_2 = vector.multi_reduction <add>, %mul3A, %reduce_sum3A [1] : vector<512x1024xf32> to vector<512xf32>
    %broadcast_in_dim3A = vector.shape_cast %reduce_sum3A_2 : vector<512xf32> to vector<512x1xf32>
    %div3A = arith.constant 1.024000e+03 : f32
    %div3A_3 = vector.broadcast %div3A : f32 to vector<512x1xf32>
    %div3A_4 = arith.divf %broadcast_in_dim3A, %div3A_3 : vector<512x1xf32>
    %add3A = arith.constant 9.99999974E-6 : f32
    %add3A_5 = vector.broadcast %add3A : f32 to vector<512x1xf32>
    %add3A_6 = arith.addf %div3A_4, %add3A_5 : vector<512x1xf32>
    %rsqrt3A = math.rsqrt %add3A_6 : vector<512x1xf32>
    %mul3A_7 = vector.broadcast %rsqrt3A : vector<512x1xf32> to vector<512x1024xf32>
    %mul3A_8 = arith.mulf %get3A_1, %mul3A_7 : vector<512x1024xf32>
    %get3A_9 = arith.constant 0 : index
    %get3A_10 = arith.constant 0 : index
    %get3A_11 = vector.load %arg2[%get3A_9, %get3A_10] : memref<1x1024xf32, #tpu.memory_space<vmem>>, vector<1x1024xf32>
    %mul3A_12 = vector.broadcast %get3A_11 : vector<1x1024xf32> to vector<512x1024xf32>
    %mul3A_13 = arith.mulf %mul3A_8, %mul3A_12 : vector<512x1024xf32>
    %get3A_14 = arith.constant 0 : index
    %get3A_15 = arith.constant 0 : index
    %get3A_16 = vector.load %arg3[%get3A_14, %get3A_15] : memref<1024x1024xf32, #tpu.memory_space<vmem>>, vector<1024x1024xf32>
    %dot_general3A = arith.constant dense<0.000000e+00> : vector<512x1024xf32>
    %dot_general3A_17 = tpu.matmul %mul3A_13, %get3A_16, %dot_general3A {dimension_numbers = #tpu.dot_dimension_numbers<[1], [0], [0], [1], [0, 0, 1, 1], [], []>, transpose_lhs_hint = false} : vector<512x1024xf32>, vector<1024x1024xf32>, vector<512x1024xf32> -> vector<512x1024xf32>
    %get3A_18 = arith.constant 0 : index
    %get3A_19 = arith.constant 0 : index
    %get3A_20 = vector.load %arg4[%get3A_18, %get3A_19] : memref<1x1024xf32, #tpu.memory_space<vmem>>, vector<1x1024xf32>
    %add3A_21 = vector.broadcast %get3A_20 : vector<1x1024xf32> to vector<512x1024xf32>
    %add3A_22 = arith.addf %dot_general3A_17, %add3A_21 : vector<512x1024xf32>
    %get3A_23 = arith.constant 0 : index
    %get3A_24 = arith.constant 0 : index
    %get3A_25 = vector.load %arg5[%get3A_23, %get3A_24] : memref<1024x256xf32, #tpu.memory_space<vmem>>, vector<1024x256xf32>
    %dot_general3A_26 = arith.constant dense<0.000000e+00> : vector<512x256xf32>
    %dot_general3A_27 = tpu.matmul %mul3A_13, %get3A_25, %dot_general3A_26 {dimension_numbers = #tpu.dot_dimension_numbers<[1], [0], [0], [1], [0, 0, 1, 1], [], []>, transpose_lhs_hint = false} : vector<512x1024xf32>, vector<1024x256xf32>, vector<512x256xf32> -> vector<512x256xf32>
    %get3A_28 = arith.constant 0 : index
    %get3A_29 = arith.constant 0 : index
    %get3A_30 = vector.load %arg6[%get3A_28, %get3A_29] : memref<1x256xf32, #tpu.memory_space<vmem>>, vector<1x256xf32>
    %add3A_31 = vector.broadcast %get3A_30 : vector<1x256xf32> to vector<512x256xf32>
    %add3A_32 = arith.addf %dot_general3A_27, %add3A_31 : vector<512x256xf32>
    %get3A_33 = arith.constant 0 : index
    %get3A_34 = arith.constant 0 : index
    %get3A_35 = vector.load %arg7[%get3A_33, %get3A_34] : memref<1024x256xf32, #tpu.memory_space<vmem>>, vector<1024x256xf32>
    %dot_general3A_36 = arith.constant dense<0.000000e+00> : vector<512x256xf32>
    %dot_general3A_37 = tpu.matmul %mul3A_13, %get3A_35, %dot_general3A_36 {dimension_numbers = #tpu.dot_dimension_numbers<[1], [0], [0], [1], [0, 0, 1, 1], [], []>, transpose_lhs_hint = false} : vector<512x1024xf32>, vector<1024x256xf32>, vector<512x256xf32> -> vector<512x256xf32>
    %get3A_38 = arith.constant 0 : index
    %get3A_39 = arith.constant 0 : index
    %get3A_40 = vector.load %arg8[%get3A_38, %get3A_39] : memref<1x256xf32, #tpu.memory_space<vmem>>, vector<1x256xf32>
    %add3A_41 = vector.broadcast %get3A_40 : vector<1x256xf32> to vector<512x256xf32>
    %add3A_42 = arith.addf %dot_general3A_37, %add3A_41 : vector<512x256xf32>
    %get3A_43 = arith.constant 0 : index
    %get3A_44 = arith.constant 0 : index
    %get3A_45 = vector.load %arg9[%get3A_43, %get3A_44] : memref<512x1024xf32, #tpu.memory_space<vmem>>, vector<512x1024xf32>
    %get3A_46 = arith.constant 0 : index
    %get3A_47 = arith.constant 0 : index
    %get3A_48 = vector.load %arg10[%get3A_46, %get3A_47] : memref<512x1024xf32, #tpu.memory_space<vmem>>, vector<512x1024xf32>
    %iota3A = tpu.iota {dimensions = array<i32: 1>} : vector<1x1024xi32>
    %jit3A = arith.constant 64 : i32
    %eq3A = arith.constant 0 : i32
    %eq3A_49 = arith.cmpi eq, %jit3A, %eq3A : i32
    %jit3A_50 = arith.constant 1 : i32
    %select_n3A = arith.select %eq3A_49, %jit3A_50, %jit3A : i32
    %rem3A = vector.broadcast %select_n3A : i32 to vector<1x1024xi32>
    %rem3A_51 = arith.remsi %iota3A, %rem3A : vector<1x1024xi32>
    %ne3A = arith.constant 0 : i32
    %ne3A_52 = vector.broadcast %ne3A : i32 to vector<1x1024xi32>
    %ne3A_53 = arith.cmpi ne, %rem3A_51, %ne3A_52 : vector<1x1024xi32>
    %lt3A = arith.constant 0 : i32
    %lt3A_54 = vector.broadcast %lt3A : i32 to vector<1x1024xi32>
    %lt3A_55 = arith.cmpi slt, %rem3A_51, %lt3A_54 : vector<1x1024xi32>
    %lt3A_56 = arith.constant 0 : i32
    %lt3A_57 = arith.cmpi slt, %select_n3A, %lt3A_56 : i32
    %ne3A_58 = vector.broadcast %lt3A_57 : i1 to vector<1x1024xi1>
    %ne3A_59 = vector.broadcast %ne3A_58 : vector<1x1024xi1> to vector<1x1024xi1>
    %ne3A_60 = arith.xori %lt3A_55, %ne3A_59 : vector<1x1024xi1>
    %and3A = arith.andi %ne3A_60, %ne3A_53 : vector<1x1024xi1>
    %add3A_61 = vector.broadcast %select_n3A : i32 to vector<1x1024xi32>
    %add3A_62 = arith.addi %rem3A_51, %add3A_61 : vector<1x1024xi32>
    %select_n3A_63 = arith.select %and3A, %add3A_62, %rem3A_51 : vector<1x1024xi1>, vector<1x1024xi32>
    %slice3A = vector.extract_strided_slice %add3A_22 {offsets = [0, 32], sizes = [512, 992], strides = [1, 1]} : vector<512x1024xf32> to vector<512x992xf32>
    %slice3A_64 = vector.extract_strided_slice %add3A_22 {offsets = [0, 0], sizes = [512, 32], strides = [1, 1]} : vector<512x1024xf32> to vector<512x32xf32>
    %concatenate3A = tpu.concatenate %slice3A, %slice3A_64 in 1 : vector<512x992xf32>, vector<512x32xf32> -> vector<512x1024xf32>
    %slice3A_65 = vector.extract_strided_slice %add3A_22 {offsets = [0, 992], sizes = [512, 32], strides = [1, 1]} : vector<512x1024xf32> to vector<512x32xf32>
    %slice3A_66 = vector.extract_strided_slice %add3A_22 {offsets = [0, 0], sizes = [512, 992], strides = [1, 1]} : vector<512x1024xf32> to vector<512x992xf32>
    %concatenate3A_67 = tpu.concatenate %slice3A_65, %slice3A_66 in 1 : vector<512x32xf32>, vector<512x992xf32> -> vector<512x1024xf32>
    %lt3A_68 = arith.constant 32 : i32
    %lt3A_69 = vector.broadcast %lt3A_68 : i32 to vector<1x1024xi32>
    %lt3A_70 = arith.cmpi slt, %select_n3A_63, %lt3A_69 : vector<1x1024xi32>
    %broadcast_in_dim3A_71 = vector.shape_cast %lt3A_70 : vector<1x1024xi1> to vector<1x1024xi1>
    %broadcast_in_dim3A_72 = vector.broadcast %broadcast_in_dim3A_71 : vector<1x1024xi1> to vector<512x1024xi1>
    %select_n3A_73 = arith.select %broadcast_in_dim3A_72, %concatenate3A, %concatenate3A_67 : vector<512x1024xi1>, vector<512x1024xf32>
    %mul3A_74 = arith.mulf %add3A_22, %get3A_45 : vector<512x1024xf32>
    %mul3A_75 = arith.mulf %select_n3A_73, %get3A_48 : vector<512x1024xf32>
    %add3A_76 = arith.addf %mul3A_74, %mul3A_75 : vector<512x1024xf32>
    %mul3A_77 = arith.constant 0.180336878 : f32
    %mul3A_78 = vector.broadcast %mul3A_77 : f32 to vector<512x1024xf32>
    %mul3A_79 = arith.mulf %add3A_76, %mul3A_78 : vector<512x1024xf32>
    %swap3A = arith.constant 0 : index
    %swap3A_80 = arith.constant 0 : index
    %swap3A_81 = vector.load %arg13[%swap3A, %swap3A_80] : memref<512x1024xf32, #tpu.memory_space<vmem>>, vector<512x1024xf32>
    tpu.vector_store %arg13[%swap3A, %swap3A_80], %mul3A_79 {strides = array<i32>} : memref<512x1024xf32, #tpu.memory_space<vmem>>, vector<512x1024xf32>,
    %get3A_82 = arith.constant 0 : index
    %get3A_83 = arith.constant 0 : index
    %get3A_84 = vector.load %arg11[%get3A_82, %get3A_83] : memref<512x256xf32, #tpu.memory_space<vmem>>, vector<512x256xf32>
    %get3A_85 = arith.constant 0 : index
    %get3A_86 = arith.constant 0 : index
    %get3A_87 = vector.load %arg12[%get3A_85, %get3A_86] : memref<512x256xf32, #tpu.memory_space<vmem>>, vector<512x256xf32>
    %iota3A_88 = tpu.iota {dimensions = array<i32: 1>} : vector<1x256xi32>
    %jit3A_89 = arith.constant 64 : i32
    %eq3A_90 = arith.constant 0 : i32
    %eq3A_91 = arith.cmpi eq, %jit3A_89, %eq3A_90 : i32
    %jit3A_92 = arith.constant 1 : i32
    %select_n3A_93 = arith.select %eq3A_91, %jit3A_92, %jit3A_89 : i32
    %rem3A_94 = vector.broadcast %select_n3A_93 : i32 to vector<1x256xi32>
    %rem3A_95 = arith.remsi %iota3A_88, %rem3A_94 : vector<1x256xi32>
    %ne3A_96 = arith.constant 0 : i32
    %ne3A_97 = vector.broadcast %ne3A_96 : i32 to vector<1x256xi32>
    %ne3A_98 = arith.cmpi ne, %rem3A_95, %ne3A_97 : vector<1x256xi32>
    %lt3A_99 = arith.constant 0 : i32
    %lt3A_100 = vector.broadcast %lt3A_99 : i32 to vector<1x256xi32>
    %lt3A_101 = arith.cmpi slt, %rem3A_95, %lt3A_100 : vector<1x256xi32>
    %lt3A_102 = arith.constant 0 : i32
    %lt3A_103 = arith.cmpi slt, %select_n3A_93, %lt3A_102 : i32
    %ne3A_104 = vector.broadcast %lt3A_103 : i1 to vector<1x256xi1>
    %ne3A_105 = vector.broadcast %ne3A_104 : vector<1x256xi1> to vector<1x256xi1>
    %ne3A_106 = arith.xori %lt3A_101, %ne3A_105 : vector<1x256xi1>
    %and3A_107 = arith.andi %ne3A_106, %ne3A_98 : vector<1x256xi1>
    %add3A_108 = vector.broadcast %select_n3A_93 : i32 to vector<1x256xi32>
    %add3A_109 = arith.addi %rem3A_95, %add3A_108 : vector<1x256xi32>
    %select_n3A_110 = arith.select %and3A_107, %add3A_109, %rem3A_95 : vector<1x256xi1>, vector<1x256xi32>
    %slice3A_111 = vector.extract_strided_slice %add3A_32 {offsets = [0, 32], sizes = [512, 224], strides = [1, 1]} : vector<512x256xf32> to vector<512x224xf32>
    %slice3A_112 = vector.extract_strided_slice %add3A_32 {offsets = [0, 0], sizes = [512, 32], strides = [1, 1]} : vector<512x256xf32> to vector<512x32xf32>
    %concatenate3A_113 = tpu.concatenate %slice3A_111, %slice3A_112 in 1 : vector<512x224xf32>, vector<512x32xf32> -> vector<512x256xf32>
    %slice3A_114 = vector.extract_strided_slice %add3A_32 {offsets = [0, 224], sizes = [512, 32], strides = [1, 1]} : vector<512x256xf32> to vector<512x32xf32>
    %slice3A_115 = vector.extract_strided_slice %add3A_32 {offsets = [0, 0], sizes = [512, 224], strides = [1, 1]} : vector<512x256xf32> to vector<512x224xf32>
    %concatenate3A_116 = tpu.concatenate %slice3A_114, %slice3A_115 in 1 : vector<512x32xf32>, vector<512x224xf32> -> vector<512x256xf32>
    %lt3A_117 = arith.constant 32 : i32
    %lt3A_118 = vector.broadcast %lt3A_117 : i32 to vector<1x256xi32>
    %lt3A_119 = arith.cmpi slt, %select_n3A_110, %lt3A_118 : vector<1x256xi32>
    %broadcast_in_dim3A_120 = vector.shape_cast %lt3A_119 : vector<1x256xi1> to vector<1x256xi1>
    %broadcast_in_dim3A_121 = vector.broadcast %broadcast_in_dim3A_120 : vector<1x256xi1> to vector<512x256xi1>
    %select_n3A_122 = arith.select %broadcast_in_dim3A_121, %concatenate3A_113, %concatenate3A_116 : vector<512x256xi1>, vector<512x256xf32>
    %mul3A_123 = arith.mulf %add3A_32, %get3A_84 : vector<512x256xf32>
    %mul3A_124 = arith.mulf %select_n3A_122, %get3A_87 : vector<512x256xf32>
    %add3A_125 = arith.addf %mul3A_123, %mul3A_124 : vector<512x256xf32>
    %slice3A_126 = vector.extract_strided_slice %add3A_125 {offsets = [0, 0], sizes = [512, 64], strides = [1, 1]} : vector<512x256xf32> to vector<512x64xf32>
    %swap3A_127 = arith.constant 0 : index
    %swap3A_128 = arith.constant 0 : index
    %swap3A_129 = arith.constant 0 : index
    %swap3A_130 = vector.load %arg14[%swap3A_127, %swap3A_128, %swap3A_129] : memref<4x512x64xf32, #tpu.memory_space<vmem>>, vector<1x512x64xf32>
    %swap3A_131 = vector.shape_cast %swap3A_130 : vector<1x512x64xf32> to vector<512x64xf32>
    %swap3A_132 = vector.shape_cast %slice3A_126 : vector<512x64xf32> to vector<1x512x64xf32>
    tpu.vector_store %arg14[%swap3A_127, %swap3A_128, %swap3A_129], %swap3A_132 {strides = array<i32>} : memref<4x512x64xf32, #tpu.memory_space<vmem>>, vector<1x512x64xf32>,
    %slice3A_133 = vector.extract_strided_slice %add3A_42 {offsets = [0, 0], sizes = [512, 64], strides = [1, 1]} : vector<512x256xf32> to vector<512x64xf32>
    %swap3A_134 = arith.constant 0 : index
    %swap3A_135 = arith.constant 0 : index
    %swap3A_136 = arith.constant 0 : index
    %swap3A_137 = vector.load %arg15[%swap3A_134, %swap3A_135, %swap3A_136] : memref<4x512x64xf32, #tpu.memory_space<vmem>>, vector<1x512x64xf32>
    %swap3A_138 = vector.shape_cast %swap3A_137 : vector<1x512x64xf32> to vector<512x64xf32>
    %swap3A_139 = vector.shape_cast %slice3A_133 : vector<512x64xf32> to vector<1x512x64xf32>
    tpu.vector_store %arg15[%swap3A_134, %swap3A_135, %swap3A_136], %swap3A_139 {strides = array<i32>} : memref<4x512x64xf32, #tpu.memory_space<vmem>>, vector<1x512x64xf32>,
    %slice3A_140 = vector.extract_strided_slice %add3A_125 {offsets = [0, 64], sizes = [512, 64], strides = [1, 1]} : vector<512x256xf32> to vector<512x64xf32>
    %swap3A_141 = arith.constant 1 : index
    %swap3A_142 = arith.constant 0 : index
    %swap3A_143 = arith.constant 0 : index
    %swap3A_144 = vector.load %arg14[%swap3A_141, %swap3A_142, %swap3A_143] : memref<4x512x64xf32, #tpu.memory_space<vmem>>, vector<1x512x64xf32>
    %swap3A_145 = vector.shape_cast %swap3A_144 : vector<1x512x64xf32> to vector<512x64xf32>
    %swap3A_146 = vector.shape_cast %slice3A_140 : vector<512x64xf32> to vector<1x512x64xf32>
    tpu.vector_store %arg14[%swap3A_141, %swap3A_142, %swap3A_143], %swap3A_146 {strides = array<i32>} : memref<4x512x64xf32, #tpu.memory_space<vmem>>, vector<1x512x64xf32>,
    %slice3A_147 = vector.extract_strided_slice %add3A_42 {offsets = [0, 64], sizes = [512, 64], strides = [1, 1]} : vector<512x256xf32> to vector<512x64xf32>
    %swap3A_148 = arith.constant 1 : index
    %swap3A_149 = arith.constant 0 : index
    %swap3A_150 = arith.constant 0 : index
    %swap3A_151 = vector.load %arg15[%swap3A_148, %swap3A_149, %swap3A_150] : memref<4x512x64xf32, #tpu.memory_space<vmem>>, vector<1x512x64xf32>
    %swap3A_152 = vector.shape_cast %swap3A_151 : vector<1x512x64xf32> to vector<512x64xf32>
    %swap3A_153 = vector.shape_cast %slice3A_147 : vector<512x64xf32> to vector<1x512x64xf32>
    tpu.vector_store %arg15[%swap3A_148, %swap3A_149, %swap3A_150], %swap3A_153 {strides = array<i32>} : memref<4x512x64xf32, #tpu.memory_space<vmem>>, vector<1x512x64xf32>,
    %slice3A_154 = vector.extract_strided_slice %add3A_125 {offsets = [0, 128], sizes = [512, 64], strides = [1, 1]} : vector<512x256xf32> to vector<512x64xf32>
    %swap3A_155 = arith.constant 2 : index
    %swap3A_156 = arith.constant 0 : index
    %swap3A_157 = arith.constant 0 : index
    %swap3A_158 = vector.load %arg14[%swap3A_155, %swap3A_156, %swap3A_157] : memref<4x512x64xf32, #tpu.memory_space<vmem>>, vector<1x512x64xf32>
    %swap3A_159 = vector.shape_cast %swap3A_158 : vector<1x512x64xf32> to vector<512x64xf32>
    %swap3A_160 = vector.shape_cast %slice3A_154 : vector<512x64xf32> to vector<1x512x64xf32>
    tpu.vector_store %arg14[%swap3A_155, %swap3A_156, %swap3A_157], %swap3A_160 {strides = array<i32>} : memref<4x512x64xf32, #tpu.memory_space<vmem>>, vector<1x512x64xf32>,
    %slice3A_161 = vector.extract_strided_slice %add3A_42 {offsets = [0, 128], sizes = [512, 64], strides = [1, 1]} : vector<512x256xf32> to vector<512x64xf32>
    %swap3A_162 = arith.constant 2 : index
    %swap3A_163 = arith.constant 0 : index
    %swap3A_164 = arith.constant 0 : index
    %swap3A_165 = vector.load %arg15[%swap3A_162, %swap3A_163, %swap3A_164] : memref<4x512x64xf32, #tpu.memory_space<vmem>>, vector<1x512x64xf32>
    %swap3A_166 = vector.shape_cast %swap3A_165 : vector<1x512x64xf32> to vector<512x64xf32>
    %swap3A_167 = vector.shape_cast %slice3A_161 : vector<512x64xf32> to vector<1x512x64xf32>
    tpu.vector_store %arg15[%swap3A_162, %swap3A_163, %swap3A_164], %swap3A_167 {strides = array<i32>} : memref<4x512x64xf32, #tpu.memory_space<vmem>>, vector<1x512x64xf32>,
    %slice3A_168 = vector.extract_strided_slice %add3A_125 {offsets = [0, 192], sizes = [512, 64], strides = [1, 1]} : vector<512x256xf32> to vector<512x64xf32>
    %swap3A_169 = arith.constant 3 : index
    %swap3A_170 = arith.constant 0 : index
    %swap3A_171 = arith.constant 0 : index
    %swap3A_172 = vector.load %arg14[%swap3A_169, %swap3A_170, %swap3A_171] : memref<4x512x64xf32, #tpu.memory_space<vmem>>, vector<1x512x64xf32>
    %swap3A_173 = vector.shape_cast %swap3A_172 : vector<1x512x64xf32> to vector<512x64xf32>
    %swap3A_174 = vector.shape_cast %slice3A_168 : vector<512x64xf32> to vector<1x512x64xf32>
    tpu.vector_store %arg14[%swap3A_169, %swap3A_170, %swap3A_171], %swap3A_174 {strides = array<i32>} : memref<4x512x64xf32, #tpu.memory_space<vmem>>, vector<1x512x64xf32>,
    %slice3A_175 = vector.extract_strided_slice %add3A_42 {offsets = [0, 192], sizes = [512, 64], strides = [1, 1]} : vector<512x256xf32> to vector<512x64xf32>
    %swap3A_176 = arith.constant 3 : index
    %swap3A_177 = arith.constant 0 : index
    %swap3A_178 = arith.constant 0 : index
    %swap3A_179 = vector.load %arg15[%swap3A_176, %swap3A_177, %swap3A_178] : memref<4x512x64xf32, #tpu.memory_space<vmem>>, vector<1x512x64xf32>
    %swap3A_180 = vector.shape_cast %swap3A_179 : vector<1x512x64xf32> to vector<512x64xf32>
    %swap3A_181 = vector.shape_cast %slice3A_175 : vector<512x64xf32> to vector<1x512x64xf32>
    tpu.vector_store %arg15[%swap3A_176, %swap3A_177, %swap3A_178], %swap3A_181 {strides = array<i32>} : memref<4x512x64xf32, #tpu.memory_space<vmem>>, vector<1x512x64xf32>,
    return
  }
  func.func @transform_0(%arg0: i32) -> (i32, i32) {
    %c0_i32 = arith.constant 0 : i32
    %c0_i32_0 = arith.constant 0 : i32
    return %arg0, %c0_i32 : i32, i32
  }
  func.func @transform_1(%arg0: i32) -> (i32, i32) {
    %c0_i32 = arith.constant 0 : i32
    %c0_i32_0 = arith.constant 0 : i32
    %c0_i32_1 = arith.constant 0 : i32
    return %c0_i32, %c0_i32_0 : i32, i32
  }
  func.func @transform_2(%arg0: i32) -> (i32, i32) {
    %c0_i32 = arith.constant 0 : i32
    %c0_i32_0 = arith.constant 0 : i32
    %c0_i32_1 = arith.constant 0 : i32
    return %c0_i32, %c0_i32_0 : i32, i32
  }
  func.func @transform_3(%arg0: i32) -> (i32, i32) {
    %c0_i32 = arith.constant 0 : i32
    %c0_i32_0 = arith.constant 0 : i32
    %c0_i32_1 = arith.constant 0 : i32
    return %c0_i32, %c0_i32_0 : i32, i32
  }
  func.func @transform_4(%arg0: i32) -> (i32, i32) {
    %c0_i32 = arith.constant 0 : i32
    %c0_i32_0 = arith.constant 0 : i32
    %c0_i32_1 = arith.constant 0 : i32
    return %c0_i32, %c0_i32_0 : i32, i32
  }
  func.func @transform_5(%arg0: i32) -> (i32, i32) {
    %c0_i32 = arith.constant 0 : i32
    %c0_i32_0 = arith.constant 0 : i32
    %c0_i32_1 = arith.constant 0 : i32
    return %c0_i32, %c0_i32_0 : i32, i32
  }
  func.func @transform_6(%arg0: i32) -> (i32, i32) {
    %c0_i32 = arith.constant 0 : i32
    %c0_i32_0 = arith.constant 0 : i32
    %c0_i32_1 = arith.constant 0 : i32
    return %c0_i32, %c0_i32_0 : i32, i32
  }
  func.func @transform_7(%arg0: i32) -> (i32, i32) {
    %c0_i32 = arith.constant 0 : i32
    %c0_i32_0 = arith.constant 0 : i32
    %c0_i32_1 = arith.constant 0 : i32
    return %c0_i32, %c0_i32_0 : i32, i32
  }
  func.func @transform_8(%arg0: i32) -> (i32, i32) {
    %c0_i32 = arith.constant 0 : i32
    %c0_i32_0 = arith.constant 0 : i32
    return %arg0, %c0_i32 : i32, i32
  }
  func.func @transform_9(%arg0: i32) -> (i32, i32) {
    %c0_i32 = arith.constant 0 : i32
    %c0_i32_0 = arith.constant 0 : i32
    return %arg0, %c0_i32 : i32, i32
  }
  func.func @transform_10(%arg0: i32) -> (i32, i32) {
    %c0_i32 = arith.constant 0 : i32
    %c0_i32_0 = arith.constant 0 : i32
    return %arg0, %c0_i32 : i32, i32
  }
  func.func @transform_11(%arg0: i32) -> (i32, i32) {
    %c0_i32 = arith.constant 0 : i32
    %c0_i32_0 = arith.constant 0 : i32
    return %arg0, %c0_i32 : i32, i32
  }
  func.func @transform_12(%arg0: i32) -> (i32, i32) {
    %c0_i32 = arith.constant 0 : i32
    %c0_i32_0 = arith.constant 0 : i32
    return %arg0, %c0_i32 : i32, i32
  }
  func.func @transform_13(%arg0: i32) -> (i32, i32, i32) {
    %c0_i32 = arith.constant 0 : i32
    %c0_i32_0 = arith.constant 0 : i32
    %c0_i32_1 = arith.constant 0 : i32
    return %c0_i32, %arg0, %c0_i32_0 : i32, i32, i32
  }
  func.func @transform_14(%arg0: i32) -> (i32, i32, i32) {
    %c0_i32 = arith.constant 0 : i32
    %c0_i32_0 = arith.constant 0 : i32
    %c0_i32_1 = arith.constant 0 : i32
    return %c0_i32, %arg0, %c0_i32_0 : i32, i32, i32
  }
}

module attributes {stable_mosaic.version = 14 : i64} {
  func.func @_routing_kernel(%arg0: memref<2048x8xf32, #tpu.memory_space<vmem>>, %arg1: memref<2048x1xf32, #tpu.memory_space<vmem>>, %arg2: memref<2048x1xf32, #tpu.memory_space<vmem>>, %arg3: memref<2048x1xi32, #tpu.memory_space<vmem>>, %arg4: memref<2048x1xi32, #tpu.memory_space<vmem>>, %arg5: memref<1x32xi32, #tpu.memory_space<vmem>>, %arg6: memref<24x1x256xi32, #tpu.memory_space<vmem>>) attributes {dimension_semantics = [], scalar_prefetch = 0 : i64, scratch_operands = 0 : i64, tpu.core_type = #tpu.core_type<tc>} {
    %get3A = arith.constant 0 : index
    %get3A_0 = arith.constant 0 : index
    %get3A_1 = vector.load %arg0[%get3A, %get3A_0] : memref<2048x8xf32, #tpu.memory_space<vmem>>, vector<2048x8xf32>
    %iota3A = tpu.iota {dimensions = array<i32: 1>} : vector<2048x8xi32>
    %convert_element_type3A = arith.sitofp %iota3A : vector<2048x8xi32> to vector<2048x8xf32>
    %reduce_max3A = arith.constant dense<0xFF800000> : vector<2048xf32>
    %reduce_max3A_2 = vector.multi_reduction <maximumf>, %get3A_1, %reduce_max3A [1] : vector<2048x8xf32> to vector<2048xf32>
    %broadcast_in_dim3A = vector.shape_cast %reduce_max3A_2 : vector<2048xf32> to vector<2048x1xf32>
    %eq3A = vector.broadcast %broadcast_in_dim3A : vector<2048x1xf32> to vector<2048x8xf32>
    %eq3A_3 = arith.cmpf oeq, %get3A_1, %eq3A : vector<2048x8xf32>
    %jit3A = arith.constant 8.000000e+00 : f32
    %broadcast_in_dim3A_4 = vector.broadcast %jit3A : f32 to vector<2048x8xf32>
    %select_n3A = arith.select %eq3A_3, %convert_element_type3A, %broadcast_in_dim3A_4 : vector<2048x8xi1>, vector<2048x8xf32>
    %reduce_min3A = arith.constant dense<0x7F800000> : vector<2048xf32>
    %reduce_min3A_5 = vector.multi_reduction <minimumf>, %select_n3A, %reduce_min3A [1] : vector<2048x8xf32> to vector<2048xf32>
    %broadcast_in_dim3A_6 = vector.shape_cast %reduce_min3A_5 : vector<2048xf32> to vector<2048x1xf32>
    %eq3A_7 = vector.broadcast %broadcast_in_dim3A_6 : vector<2048x1xf32> to vector<2048x8xf32>
    %eq3A_8 = arith.cmpf oeq, %convert_element_type3A, %eq3A_7 : vector<2048x8xf32>
    %jit3A_9 = arith.constant 0xFF800000 : f32
    %broadcast_in_dim3A_10 = vector.broadcast %jit3A_9 : f32 to vector<2048x8xf32>
    %select_n3A_11 = arith.select %eq3A_8, %broadcast_in_dim3A_10, %get3A_1 : vector<2048x8xi1>, vector<2048x8xf32>
    %reduce_max3A_12 = arith.constant dense<0xFF800000> : vector<2048xf32>
    %reduce_max3A_13 = vector.multi_reduction <maximumf>, %select_n3A_11, %reduce_max3A_12 [1] : vector<2048x8xf32> to vector<2048xf32>
    %broadcast_in_dim3A_14 = vector.shape_cast %reduce_max3A_13 : vector<2048xf32> to vector<2048x1xf32>
    %eq3A_15 = vector.broadcast %broadcast_in_dim3A_14 : vector<2048x1xf32> to vector<2048x8xf32>
    %eq3A_16 = arith.cmpf oeq, %select_n3A_11, %eq3A_15 : vector<2048x8xf32>
    %jit3A_17 = arith.constant 8.000000e+00 : f32
    %broadcast_in_dim3A_18 = vector.broadcast %jit3A_17 : f32 to vector<2048x8xf32>
    %select_n3A_19 = arith.select %eq3A_16, %convert_element_type3A, %broadcast_in_dim3A_18 : vector<2048x8xi1>, vector<2048x8xf32>
    %reduce_min3A_20 = arith.constant dense<0x7F800000> : vector<2048xf32>
    %reduce_min3A_21 = vector.multi_reduction <minimumf>, %select_n3A_19, %reduce_min3A_20 [1] : vector<2048x8xf32> to vector<2048xf32>
    %broadcast_in_dim3A_22 = vector.shape_cast %reduce_min3A_21 : vector<2048xf32> to vector<2048x1xf32>
    %sub3A = arith.subf %broadcast_in_dim3A_14, %broadcast_in_dim3A : vector<2048x1xf32>
    %exp3A = math.exp %sub3A : vector<2048x1xf32>
    %add3A = arith.constant 1.000000e+00 : f32
    %add3A_23 = vector.broadcast %add3A : f32 to vector<2048x1xf32>
    %add3A_24 = arith.addf %add3A_23, %exp3A : vector<2048x1xf32>
    %div3A = arith.constant 1.000000e+00 : f32
    %div3A_25 = vector.broadcast %div3A : f32 to vector<2048x1xf32>
    %div3A_26 = arith.divf %div3A_25, %add3A_24 : vector<2048x1xf32>
    %swap3A = arith.constant 0 : index
    %swap3A_27 = arith.constant 0 : index
    %swap3A_28 = vector.load %arg1[%swap3A, %swap3A_27] : memref<2048x1xf32, #tpu.memory_space<vmem>>, vector<2048x1xf32>
    tpu.vector_store %arg1[%swap3A, %swap3A_27], %div3A_26 {strides = array<i32>} : memref<2048x1xf32, #tpu.memory_space<vmem>>, vector<2048x1xf32>,
    %add3A_29 = arith.constant 1.000000e+00 : f32
    %add3A_30 = vector.broadcast %add3A_29 : f32 to vector<2048x1xf32>
    %add3A_31 = arith.addf %add3A_30, %exp3A : vector<2048x1xf32>
    %div3A_32 = arith.divf %exp3A, %add3A_31 : vector<2048x1xf32>
    %swap3A_33 = arith.constant 0 : index
    %swap3A_34 = arith.constant 0 : index
    %swap3A_35 = vector.load %arg2[%swap3A_33, %swap3A_34] : memref<2048x1xf32, #tpu.memory_space<vmem>>, vector<2048x1xf32>
    tpu.vector_store %arg2[%swap3A_33, %swap3A_34], %div3A_32 {strides = array<i32>} : memref<2048x1xf32, #tpu.memory_space<vmem>>, vector<2048x1xf32>,
    %eq3A_36 = vector.broadcast %broadcast_in_dim3A_6 : vector<2048x1xf32> to vector<2048x8xf32>
    %eq3A_37 = arith.cmpf oeq, %convert_element_type3A, %eq3A_36 : vector<2048x8xf32>
    %convert_element_type3A_38 = arith.extui %eq3A_37 : vector<2048x8xi1> to vector<2048x8xi32>
    %convert_element_type3A_39 = arith.sitofp %convert_element_type3A_38 : vector<2048x8xi32> to vector<2048x8xf32>
    %eq3A_40 = vector.broadcast %broadcast_in_dim3A_22 : vector<2048x1xf32> to vector<2048x8xf32>
    %eq3A_41 = arith.cmpf oeq, %convert_element_type3A, %eq3A_40 : vector<2048x8xf32>
    %convert_element_type3A_42 = arith.extui %eq3A_41 : vector<2048x8xi1> to vector<2048x8xi32>
    %convert_element_type3A_43 = arith.sitofp %convert_element_type3A_42 : vector<2048x8xi32> to vector<2048x8xf32>
    %iota3A_44 = tpu.iota {dimensions = array<i32: 0>} : vector<2048x2048xi32>
    %iota3A_45 = tpu.iota {dimensions = array<i32: 1>} : vector<2048x2048xi32>
    %lt3A = arith.cmpi slt, %iota3A_45, %iota3A_44 : vector<2048x2048xi32>
    %convert_element_type3A_46 = arith.extui %lt3A : vector<2048x2048xi1> to vector<2048x2048xi32>
    %convert_element_type3A_47 = arith.sitofp %convert_element_type3A_46 : vector<2048x2048xi32> to vector<2048x2048xf32>
    %dot_general3A = arith.constant dense<0.000000e+00> : vector<2048x8xf32>
    %dot_general3A_48 = tpu.matmul %convert_element_type3A_47, %convert_element_type3A_39, %dot_general3A {dimension_numbers = #tpu.dot_dimension_numbers<[1], [0], [0], [1], [0, 0, 1, 1], [], []>, transpose_lhs_hint = false} : vector<2048x2048xf32>, vector<2048x8xf32>, vector<2048x8xf32> -> vector<2048x8xf32>
    %dot_general3A_49 = arith.constant dense<0.000000e+00> : vector<2048x8xf32>
    %dot_general3A_50 = tpu.matmul %convert_element_type3A_47, %convert_element_type3A_43, %dot_general3A_49 {dimension_numbers = #tpu.dot_dimension_numbers<[1], [0], [0], [1], [0, 0, 1, 1], [], []>, transpose_lhs_hint = false} : vector<2048x2048xf32>, vector<2048x8xf32>, vector<2048x8xf32> -> vector<2048x8xf32>
    %reduce_sum3A = arith.constant dense<0.000000e+00> : vector<8xf32>
    %reduce_sum3A_51 = vector.multi_reduction <add>, %convert_element_type3A_39, %reduce_sum3A [0] : vector<2048x8xf32> to vector<8xf32>
    %broadcast_in_dim3A_52 = vector.shape_cast %reduce_sum3A_51 : vector<8xf32> to vector<1x8xf32>
    %reduce_sum3A_53 = arith.constant dense<0.000000e+00> : vector<8xf32>
    %reduce_sum3A_54 = vector.multi_reduction <add>, %convert_element_type3A_43, %reduce_sum3A_53 [0] : vector<2048x8xf32> to vector<8xf32>
    %broadcast_in_dim3A_55 = vector.shape_cast %reduce_sum3A_54 : vector<8xf32> to vector<1x8xf32>
    %add3A_56 = arith.addf %broadcast_in_dim3A_52, %broadcast_in_dim3A_55 : vector<1x8xf32>
    %mul3A = arith.constant 3.906250e-03 : f32
    %mul3A_57 = vector.broadcast %mul3A : f32 to vector<1x8xf32>
    %mul3A_58 = arith.mulf %add3A_56, %mul3A_57 : vector<1x8xf32>
    %ceil3A = math.ceil %mul3A_58 : vector<1x8xf32>
    %mul3A_59 = arith.constant 2.560000e+02 : f32
    %mul3A_60 = vector.broadcast %mul3A_59 : f32 to vector<1x8xf32>
    %mul3A_61 = arith.mulf %ceil3A, %mul3A_60 : vector<1x8xf32>
    %iota3A_62 = tpu.iota {dimensions = array<i32: 0>} : vector<8x8xi32>
    %iota3A_63 = tpu.iota {dimensions = array<i32: 1>} : vector<8x8xi32>
    %lt3A_64 = arith.cmpi slt, %iota3A_62, %iota3A_63 : vector<8x8xi32>
    %convert_element_type3A_65 = arith.extui %lt3A_64 : vector<8x8xi1> to vector<8x8xi32>
    %convert_element_type3A_66 = arith.sitofp %convert_element_type3A_65 : vector<8x8xi32> to vector<8x8xf32>
    %dot_general3A_67 = arith.constant dense<0.000000e+00> : vector<1x8xf32>
    %dot_general3A_68 = tpu.matmul %mul3A_61, %convert_element_type3A_66, %dot_general3A_67 {dimension_numbers = #tpu.dot_dimension_numbers<[1], [0], [0], [1], [0, 0, 1, 1], [], []>, transpose_lhs_hint = false} : vector<1x8xf32>, vector<8x8xf32>, vector<1x8xf32> -> vector<1x8xf32>
    %add3A_69 = vector.broadcast %dot_general3A_68 : vector<1x8xf32> to vector<2048x8xf32>
    %add3A_70 = arith.addf %add3A_69, %dot_general3A_48 : vector<2048x8xf32>
    %mul3A_71 = arith.mulf %add3A_70, %convert_element_type3A_39 : vector<2048x8xf32>
    %reduce_sum3A_72 = arith.constant dense<0.000000e+00> : vector<2048xf32>
    %reduce_sum3A_73 = vector.multi_reduction <add>, %mul3A_71, %reduce_sum3A_72 [1] : vector<2048x8xf32> to vector<2048xf32>
    %broadcast_in_dim3A_74 = vector.shape_cast %reduce_sum3A_73 : vector<2048xf32> to vector<2048x1xf32>
    %add3A_75 = arith.addf %dot_general3A_68, %broadcast_in_dim3A_52 : vector<1x8xf32>
    %add3A_76 = vector.broadcast %add3A_75 : vector<1x8xf32> to vector<2048x8xf32>
    %add3A_77 = arith.addf %add3A_76, %dot_general3A_50 : vector<2048x8xf32>
    %mul3A_78 = arith.mulf %add3A_77, %convert_element_type3A_43 : vector<2048x8xf32>
    %reduce_sum3A_79 = arith.constant dense<0.000000e+00> : vector<2048xf32>
    %reduce_sum3A_80 = vector.multi_reduction <add>, %mul3A_78, %reduce_sum3A_79 [1] : vector<2048x8xf32> to vector<2048xf32>
    %broadcast_in_dim3A_81 = vector.shape_cast %reduce_sum3A_80 : vector<2048xf32> to vector<2048x1xf32>
    %convert_element_type3A_82 = arith.fptosi %broadcast_in_dim3A_74 : vector<2048x1xf32> to vector<2048x1xi32>
    %convert_element_type3A_83 = arith.fptosi %broadcast_in_dim3A_81 : vector<2048x1xf32> to vector<2048x1xi32>
    %swap3A_84 = arith.constant 0 : index
    %swap3A_85 = arith.constant 0 : index
    %swap3A_86 = vector.load %arg3[%swap3A_84, %swap3A_85] : memref<2048x1xi32, #tpu.memory_space<vmem>>, vector<2048x1xi32>
    tpu.vector_store %arg3[%swap3A_84, %swap3A_85], %convert_element_type3A_82 {strides = array<i32>} : memref<2048x1xi32, #tpu.memory_space<vmem>>, vector<2048x1xi32>,
    %swap3A_87 = arith.constant 0 : index
    %swap3A_88 = arith.constant 0 : index
    %swap3A_89 = vector.load %arg4[%swap3A_87, %swap3A_88] : memref<2048x1xi32, #tpu.memory_space<vmem>>, vector<2048x1xi32>
    tpu.vector_store %arg4[%swap3A_87, %swap3A_88], %convert_element_type3A_83 {strides = array<i32>} : memref<2048x1xi32, #tpu.memory_space<vmem>>, vector<2048x1xi32>,
    %iota3A_90 = tpu.iota {dimensions = array<i32: 0>} : vector<2048x256xi32>
    %iota3A_91 = tpu.iota {dimensions = array<i32: 1>} : vector<1x256xi32>
    %add3A_92 = arith.constant 0 : i32
    %add3A_93 = vector.broadcast %add3A_92 : i32 to vector<1x256xi32>
    %add3A_94 = arith.addi %add3A_93, %iota3A_91 : vector<1x256xi32>
    %eq3A_95 = vector.broadcast %convert_element_type3A_82 : vector<2048x1xi32> to vector<2048x256xi32>
    %eq3A_96 = vector.broadcast %add3A_94 : vector<1x256xi32> to vector<2048x256xi32>
    %eq3A_97 = arith.cmpi eq, %eq3A_95, %eq3A_96 : vector<2048x256xi32>
    %jit3A_98 = arith.constant 0 : i32
    %broadcast_in_dim3A_99 = vector.broadcast %jit3A_98 : i32 to vector<2048x256xi32>
    %select_n3A_100 = arith.select %eq3A_97, %iota3A_90, %broadcast_in_dim3A_99 : vector<2048x256xi1>, vector<2048x256xi32>
    %reduce_sum3A_101 = arith.constant dense<0> : vector<256xi32>
    %reduce_sum3A_102 = vector.multi_reduction <add>, %select_n3A_100, %reduce_sum3A_101 [0] : vector<2048x256xi32> to vector<256xi32>
    %broadcast_in_dim3A_103 = vector.shape_cast %reduce_sum3A_102 : vector<256xi32> to vector<1x256xi32>
    %eq3A_104 = vector.broadcast %convert_element_type3A_83 : vector<2048x1xi32> to vector<2048x256xi32>
    %eq3A_105 = vector.broadcast %add3A_94 : vector<1x256xi32> to vector<2048x256xi32>
    %eq3A_106 = arith.cmpi eq, %eq3A_104, %eq3A_105 : vector<2048x256xi32>
    %jit3A_107 = arith.constant 0 : i32
    %broadcast_in_dim3A_108 = vector.broadcast %jit3A_107 : i32 to vector<2048x256xi32>
    %select_n3A_109 = arith.select %eq3A_106, %iota3A_90, %broadcast_in_dim3A_108 : vector<2048x256xi1>, vector<2048x256xi32>
    %reduce_sum3A_110 = arith.constant dense<0> : vector<256xi32>
    %reduce_sum3A_111 = vector.multi_reduction <add>, %select_n3A_109, %reduce_sum3A_110 [0] : vector<2048x256xi32> to vector<256xi32>
    %broadcast_in_dim3A_112 = vector.shape_cast %reduce_sum3A_111 : vector<256xi32> to vector<1x256xi32>
    %add3A_113 = arith.addi %broadcast_in_dim3A_103, %broadcast_in_dim3A_112 : vector<1x256xi32>
    %swap3A_114 = arith.constant 0 : index
    %swap3A_115 = arith.constant 0 : index
    %swap3A_116 = arith.constant 0 : index
    %swap3A_117 = vector.load %arg6[%swap3A_114, %swap3A_115, %swap3A_116] : memref<24x1x256xi32, #tpu.memory_space<vmem>>, vector<1x1x256xi32>
    %swap3A_118 = vector.shape_cast %swap3A_117 : vector<1x1x256xi32> to vector<1x256xi32>
    %swap3A_119 = vector.shape_cast %add3A_113 : vector<1x256xi32> to vector<1x1x256xi32>
    tpu.vector_store %arg6[%swap3A_114, %swap3A_115, %swap3A_116], %swap3A_119 {strides = array<i32>} : memref<24x1x256xi32, #tpu.memory_space<vmem>>, vector<1x1x256xi32>,
    %iota3A_120 = tpu.iota {dimensions = array<i32: 1>} : vector<1x256xi32>
    %add3A_121 = arith.constant 256 : i32
    %add3A_122 = vector.broadcast %add3A_121 : i32 to vector<1x256xi32>
    %add3A_123 = arith.addi %add3A_122, %iota3A_120 : vector<1x256xi32>
    %eq3A_124 = vector.broadcast %convert_element_type3A_82 : vector<2048x1xi32> to vector<2048x256xi32>
    %eq3A_125 = vector.broadcast %add3A_123 : vector<1x256xi32> to vector<2048x256xi32>
    %eq3A_126 = arith.cmpi eq, %eq3A_124, %eq3A_125 : vector<2048x256xi32>
    %jit3A_127 = arith.constant 0 : i32
    %broadcast_in_dim3A_128 = vector.broadcast %jit3A_127 : i32 to vector<2048x256xi32>
    %select_n3A_129 = arith.select %eq3A_126, %iota3A_90, %broadcast_in_dim3A_128 : vector<2048x256xi1>, vector<2048x256xi32>
    %reduce_sum3A_130 = arith.constant dense<0> : vector<256xi32>
    %reduce_sum3A_131 = vector.multi_reduction <add>, %select_n3A_129, %reduce_sum3A_130 [0] : vector<2048x256xi32> to vector<256xi32>
    %broadcast_in_dim3A_132 = vector.shape_cast %reduce_sum3A_131 : vector<256xi32> to vector<1x256xi32>
    %eq3A_133 = vector.broadcast %convert_element_type3A_83 : vector<2048x1xi32> to vector<2048x256xi32>
    %eq3A_134 = vector.broadcast %add3A_123 : vector<1x256xi32> to vector<2048x256xi32>
    %eq3A_135 = arith.cmpi eq, %eq3A_133, %eq3A_134 : vector<2048x256xi32>
    %jit3A_136 = arith.constant 0 : i32
    %broadcast_in_dim3A_137 = vector.broadcast %jit3A_136 : i32 to vector<2048x256xi32>
    %select_n3A_138 = arith.select %eq3A_135, %iota3A_90, %broadcast_in_dim3A_137 : vector<2048x256xi1>, vector<2048x256xi32>
    %reduce_sum3A_139 = arith.constant dense<0> : vector<256xi32>
    %reduce_sum3A_140 = vector.multi_reduction <add>, %select_n3A_138, %reduce_sum3A_139 [0] : vector<2048x256xi32> to vector<256xi32>
    %broadcast_in_dim3A_141 = vector.shape_cast %reduce_sum3A_140 : vector<256xi32> to vector<1x256xi32>
    %add3A_142 = arith.addi %broadcast_in_dim3A_132, %broadcast_in_dim3A_141 : vector<1x256xi32>
    %swap3A_143 = arith.constant 1 : index
    %swap3A_144 = arith.constant 0 : index
    %swap3A_145 = arith.constant 0 : index
    %swap3A_146 = vector.load %arg6[%swap3A_143, %swap3A_144, %swap3A_145] : memref<24x1x256xi32, #tpu.memory_space<vmem>>, vector<1x1x256xi32>
    %swap3A_147 = vector.shape_cast %swap3A_146 : vector<1x1x256xi32> to vector<1x256xi32>
    %swap3A_148 = vector.shape_cast %add3A_142 : vector<1x256xi32> to vector<1x1x256xi32>
    tpu.vector_store %arg6[%swap3A_143, %swap3A_144, %swap3A_145], %swap3A_148 {strides = array<i32>} : memref<24x1x256xi32, #tpu.memory_space<vmem>>, vector<1x1x256xi32>,
    %iota3A_149 = tpu.iota {dimensions = array<i32: 1>} : vector<1x256xi32>
    %add3A_150 = arith.constant 512 : i32
    %add3A_151 = vector.broadcast %add3A_150 : i32 to vector<1x256xi32>
    %add3A_152 = arith.addi %add3A_151, %iota3A_149 : vector<1x256xi32>
    %eq3A_153 = vector.broadcast %convert_element_type3A_82 : vector<2048x1xi32> to vector<2048x256xi32>
    %eq3A_154 = vector.broadcast %add3A_152 : vector<1x256xi32> to vector<2048x256xi32>
    %eq3A_155 = arith.cmpi eq, %eq3A_153, %eq3A_154 : vector<2048x256xi32>
    %jit3A_156 = arith.constant 0 : i32
    %broadcast_in_dim3A_157 = vector.broadcast %jit3A_156 : i32 to vector<2048x256xi32>
    %select_n3A_158 = arith.select %eq3A_155, %iota3A_90, %broadcast_in_dim3A_157 : vector<2048x256xi1>, vector<2048x256xi32>
    %reduce_sum3A_159 = arith.constant dense<0> : vector<256xi32>
    %reduce_sum3A_160 = vector.multi_reduction <add>, %select_n3A_158, %reduce_sum3A_159 [0] : vector<2048x256xi32> to vector<256xi32>
    %broadcast_in_dim3A_161 = vector.shape_cast %reduce_sum3A_160 : vector<256xi32> to vector<1x256xi32>
    %eq3A_162 = vector.broadcast %convert_element_type3A_83 : vector<2048x1xi32> to vector<2048x256xi32>
    %eq3A_163 = vector.broadcast %add3A_152 : vector<1x256xi32> to vector<2048x256xi32>
    %eq3A_164 = arith.cmpi eq, %eq3A_162, %eq3A_163 : vector<2048x256xi32>
    %jit3A_165 = arith.constant 0 : i32
    %broadcast_in_dim3A_166 = vector.broadcast %jit3A_165 : i32 to vector<2048x256xi32>
    %select_n3A_167 = arith.select %eq3A_164, %iota3A_90, %broadcast_in_dim3A_166 : vector<2048x256xi1>, vector<2048x256xi32>
    %reduce_sum3A_168 = arith.constant dense<0> : vector<256xi32>
    %reduce_sum3A_169 = vector.multi_reduction <add>, %select_n3A_167, %reduce_sum3A_168 [0] : vector<2048x256xi32> to vector<256xi32>
    %broadcast_in_dim3A_170 = vector.shape_cast %reduce_sum3A_169 : vector<256xi32> to vector<1x256xi32>
    %add3A_171 = arith.addi %broadcast_in_dim3A_161, %broadcast_in_dim3A_170 : vector<1x256xi32>
    %swap3A_172 = arith.constant 2 : index
    %swap3A_173 = arith.constant 0 : index
    %swap3A_174 = arith.constant 0 : index
    %swap3A_175 = vector.load %arg6[%swap3A_172, %swap3A_173, %swap3A_174] : memref<24x1x256xi32, #tpu.memory_space<vmem>>, vector<1x1x256xi32>
    %swap3A_176 = vector.shape_cast %swap3A_175 : vector<1x1x256xi32> to vector<1x256xi32>
    %swap3A_177 = vector.shape_cast %add3A_171 : vector<1x256xi32> to vector<1x1x256xi32>
    tpu.vector_store %arg6[%swap3A_172, %swap3A_173, %swap3A_174], %swap3A_177 {strides = array<i32>} : memref<24x1x256xi32, #tpu.memory_space<vmem>>, vector<1x1x256xi32>,
    %iota3A_178 = tpu.iota {dimensions = array<i32: 1>} : vector<1x256xi32>
    %add3A_179 = arith.constant 768 : i32
    %add3A_180 = vector.broadcast %add3A_179 : i32 to vector<1x256xi32>
    %add3A_181 = arith.addi %add3A_180, %iota3A_178 : vector<1x256xi32>
    %eq3A_182 = vector.broadcast %convert_element_type3A_82 : vector<2048x1xi32> to vector<2048x256xi32>
    %eq3A_183 = vector.broadcast %add3A_181 : vector<1x256xi32> to vector<2048x256xi32>
    %eq3A_184 = arith.cmpi eq, %eq3A_182, %eq3A_183 : vector<2048x256xi32>
    %jit3A_185 = arith.constant 0 : i32
    %broadcast_in_dim3A_186 = vector.broadcast %jit3A_185 : i32 to vector<2048x256xi32>
    %select_n3A_187 = arith.select %eq3A_184, %iota3A_90, %broadcast_in_dim3A_186 : vector<2048x256xi1>, vector<2048x256xi32>
    %reduce_sum3A_188 = arith.constant dense<0> : vector<256xi32>
    %reduce_sum3A_189 = vector.multi_reduction <add>, %select_n3A_187, %reduce_sum3A_188 [0] : vector<2048x256xi32> to vector<256xi32>
    %broadcast_in_dim3A_190 = vector.shape_cast %reduce_sum3A_189 : vector<256xi32> to vector<1x256xi32>
    %eq3A_191 = vector.broadcast %convert_element_type3A_83 : vector<2048x1xi32> to vector<2048x256xi32>
    %eq3A_192 = vector.broadcast %add3A_181 : vector<1x256xi32> to vector<2048x256xi32>
    %eq3A_193 = arith.cmpi eq, %eq3A_191, %eq3A_192 : vector<2048x256xi32>
    %jit3A_194 = arith.constant 0 : i32
    %broadcast_in_dim3A_195 = vector.broadcast %jit3A_194 : i32 to vector<2048x256xi32>
    %select_n3A_196 = arith.select %eq3A_193, %iota3A_90, %broadcast_in_dim3A_195 : vector<2048x256xi1>, vector<2048x256xi32>
    %reduce_sum3A_197 = arith.constant dense<0> : vector<256xi32>
    %reduce_sum3A_198 = vector.multi_reduction <add>, %select_n3A_196, %reduce_sum3A_197 [0] : vector<2048x256xi32> to vector<256xi32>
    %broadcast_in_dim3A_199 = vector.shape_cast %reduce_sum3A_198 : vector<256xi32> to vector<1x256xi32>
    %add3A_200 = arith.addi %broadcast_in_dim3A_190, %broadcast_in_dim3A_199 : vector<1x256xi32>
    %swap3A_201 = arith.constant 3 : index
    %swap3A_202 = arith.constant 0 : index
    %swap3A_203 = arith.constant 0 : index
    %swap3A_204 = vector.load %arg6[%swap3A_201, %swap3A_202, %swap3A_203] : memref<24x1x256xi32, #tpu.memory_space<vmem>>, vector<1x1x256xi32>
    %swap3A_205 = vector.shape_cast %swap3A_204 : vector<1x1x256xi32> to vector<1x256xi32>
    %swap3A_206 = vector.shape_cast %add3A_200 : vector<1x256xi32> to vector<1x1x256xi32>
    tpu.vector_store %arg6[%swap3A_201, %swap3A_202, %swap3A_203], %swap3A_206 {strides = array<i32>} : memref<24x1x256xi32, #tpu.memory_space<vmem>>, vector<1x1x256xi32>,
    %iota3A_207 = tpu.iota {dimensions = array<i32: 1>} : vector<1x256xi32>
    %add3A_208 = arith.constant 1024 : i32
    %add3A_209 = vector.broadcast %add3A_208 : i32 to vector<1x256xi32>
    %add3A_210 = arith.addi %add3A_209, %iota3A_207 : vector<1x256xi32>
    %eq3A_211 = vector.broadcast %convert_element_type3A_82 : vector<2048x1xi32> to vector<2048x256xi32>
    %eq3A_212 = vector.broadcast %add3A_210 : vector<1x256xi32> to vector<2048x256xi32>
    %eq3A_213 = arith.cmpi eq, %eq3A_211, %eq3A_212 : vector<2048x256xi32>
    %jit3A_214 = arith.constant 0 : i32
    %broadcast_in_dim3A_215 = vector.broadcast %jit3A_214 : i32 to vector<2048x256xi32>
    %select_n3A_216 = arith.select %eq3A_213, %iota3A_90, %broadcast_in_dim3A_215 : vector<2048x256xi1>, vector<2048x256xi32>
    %reduce_sum3A_217 = arith.constant dense<0> : vector<256xi32>
    %reduce_sum3A_218 = vector.multi_reduction <add>, %select_n3A_216, %reduce_sum3A_217 [0] : vector<2048x256xi32> to vector<256xi32>
    %broadcast_in_dim3A_219 = vector.shape_cast %reduce_sum3A_218 : vector<256xi32> to vector<1x256xi32>
    %eq3A_220 = vector.broadcast %convert_element_type3A_83 : vector<2048x1xi32> to vector<2048x256xi32>
    %eq3A_221 = vector.broadcast %add3A_210 : vector<1x256xi32> to vector<2048x256xi32>
    %eq3A_222 = arith.cmpi eq, %eq3A_220, %eq3A_221 : vector<2048x256xi32>
    %jit3A_223 = arith.constant 0 : i32
    %broadcast_in_dim3A_224 = vector.broadcast %jit3A_223 : i32 to vector<2048x256xi32>
    %select_n3A_225 = arith.select %eq3A_222, %iota3A_90, %broadcast_in_dim3A_224 : vector<2048x256xi1>, vector<2048x256xi32>
    %reduce_sum3A_226 = arith.constant dense<0> : vector<256xi32>
    %reduce_sum3A_227 = vector.multi_reduction <add>, %select_n3A_225, %reduce_sum3A_226 [0] : vector<2048x256xi32> to vector<256xi32>
    %broadcast_in_dim3A_228 = vector.shape_cast %reduce_sum3A_227 : vector<256xi32> to vector<1x256xi32>
    %add3A_229 = arith.addi %broadcast_in_dim3A_219, %broadcast_in_dim3A_228 : vector<1x256xi32>
    %swap3A_230 = arith.constant 4 : index
    %swap3A_231 = arith.constant 0 : index
    %swap3A_232 = arith.constant 0 : index
    %swap3A_233 = vector.load %arg6[%swap3A_230, %swap3A_231, %swap3A_232] : memref<24x1x256xi32, #tpu.memory_space<vmem>>, vector<1x1x256xi32>
    %swap3A_234 = vector.shape_cast %swap3A_233 : vector<1x1x256xi32> to vector<1x256xi32>
    %swap3A_235 = vector.shape_cast %add3A_229 : vector<1x256xi32> to vector<1x1x256xi32>
    tpu.vector_store %arg6[%swap3A_230, %swap3A_231, %swap3A_232], %swap3A_235 {strides = array<i32>} : memref<24x1x256xi32, #tpu.memory_space<vmem>>, vector<1x1x256xi32>,
    %iota3A_236 = tpu.iota {dimensions = array<i32: 1>} : vector<1x256xi32>
    %add3A_237 = arith.constant 1280 : i32
    %add3A_238 = vector.broadcast %add3A_237 : i32 to vector<1x256xi32>
    %add3A_239 = arith.addi %add3A_238, %iota3A_236 : vector<1x256xi32>
    %eq3A_240 = vector.broadcast %convert_element_type3A_82 : vector<2048x1xi32> to vector<2048x256xi32>
    %eq3A_241 = vector.broadcast %add3A_239 : vector<1x256xi32> to vector<2048x256xi32>
    %eq3A_242 = arith.cmpi eq, %eq3A_240, %eq3A_241 : vector<2048x256xi32>
    %jit3A_243 = arith.constant 0 : i32
    %broadcast_in_dim3A_244 = vector.broadcast %jit3A_243 : i32 to vector<2048x256xi32>
    %select_n3A_245 = arith.select %eq3A_242, %iota3A_90, %broadcast_in_dim3A_244 : vector<2048x256xi1>, vector<2048x256xi32>
    %reduce_sum3A_246 = arith.constant dense<0> : vector<256xi32>
    %reduce_sum3A_247 = vector.multi_reduction <add>, %select_n3A_245, %reduce_sum3A_246 [0] : vector<2048x256xi32> to vector<256xi32>
    %broadcast_in_dim3A_248 = vector.shape_cast %reduce_sum3A_247 : vector<256xi32> to vector<1x256xi32>
    %eq3A_249 = vector.broadcast %convert_element_type3A_83 : vector<2048x1xi32> to vector<2048x256xi32>
    %eq3A_250 = vector.broadcast %add3A_239 : vector<1x256xi32> to vector<2048x256xi32>
    %eq3A_251 = arith.cmpi eq, %eq3A_249, %eq3A_250 : vector<2048x256xi32>
    %jit3A_252 = arith.constant 0 : i32
    %broadcast_in_dim3A_253 = vector.broadcast %jit3A_252 : i32 to vector<2048x256xi32>
    %select_n3A_254 = arith.select %eq3A_251, %iota3A_90, %broadcast_in_dim3A_253 : vector<2048x256xi1>, vector<2048x256xi32>
    %reduce_sum3A_255 = arith.constant dense<0> : vector<256xi32>
    %reduce_sum3A_256 = vector.multi_reduction <add>, %select_n3A_254, %reduce_sum3A_255 [0] : vector<2048x256xi32> to vector<256xi32>
    %broadcast_in_dim3A_257 = vector.shape_cast %reduce_sum3A_256 : vector<256xi32> to vector<1x256xi32>
    %add3A_258 = arith.addi %broadcast_in_dim3A_248, %broadcast_in_dim3A_257 : vector<1x256xi32>
    %swap3A_259 = arith.constant 5 : index
    %swap3A_260 = arith.constant 0 : index
    %swap3A_261 = arith.constant 0 : index
    %swap3A_262 = vector.load %arg6[%swap3A_259, %swap3A_260, %swap3A_261] : memref<24x1x256xi32, #tpu.memory_space<vmem>>, vector<1x1x256xi32>
    %swap3A_263 = vector.shape_cast %swap3A_262 : vector<1x1x256xi32> to vector<1x256xi32>
    %swap3A_264 = vector.shape_cast %add3A_258 : vector<1x256xi32> to vector<1x1x256xi32>
    tpu.vector_store %arg6[%swap3A_259, %swap3A_260, %swap3A_261], %swap3A_264 {strides = array<i32>} : memref<24x1x256xi32, #tpu.memory_space<vmem>>, vector<1x1x256xi32>,
    %iota3A_265 = tpu.iota {dimensions = array<i32: 1>} : vector<1x256xi32>
    %add3A_266 = arith.constant 1536 : i32
    %add3A_267 = vector.broadcast %add3A_266 : i32 to vector<1x256xi32>
    %add3A_268 = arith.addi %add3A_267, %iota3A_265 : vector<1x256xi32>
    %eq3A_269 = vector.broadcast %convert_element_type3A_82 : vector<2048x1xi32> to vector<2048x256xi32>
    %eq3A_270 = vector.broadcast %add3A_268 : vector<1x256xi32> to vector<2048x256xi32>
    %eq3A_271 = arith.cmpi eq, %eq3A_269, %eq3A_270 : vector<2048x256xi32>
    %jit3A_272 = arith.constant 0 : i32
    %broadcast_in_dim3A_273 = vector.broadcast %jit3A_272 : i32 to vector<2048x256xi32>
    %select_n3A_274 = arith.select %eq3A_271, %iota3A_90, %broadcast_in_dim3A_273 : vector<2048x256xi1>, vector<2048x256xi32>
    %reduce_sum3A_275 = arith.constant dense<0> : vector<256xi32>
    %reduce_sum3A_276 = vector.multi_reduction <add>, %select_n3A_274, %reduce_sum3A_275 [0] : vector<2048x256xi32> to vector<256xi32>
    %broadcast_in_dim3A_277 = vector.shape_cast %reduce_sum3A_276 : vector<256xi32> to vector<1x256xi32>
    %eq3A_278 = vector.broadcast %convert_element_type3A_83 : vector<2048x1xi32> to vector<2048x256xi32>
    %eq3A_279 = vector.broadcast %add3A_268 : vector<1x256xi32> to vector<2048x256xi32>
    %eq3A_280 = arith.cmpi eq, %eq3A_278, %eq3A_279 : vector<2048x256xi32>
    %jit3A_281 = arith.constant 0 : i32
    %broadcast_in_dim3A_282 = vector.broadcast %jit3A_281 : i32 to vector<2048x256xi32>
    %select_n3A_283 = arith.select %eq3A_280, %iota3A_90, %broadcast_in_dim3A_282 : vector<2048x256xi1>, vector<2048x256xi32>
    %reduce_sum3A_284 = arith.constant dense<0> : vector<256xi32>
    %reduce_sum3A_285 = vector.multi_reduction <add>, %select_n3A_283, %reduce_sum3A_284 [0] : vector<2048x256xi32> to vector<256xi32>
    %broadcast_in_dim3A_286 = vector.shape_cast %reduce_sum3A_285 : vector<256xi32> to vector<1x256xi32>
    %add3A_287 = arith.addi %broadcast_in_dim3A_277, %broadcast_in_dim3A_286 : vector<1x256xi32>
    %swap3A_288 = arith.constant 6 : index
    %swap3A_289 = arith.constant 0 : index
    %swap3A_290 = arith.constant 0 : index
    %swap3A_291 = vector.load %arg6[%swap3A_288, %swap3A_289, %swap3A_290] : memref<24x1x256xi32, #tpu.memory_space<vmem>>, vector<1x1x256xi32>
    %swap3A_292 = vector.shape_cast %swap3A_291 : vector<1x1x256xi32> to vector<1x256xi32>
    %swap3A_293 = vector.shape_cast %add3A_287 : vector<1x256xi32> to vector<1x1x256xi32>
    tpu.vector_store %arg6[%swap3A_288, %swap3A_289, %swap3A_290], %swap3A_293 {strides = array<i32>} : memref<24x1x256xi32, #tpu.memory_space<vmem>>, vector<1x1x256xi32>,
    %iota3A_294 = tpu.iota {dimensions = array<i32: 1>} : vector<1x256xi32>
    %add3A_295 = arith.constant 1792 : i32
    %add3A_296 = vector.broadcast %add3A_295 : i32 to vector<1x256xi32>
    %add3A_297 = arith.addi %add3A_296, %iota3A_294 : vector<1x256xi32>
    %eq3A_298 = vector.broadcast %convert_element_type3A_82 : vector<2048x1xi32> to vector<2048x256xi32>
    %eq3A_299 = vector.broadcast %add3A_297 : vector<1x256xi32> to vector<2048x256xi32>
    %eq3A_300 = arith.cmpi eq, %eq3A_298, %eq3A_299 : vector<2048x256xi32>
    %jit3A_301 = arith.constant 0 : i32
    %broadcast_in_dim3A_302 = vector.broadcast %jit3A_301 : i32 to vector<2048x256xi32>
    %select_n3A_303 = arith.select %eq3A_300, %iota3A_90, %broadcast_in_dim3A_302 : vector<2048x256xi1>, vector<2048x256xi32>
    %reduce_sum3A_304 = arith.constant dense<0> : vector<256xi32>
    %reduce_sum3A_305 = vector.multi_reduction <add>, %select_n3A_303, %reduce_sum3A_304 [0] : vector<2048x256xi32> to vector<256xi32>
    %broadcast_in_dim3A_306 = vector.shape_cast %reduce_sum3A_305 : vector<256xi32> to vector<1x256xi32>
    %eq3A_307 = vector.broadcast %convert_element_type3A_83 : vector<2048x1xi32> to vector<2048x256xi32>
    %eq3A_308 = vector.broadcast %add3A_297 : vector<1x256xi32> to vector<2048x256xi32>
    %eq3A_309 = arith.cmpi eq, %eq3A_307, %eq3A_308 : vector<2048x256xi32>
    %jit3A_310 = arith.constant 0 : i32
    %broadcast_in_dim3A_311 = vector.broadcast %jit3A_310 : i32 to vector<2048x256xi32>
    %select_n3A_312 = arith.select %eq3A_309, %iota3A_90, %broadcast_in_dim3A_311 : vector<2048x256xi1>, vector<2048x256xi32>
    %reduce_sum3A_313 = arith.constant dense<0> : vector<256xi32>
    %reduce_sum3A_314 = vector.multi_reduction <add>, %select_n3A_312, %reduce_sum3A_313 [0] : vector<2048x256xi32> to vector<256xi32>
    %broadcast_in_dim3A_315 = vector.shape_cast %reduce_sum3A_314 : vector<256xi32> to vector<1x256xi32>
    %add3A_316 = arith.addi %broadcast_in_dim3A_306, %broadcast_in_dim3A_315 : vector<1x256xi32>
    %swap3A_317 = arith.constant 7 : index
    %swap3A_318 = arith.constant 0 : index
    %swap3A_319 = arith.constant 0 : index
    %swap3A_320 = vector.load %arg6[%swap3A_317, %swap3A_318, %swap3A_319] : memref<24x1x256xi32, #tpu.memory_space<vmem>>, vector<1x1x256xi32>
    %swap3A_321 = vector.shape_cast %swap3A_320 : vector<1x1x256xi32> to vector<1x256xi32>
    %swap3A_322 = vector.shape_cast %add3A_316 : vector<1x256xi32> to vector<1x1x256xi32>
    tpu.vector_store %arg6[%swap3A_317, %swap3A_318, %swap3A_319], %swap3A_322 {strides = array<i32>} : memref<24x1x256xi32, #tpu.memory_space<vmem>>, vector<1x1x256xi32>,
    %iota3A_323 = tpu.iota {dimensions = array<i32: 1>} : vector<1x256xi32>
    %add3A_324 = arith.constant 2048 : i32
    %add3A_325 = vector.broadcast %add3A_324 : i32 to vector<1x256xi32>
    %add3A_326 = arith.addi %add3A_325, %iota3A_323 : vector<1x256xi32>
    %eq3A_327 = vector.broadcast %convert_element_type3A_82 : vector<2048x1xi32> to vector<2048x256xi32>
    %eq3A_328 = vector.broadcast %add3A_326 : vector<1x256xi32> to vector<2048x256xi32>
    %eq3A_329 = arith.cmpi eq, %eq3A_327, %eq3A_328 : vector<2048x256xi32>
    %jit3A_330 = arith.constant 0 : i32
    %broadcast_in_dim3A_331 = vector.broadcast %jit3A_330 : i32 to vector<2048x256xi32>
    %select_n3A_332 = arith.select %eq3A_329, %iota3A_90, %broadcast_in_dim3A_331 : vector<2048x256xi1>, vector<2048x256xi32>
    %reduce_sum3A_333 = arith.constant dense<0> : vector<256xi32>
    %reduce_sum3A_334 = vector.multi_reduction <add>, %select_n3A_332, %reduce_sum3A_333 [0] : vector<2048x256xi32> to vector<256xi32>
    %broadcast_in_dim3A_335 = vector.shape_cast %reduce_sum3A_334 : vector<256xi32> to vector<1x256xi32>
    %eq3A_336 = vector.broadcast %convert_element_type3A_83 : vector<2048x1xi32> to vector<2048x256xi32>
    %eq3A_337 = vector.broadcast %add3A_326 : vector<1x256xi32> to vector<2048x256xi32>
    %eq3A_338 = arith.cmpi eq, %eq3A_336, %eq3A_337 : vector<2048x256xi32>
    %jit3A_339 = arith.constant 0 : i32
    %broadcast_in_dim3A_340 = vector.broadcast %jit3A_339 : i32 to vector<2048x256xi32>
    %select_n3A_341 = arith.select %eq3A_338, %iota3A_90, %broadcast_in_dim3A_340 : vector<2048x256xi1>, vector<2048x256xi32>
    %reduce_sum3A_342 = arith.constant dense<0> : vector<256xi32>
    %reduce_sum3A_343 = vector.multi_reduction <add>, %select_n3A_341, %reduce_sum3A_342 [0] : vector<2048x256xi32> to vector<256xi32>
    %broadcast_in_dim3A_344 = vector.shape_cast %reduce_sum3A_343 : vector<256xi32> to vector<1x256xi32>
    %add3A_345 = arith.addi %broadcast_in_dim3A_335, %broadcast_in_dim3A_344 : vector<1x256xi32>
    %swap3A_346 = arith.constant 8 : index
    %swap3A_347 = arith.constant 0 : index
    %swap3A_348 = arith.constant 0 : index
    %swap3A_349 = vector.load %arg6[%swap3A_346, %swap3A_347, %swap3A_348] : memref<24x1x256xi32, #tpu.memory_space<vmem>>, vector<1x1x256xi32>
    %swap3A_350 = vector.shape_cast %swap3A_349 : vector<1x1x256xi32> to vector<1x256xi32>
    %swap3A_351 = vector.shape_cast %add3A_345 : vector<1x256xi32> to vector<1x1x256xi32>
    tpu.vector_store %arg6[%swap3A_346, %swap3A_347, %swap3A_348], %swap3A_351 {strides = array<i32>} : memref<24x1x256xi32, #tpu.memory_space<vmem>>, vector<1x1x256xi32>,
    %iota3A_352 = tpu.iota {dimensions = array<i32: 1>} : vector<1x256xi32>
    %add3A_353 = arith.constant 2304 : i32
    %add3A_354 = vector.broadcast %add3A_353 : i32 to vector<1x256xi32>
    %add3A_355 = arith.addi %add3A_354, %iota3A_352 : vector<1x256xi32>
    %eq3A_356 = vector.broadcast %convert_element_type3A_82 : vector<2048x1xi32> to vector<2048x256xi32>
    %eq3A_357 = vector.broadcast %add3A_355 : vector<1x256xi32> to vector<2048x256xi32>
    %eq3A_358 = arith.cmpi eq, %eq3A_356, %eq3A_357 : vector<2048x256xi32>
    %jit3A_359 = arith.constant 0 : i32
    %broadcast_in_dim3A_360 = vector.broadcast %jit3A_359 : i32 to vector<2048x256xi32>
    %select_n3A_361 = arith.select %eq3A_358, %iota3A_90, %broadcast_in_dim3A_360 : vector<2048x256xi1>, vector<2048x256xi32>
    %reduce_sum3A_362 = arith.constant dense<0> : vector<256xi32>
    %reduce_sum3A_363 = vector.multi_reduction <add>, %select_n3A_361, %reduce_sum3A_362 [0] : vector<2048x256xi32> to vector<256xi32>
    %broadcast_in_dim3A_364 = vector.shape_cast %reduce_sum3A_363 : vector<256xi32> to vector<1x256xi32>
    %eq3A_365 = vector.broadcast %convert_element_type3A_83 : vector<2048x1xi32> to vector<2048x256xi32>
    %eq3A_366 = vector.broadcast %add3A_355 : vector<1x256xi32> to vector<2048x256xi32>
    %eq3A_367 = arith.cmpi eq, %eq3A_365, %eq3A_366 : vector<2048x256xi32>
    %jit3A_368 = arith.constant 0 : i32
    %broadcast_in_dim3A_369 = vector.broadcast %jit3A_368 : i32 to vector<2048x256xi32>
    %select_n3A_370 = arith.select %eq3A_367, %iota3A_90, %broadcast_in_dim3A_369 : vector<2048x256xi1>, vector<2048x256xi32>
    %reduce_sum3A_371 = arith.constant dense<0> : vector<256xi32>
    %reduce_sum3A_372 = vector.multi_reduction <add>, %select_n3A_370, %reduce_sum3A_371 [0] : vector<2048x256xi32> to vector<256xi32>
    %broadcast_in_dim3A_373 = vector.shape_cast %reduce_sum3A_372 : vector<256xi32> to vector<1x256xi32>
    %add3A_374 = arith.addi %broadcast_in_dim3A_364, %broadcast_in_dim3A_373 : vector<1x256xi32>
    %swap3A_375 = arith.constant 9 : index
    %swap3A_376 = arith.constant 0 : index
    %swap3A_377 = arith.constant 0 : index
    %swap3A_378 = vector.load %arg6[%swap3A_375, %swap3A_376, %swap3A_377] : memref<24x1x256xi32, #tpu.memory_space<vmem>>, vector<1x1x256xi32>
    %swap3A_379 = vector.shape_cast %swap3A_378 : vector<1x1x256xi32> to vector<1x256xi32>
    %swap3A_380 = vector.shape_cast %add3A_374 : vector<1x256xi32> to vector<1x1x256xi32>
    tpu.vector_store %arg6[%swap3A_375, %swap3A_376, %swap3A_377], %swap3A_380 {strides = array<i32>} : memref<24x1x256xi32, #tpu.memory_space<vmem>>, vector<1x1x256xi32>,
    %iota3A_381 = tpu.iota {dimensions = array<i32: 1>} : vector<1x256xi32>
    %add3A_382 = arith.constant 2560 : i32
    %add3A_383 = vector.broadcast %add3A_382 : i32 to vector<1x256xi32>
    %add3A_384 = arith.addi %add3A_383, %iota3A_381 : vector<1x256xi32>
    %eq3A_385 = vector.broadcast %convert_element_type3A_82 : vector<2048x1xi32> to vector<2048x256xi32>
    %eq3A_386 = vector.broadcast %add3A_384 : vector<1x256xi32> to vector<2048x256xi32>
    %eq3A_387 = arith.cmpi eq, %eq3A_385, %eq3A_386 : vector<2048x256xi32>
    %jit3A_388 = arith.constant 0 : i32
    %broadcast_in_dim3A_389 = vector.broadcast %jit3A_388 : i32 to vector<2048x256xi32>
    %select_n3A_390 = arith.select %eq3A_387, %iota3A_90, %broadcast_in_dim3A_389 : vector<2048x256xi1>, vector<2048x256xi32>
    %reduce_sum3A_391 = arith.constant dense<0> : vector<256xi32>
    %reduce_sum3A_392 = vector.multi_reduction <add>, %select_n3A_390, %reduce_sum3A_391 [0] : vector<2048x256xi32> to vector<256xi32>
    %broadcast_in_dim3A_393 = vector.shape_cast %reduce_sum3A_392 : vector<256xi32> to vector<1x256xi32>
    %eq3A_394 = vector.broadcast %convert_element_type3A_83 : vector<2048x1xi32> to vector<2048x256xi32>
    %eq3A_395 = vector.broadcast %add3A_384 : vector<1x256xi32> to vector<2048x256xi32>
    %eq3A_396 = arith.cmpi eq, %eq3A_394, %eq3A_395 : vector<2048x256xi32>
    %jit3A_397 = arith.constant 0 : i32
    %broadcast_in_dim3A_398 = vector.broadcast %jit3A_397 : i32 to vector<2048x256xi32>
    %select_n3A_399 = arith.select %eq3A_396, %iota3A_90, %broadcast_in_dim3A_398 : vector<2048x256xi1>, vector<2048x256xi32>
    %reduce_sum3A_400 = arith.constant dense<0> : vector<256xi32>
    %reduce_sum3A_401 = vector.multi_reduction <add>, %select_n3A_399, %reduce_sum3A_400 [0] : vector<2048x256xi32> to vector<256xi32>
    %broadcast_in_dim3A_402 = vector.shape_cast %reduce_sum3A_401 : vector<256xi32> to vector<1x256xi32>
    %add3A_403 = arith.addi %broadcast_in_dim3A_393, %broadcast_in_dim3A_402 : vector<1x256xi32>
    %swap3A_404 = arith.constant 10 : index
    %swap3A_405 = arith.constant 0 : index
    %swap3A_406 = arith.constant 0 : index
    %swap3A_407 = vector.load %arg6[%swap3A_404, %swap3A_405, %swap3A_406] : memref<24x1x256xi32, #tpu.memory_space<vmem>>, vector<1x1x256xi32>
    %swap3A_408 = vector.shape_cast %swap3A_407 : vector<1x1x256xi32> to vector<1x256xi32>
    %swap3A_409 = vector.shape_cast %add3A_403 : vector<1x256xi32> to vector<1x1x256xi32>
    tpu.vector_store %arg6[%swap3A_404, %swap3A_405, %swap3A_406], %swap3A_409 {strides = array<i32>} : memref<24x1x256xi32, #tpu.memory_space<vmem>>, vector<1x1x256xi32>,
    %iota3A_410 = tpu.iota {dimensions = array<i32: 1>} : vector<1x256xi32>
    %add3A_411 = arith.constant 2816 : i32
    %add3A_412 = vector.broadcast %add3A_411 : i32 to vector<1x256xi32>
    %add3A_413 = arith.addi %add3A_412, %iota3A_410 : vector<1x256xi32>
    %eq3A_414 = vector.broadcast %convert_element_type3A_82 : vector<2048x1xi32> to vector<2048x256xi32>
    %eq3A_415 = vector.broadcast %add3A_413 : vector<1x256xi32> to vector<2048x256xi32>
    %eq3A_416 = arith.cmpi eq, %eq3A_414, %eq3A_415 : vector<2048x256xi32>
    %jit3A_417 = arith.constant 0 : i32
    %broadcast_in_dim3A_418 = vector.broadcast %jit3A_417 : i32 to vector<2048x256xi32>
    %select_n3A_419 = arith.select %eq3A_416, %iota3A_90, %broadcast_in_dim3A_418 : vector<2048x256xi1>, vector<2048x256xi32>
    %reduce_sum3A_420 = arith.constant dense<0> : vector<256xi32>
    %reduce_sum3A_421 = vector.multi_reduction <add>, %select_n3A_419, %reduce_sum3A_420 [0] : vector<2048x256xi32> to vector<256xi32>
    %broadcast_in_dim3A_422 = vector.shape_cast %reduce_sum3A_421 : vector<256xi32> to vector<1x256xi32>
    %eq3A_423 = vector.broadcast %convert_element_type3A_83 : vector<2048x1xi32> to vector<2048x256xi32>
    %eq3A_424 = vector.broadcast %add3A_413 : vector<1x256xi32> to vector<2048x256xi32>
    %eq3A_425 = arith.cmpi eq, %eq3A_423, %eq3A_424 : vector<2048x256xi32>
    %jit3A_426 = arith.constant 0 : i32
    %broadcast_in_dim3A_427 = vector.broadcast %jit3A_426 : i32 to vector<2048x256xi32>
    %select_n3A_428 = arith.select %eq3A_425, %iota3A_90, %broadcast_in_dim3A_427 : vector<2048x256xi1>, vector<2048x256xi32>
    %reduce_sum3A_429 = arith.constant dense<0> : vector<256xi32>
    %reduce_sum3A_430 = vector.multi_reduction <add>, %select_n3A_428, %reduce_sum3A_429 [0] : vector<2048x256xi32> to vector<256xi32>
    %broadcast_in_dim3A_431 = vector.shape_cast %reduce_sum3A_430 : vector<256xi32> to vector<1x256xi32>
    %add3A_432 = arith.addi %broadcast_in_dim3A_422, %broadcast_in_dim3A_431 : vector<1x256xi32>
    %swap3A_433 = arith.constant 11 : index
    %swap3A_434 = arith.constant 0 : index
    %swap3A_435 = arith.constant 0 : index
    %swap3A_436 = vector.load %arg6[%swap3A_433, %swap3A_434, %swap3A_435] : memref<24x1x256xi32, #tpu.memory_space<vmem>>, vector<1x1x256xi32>
    %swap3A_437 = vector.shape_cast %swap3A_436 : vector<1x1x256xi32> to vector<1x256xi32>
    %swap3A_438 = vector.shape_cast %add3A_432 : vector<1x256xi32> to vector<1x1x256xi32>
    tpu.vector_store %arg6[%swap3A_433, %swap3A_434, %swap3A_435], %swap3A_438 {strides = array<i32>} : memref<24x1x256xi32, #tpu.memory_space<vmem>>, vector<1x1x256xi32>,
    %iota3A_439 = tpu.iota {dimensions = array<i32: 1>} : vector<1x256xi32>
    %add3A_440 = arith.constant 3072 : i32
    %add3A_441 = vector.broadcast %add3A_440 : i32 to vector<1x256xi32>
    %add3A_442 = arith.addi %add3A_441, %iota3A_439 : vector<1x256xi32>
    %eq3A_443 = vector.broadcast %convert_element_type3A_82 : vector<2048x1xi32> to vector<2048x256xi32>
    %eq3A_444 = vector.broadcast %add3A_442 : vector<1x256xi32> to vector<2048x256xi32>
    %eq3A_445 = arith.cmpi eq, %eq3A_443, %eq3A_444 : vector<2048x256xi32>
    %jit3A_446 = arith.constant 0 : i32
    %broadcast_in_dim3A_447 = vector.broadcast %jit3A_446 : i32 to vector<2048x256xi32>
    %select_n3A_448 = arith.select %eq3A_445, %iota3A_90, %broadcast_in_dim3A_447 : vector<2048x256xi1>, vector<2048x256xi32>
    %reduce_sum3A_449 = arith.constant dense<0> : vector<256xi32>
    %reduce_sum3A_450 = vector.multi_reduction <add>, %select_n3A_448, %reduce_sum3A_449 [0] : vector<2048x256xi32> to vector<256xi32>
    %broadcast_in_dim3A_451 = vector.shape_cast %reduce_sum3A_450 : vector<256xi32> to vector<1x256xi32>
    %eq3A_452 = vector.broadcast %convert_element_type3A_83 : vector<2048x1xi32> to vector<2048x256xi32>
    %eq3A_453 = vector.broadcast %add3A_442 : vector<1x256xi32> to vector<2048x256xi32>
    %eq3A_454 = arith.cmpi eq, %eq3A_452, %eq3A_453 : vector<2048x256xi32>
    %jit3A_455 = arith.constant 0 : i32
    %broadcast_in_dim3A_456 = vector.broadcast %jit3A_455 : i32 to vector<2048x256xi32>
    %select_n3A_457 = arith.select %eq3A_454, %iota3A_90, %broadcast_in_dim3A_456 : vector<2048x256xi1>, vector<2048x256xi32>
    %reduce_sum3A_458 = arith.constant dense<0> : vector<256xi32>
    %reduce_sum3A_459 = vector.multi_reduction <add>, %select_n3A_457, %reduce_sum3A_458 [0] : vector<2048x256xi32> to vector<256xi32>
    %broadcast_in_dim3A_460 = vector.shape_cast %reduce_sum3A_459 : vector<256xi32> to vector<1x256xi32>
    %add3A_461 = arith.addi %broadcast_in_dim3A_451, %broadcast_in_dim3A_460 : vector<1x256xi32>
    %swap3A_462 = arith.constant 12 : index
    %swap3A_463 = arith.constant 0 : index
    %swap3A_464 = arith.constant 0 : index
    %swap3A_465 = vector.load %arg6[%swap3A_462, %swap3A_463, %swap3A_464] : memref<24x1x256xi32, #tpu.memory_space<vmem>>, vector<1x1x256xi32>
    %swap3A_466 = vector.shape_cast %swap3A_465 : vector<1x1x256xi32> to vector<1x256xi32>
    %swap3A_467 = vector.shape_cast %add3A_461 : vector<1x256xi32> to vector<1x1x256xi32>
    tpu.vector_store %arg6[%swap3A_462, %swap3A_463, %swap3A_464], %swap3A_467 {strides = array<i32>} : memref<24x1x256xi32, #tpu.memory_space<vmem>>, vector<1x1x256xi32>,
    %iota3A_468 = tpu.iota {dimensions = array<i32: 1>} : vector<1x256xi32>
    %add3A_469 = arith.constant 3328 : i32
    %add3A_470 = vector.broadcast %add3A_469 : i32 to vector<1x256xi32>
    %add3A_471 = arith.addi %add3A_470, %iota3A_468 : vector<1x256xi32>
    %eq3A_472 = vector.broadcast %convert_element_type3A_82 : vector<2048x1xi32> to vector<2048x256xi32>
    %eq3A_473 = vector.broadcast %add3A_471 : vector<1x256xi32> to vector<2048x256xi32>
    %eq3A_474 = arith.cmpi eq, %eq3A_472, %eq3A_473 : vector<2048x256xi32>
    %jit3A_475 = arith.constant 0 : i32
    %broadcast_in_dim3A_476 = vector.broadcast %jit3A_475 : i32 to vector<2048x256xi32>
    %select_n3A_477 = arith.select %eq3A_474, %iota3A_90, %broadcast_in_dim3A_476 : vector<2048x256xi1>, vector<2048x256xi32>
    %reduce_sum3A_478 = arith.constant dense<0> : vector<256xi32>
    %reduce_sum3A_479 = vector.multi_reduction <add>, %select_n3A_477, %reduce_sum3A_478 [0] : vector<2048x256xi32> to vector<256xi32>
    %broadcast_in_dim3A_480 = vector.shape_cast %reduce_sum3A_479 : vector<256xi32> to vector<1x256xi32>
    %eq3A_481 = vector.broadcast %convert_element_type3A_83 : vector<2048x1xi32> to vector<2048x256xi32>
    %eq3A_482 = vector.broadcast %add3A_471 : vector<1x256xi32> to vector<2048x256xi32>
    %eq3A_483 = arith.cmpi eq, %eq3A_481, %eq3A_482 : vector<2048x256xi32>
    %jit3A_484 = arith.constant 0 : i32
    %broadcast_in_dim3A_485 = vector.broadcast %jit3A_484 : i32 to vector<2048x256xi32>
    %select_n3A_486 = arith.select %eq3A_483, %iota3A_90, %broadcast_in_dim3A_485 : vector<2048x256xi1>, vector<2048x256xi32>
    %reduce_sum3A_487 = arith.constant dense<0> : vector<256xi32>
    %reduce_sum3A_488 = vector.multi_reduction <add>, %select_n3A_486, %reduce_sum3A_487 [0] : vector<2048x256xi32> to vector<256xi32>
    %broadcast_in_dim3A_489 = vector.shape_cast %reduce_sum3A_488 : vector<256xi32> to vector<1x256xi32>
    %add3A_490 = arith.addi %broadcast_in_dim3A_480, %broadcast_in_dim3A_489 : vector<1x256xi32>
    %swap3A_491 = arith.constant 13 : index
    %swap3A_492 = arith.constant 0 : index
    %swap3A_493 = arith.constant 0 : index
    %swap3A_494 = vector.load %arg6[%swap3A_491, %swap3A_492, %swap3A_493] : memref<24x1x256xi32, #tpu.memory_space<vmem>>, vector<1x1x256xi32>
    %swap3A_495 = vector.shape_cast %swap3A_494 : vector<1x1x256xi32> to vector<1x256xi32>
    %swap3A_496 = vector.shape_cast %add3A_490 : vector<1x256xi32> to vector<1x1x256xi32>
    tpu.vector_store %arg6[%swap3A_491, %swap3A_492, %swap3A_493], %swap3A_496 {strides = array<i32>} : memref<24x1x256xi32, #tpu.memory_space<vmem>>, vector<1x1x256xi32>,
    %iota3A_497 = tpu.iota {dimensions = array<i32: 1>} : vector<1x256xi32>
    %add3A_498 = arith.constant 3584 : i32
    %add3A_499 = vector.broadcast %add3A_498 : i32 to vector<1x256xi32>
    %add3A_500 = arith.addi %add3A_499, %iota3A_497 : vector<1x256xi32>
    %eq3A_501 = vector.broadcast %convert_element_type3A_82 : vector<2048x1xi32> to vector<2048x256xi32>
    %eq3A_502 = vector.broadcast %add3A_500 : vector<1x256xi32> to vector<2048x256xi32>
    %eq3A_503 = arith.cmpi eq, %eq3A_501, %eq3A_502 : vector<2048x256xi32>
    %jit3A_504 = arith.constant 0 : i32
    %broadcast_in_dim3A_505 = vector.broadcast %jit3A_504 : i32 to vector<2048x256xi32>
    %select_n3A_506 = arith.select %eq3A_503, %iota3A_90, %broadcast_in_dim3A_505 : vector<2048x256xi1>, vector<2048x256xi32>
    %reduce_sum3A_507 = arith.constant dense<0> : vector<256xi32>
    %reduce_sum3A_508 = vector.multi_reduction <add>, %select_n3A_506, %reduce_sum3A_507 [0] : vector<2048x256xi32> to vector<256xi32>
    %broadcast_in_dim3A_509 = vector.shape_cast %reduce_sum3A_508 : vector<256xi32> to vector<1x256xi32>
    %eq3A_510 = vector.broadcast %convert_element_type3A_83 : vector<2048x1xi32> to vector<2048x256xi32>
    %eq3A_511 = vector.broadcast %add3A_500 : vector<1x256xi32> to vector<2048x256xi32>
    %eq3A_512 = arith.cmpi eq, %eq3A_510, %eq3A_511 : vector<2048x256xi32>
    %jit3A_513 = arith.constant 0 : i32
    %broadcast_in_dim3A_514 = vector.broadcast %jit3A_513 : i32 to vector<2048x256xi32>
    %select_n3A_515 = arith.select %eq3A_512, %iota3A_90, %broadcast_in_dim3A_514 : vector<2048x256xi1>, vector<2048x256xi32>
    %reduce_sum3A_516 = arith.constant dense<0> : vector<256xi32>
    %reduce_sum3A_517 = vector.multi_reduction <add>, %select_n3A_515, %reduce_sum3A_516 [0] : vector<2048x256xi32> to vector<256xi32>
    %broadcast_in_dim3A_518 = vector.shape_cast %reduce_sum3A_517 : vector<256xi32> to vector<1x256xi32>
    %add3A_519 = arith.addi %broadcast_in_dim3A_509, %broadcast_in_dim3A_518 : vector<1x256xi32>
    %swap3A_520 = arith.constant 14 : index
    %swap3A_521 = arith.constant 0 : index
    %swap3A_522 = arith.constant 0 : index
    %swap3A_523 = vector.load %arg6[%swap3A_520, %swap3A_521, %swap3A_522] : memref<24x1x256xi32, #tpu.memory_space<vmem>>, vector<1x1x256xi32>
    %swap3A_524 = vector.shape_cast %swap3A_523 : vector<1x1x256xi32> to vector<1x256xi32>
    %swap3A_525 = vector.shape_cast %add3A_519 : vector<1x256xi32> to vector<1x1x256xi32>
    tpu.vector_store %arg6[%swap3A_520, %swap3A_521, %swap3A_522], %swap3A_525 {strides = array<i32>} : memref<24x1x256xi32, #tpu.memory_space<vmem>>, vector<1x1x256xi32>,
    %iota3A_526 = tpu.iota {dimensions = array<i32: 1>} : vector<1x256xi32>
    %add3A_527 = arith.constant 3840 : i32
    %add3A_528 = vector.broadcast %add3A_527 : i32 to vector<1x256xi32>
    %add3A_529 = arith.addi %add3A_528, %iota3A_526 : vector<1x256xi32>
    %eq3A_530 = vector.broadcast %convert_element_type3A_82 : vector<2048x1xi32> to vector<2048x256xi32>
    %eq3A_531 = vector.broadcast %add3A_529 : vector<1x256xi32> to vector<2048x256xi32>
    %eq3A_532 = arith.cmpi eq, %eq3A_530, %eq3A_531 : vector<2048x256xi32>
    %jit3A_533 = arith.constant 0 : i32
    %broadcast_in_dim3A_534 = vector.broadcast %jit3A_533 : i32 to vector<2048x256xi32>
    %select_n3A_535 = arith.select %eq3A_532, %iota3A_90, %broadcast_in_dim3A_534 : vector<2048x256xi1>, vector<2048x256xi32>
    %reduce_sum3A_536 = arith.constant dense<0> : vector<256xi32>
    %reduce_sum3A_537 = vector.multi_reduction <add>, %select_n3A_535, %reduce_sum3A_536 [0] : vector<2048x256xi32> to vector<256xi32>
    %broadcast_in_dim3A_538 = vector.shape_cast %reduce_sum3A_537 : vector<256xi32> to vector<1x256xi32>
    %eq3A_539 = vector.broadcast %convert_element_type3A_83 : vector<2048x1xi32> to vector<2048x256xi32>
    %eq3A_540 = vector.broadcast %add3A_529 : vector<1x256xi32> to vector<2048x256xi32>
    %eq3A_541 = arith.cmpi eq, %eq3A_539, %eq3A_540 : vector<2048x256xi32>
    %jit3A_542 = arith.constant 0 : i32
    %broadcast_in_dim3A_543 = vector.broadcast %jit3A_542 : i32 to vector<2048x256xi32>
    %select_n3A_544 = arith.select %eq3A_541, %iota3A_90, %broadcast_in_dim3A_543 : vector<2048x256xi1>, vector<2048x256xi32>
    %reduce_sum3A_545 = arith.constant dense<0> : vector<256xi32>
    %reduce_sum3A_546 = vector.multi_reduction <add>, %select_n3A_544, %reduce_sum3A_545 [0] : vector<2048x256xi32> to vector<256xi32>
    %broadcast_in_dim3A_547 = vector.shape_cast %reduce_sum3A_546 : vector<256xi32> to vector<1x256xi32>
    %add3A_548 = arith.addi %broadcast_in_dim3A_538, %broadcast_in_dim3A_547 : vector<1x256xi32>
    %swap3A_549 = arith.constant 15 : index
    %swap3A_550 = arith.constant 0 : index
    %swap3A_551 = arith.constant 0 : index
    %swap3A_552 = vector.load %arg6[%swap3A_549, %swap3A_550, %swap3A_551] : memref<24x1x256xi32, #tpu.memory_space<vmem>>, vector<1x1x256xi32>
    %swap3A_553 = vector.shape_cast %swap3A_552 : vector<1x1x256xi32> to vector<1x256xi32>
    %swap3A_554 = vector.shape_cast %add3A_548 : vector<1x256xi32> to vector<1x1x256xi32>
    tpu.vector_store %arg6[%swap3A_549, %swap3A_550, %swap3A_551], %swap3A_554 {strides = array<i32>} : memref<24x1x256xi32, #tpu.memory_space<vmem>>, vector<1x1x256xi32>,
    %iota3A_555 = tpu.iota {dimensions = array<i32: 1>} : vector<1x256xi32>
    %add3A_556 = arith.constant 4096 : i32
    %add3A_557 = vector.broadcast %add3A_556 : i32 to vector<1x256xi32>
    %add3A_558 = arith.addi %add3A_557, %iota3A_555 : vector<1x256xi32>
    %eq3A_559 = vector.broadcast %convert_element_type3A_82 : vector<2048x1xi32> to vector<2048x256xi32>
    %eq3A_560 = vector.broadcast %add3A_558 : vector<1x256xi32> to vector<2048x256xi32>
    %eq3A_561 = arith.cmpi eq, %eq3A_559, %eq3A_560 : vector<2048x256xi32>
    %jit3A_562 = arith.constant 0 : i32
    %broadcast_in_dim3A_563 = vector.broadcast %jit3A_562 : i32 to vector<2048x256xi32>
    %select_n3A_564 = arith.select %eq3A_561, %iota3A_90, %broadcast_in_dim3A_563 : vector<2048x256xi1>, vector<2048x256xi32>
    %reduce_sum3A_565 = arith.constant dense<0> : vector<256xi32>
    %reduce_sum3A_566 = vector.multi_reduction <add>, %select_n3A_564, %reduce_sum3A_565 [0] : vector<2048x256xi32> to vector<256xi32>
    %broadcast_in_dim3A_567 = vector.shape_cast %reduce_sum3A_566 : vector<256xi32> to vector<1x256xi32>
    %eq3A_568 = vector.broadcast %convert_element_type3A_83 : vector<2048x1xi32> to vector<2048x256xi32>
    %eq3A_569 = vector.broadcast %add3A_558 : vector<1x256xi32> to vector<2048x256xi32>
    %eq3A_570 = arith.cmpi eq, %eq3A_568, %eq3A_569 : vector<2048x256xi32>
    %jit3A_571 = arith.constant 0 : i32
    %broadcast_in_dim3A_572 = vector.broadcast %jit3A_571 : i32 to vector<2048x256xi32>
    %select_n3A_573 = arith.select %eq3A_570, %iota3A_90, %broadcast_in_dim3A_572 : vector<2048x256xi1>, vector<2048x256xi32>
    %reduce_sum3A_574 = arith.constant dense<0> : vector<256xi32>
    %reduce_sum3A_575 = vector.multi_reduction <add>, %select_n3A_573, %reduce_sum3A_574 [0] : vector<2048x256xi32> to vector<256xi32>
    %broadcast_in_dim3A_576 = vector.shape_cast %reduce_sum3A_575 : vector<256xi32> to vector<1x256xi32>
    %add3A_577 = arith.addi %broadcast_in_dim3A_567, %broadcast_in_dim3A_576 : vector<1x256xi32>
    %swap3A_578 = arith.constant 16 : index
    %swap3A_579 = arith.constant 0 : index
    %swap3A_580 = arith.constant 0 : index
    %swap3A_581 = vector.load %arg6[%swap3A_578, %swap3A_579, %swap3A_580] : memref<24x1x256xi32, #tpu.memory_space<vmem>>, vector<1x1x256xi32>
    %swap3A_582 = vector.shape_cast %swap3A_581 : vector<1x1x256xi32> to vector<1x256xi32>
    %swap3A_583 = vector.shape_cast %add3A_577 : vector<1x256xi32> to vector<1x1x256xi32>
    tpu.vector_store %arg6[%swap3A_578, %swap3A_579, %swap3A_580], %swap3A_583 {strides = array<i32>} : memref<24x1x256xi32, #tpu.memory_space<vmem>>, vector<1x1x256xi32>,
    %iota3A_584 = tpu.iota {dimensions = array<i32: 1>} : vector<1x256xi32>
    %add3A_585 = arith.constant 4352 : i32
    %add3A_586 = vector.broadcast %add3A_585 : i32 to vector<1x256xi32>
    %add3A_587 = arith.addi %add3A_586, %iota3A_584 : vector<1x256xi32>
    %eq3A_588 = vector.broadcast %convert_element_type3A_82 : vector<2048x1xi32> to vector<2048x256xi32>
    %eq3A_589 = vector.broadcast %add3A_587 : vector<1x256xi32> to vector<2048x256xi32>
    %eq3A_590 = arith.cmpi eq, %eq3A_588, %eq3A_589 : vector<2048x256xi32>
    %jit3A_591 = arith.constant 0 : i32
    %broadcast_in_dim3A_592 = vector.broadcast %jit3A_591 : i32 to vector<2048x256xi32>
    %select_n3A_593 = arith.select %eq3A_590, %iota3A_90, %broadcast_in_dim3A_592 : vector<2048x256xi1>, vector<2048x256xi32>
    %reduce_sum3A_594 = arith.constant dense<0> : vector<256xi32>
    %reduce_sum3A_595 = vector.multi_reduction <add>, %select_n3A_593, %reduce_sum3A_594 [0] : vector<2048x256xi32> to vector<256xi32>
    %broadcast_in_dim3A_596 = vector.shape_cast %reduce_sum3A_595 : vector<256xi32> to vector<1x256xi32>
    %eq3A_597 = vector.broadcast %convert_element_type3A_83 : vector<2048x1xi32> to vector<2048x256xi32>
    %eq3A_598 = vector.broadcast %add3A_587 : vector<1x256xi32> to vector<2048x256xi32>
    %eq3A_599 = arith.cmpi eq, %eq3A_597, %eq3A_598 : vector<2048x256xi32>
    %jit3A_600 = arith.constant 0 : i32
    %broadcast_in_dim3A_601 = vector.broadcast %jit3A_600 : i32 to vector<2048x256xi32>
    %select_n3A_602 = arith.select %eq3A_599, %iota3A_90, %broadcast_in_dim3A_601 : vector<2048x256xi1>, vector<2048x256xi32>
    %reduce_sum3A_603 = arith.constant dense<0> : vector<256xi32>
    %reduce_sum3A_604 = vector.multi_reduction <add>, %select_n3A_602, %reduce_sum3A_603 [0] : vector<2048x256xi32> to vector<256xi32>
    %broadcast_in_dim3A_605 = vector.shape_cast %reduce_sum3A_604 : vector<256xi32> to vector<1x256xi32>
    %add3A_606 = arith.addi %broadcast_in_dim3A_596, %broadcast_in_dim3A_605 : vector<1x256xi32>
    %swap3A_607 = arith.constant 17 : index
    %swap3A_608 = arith.constant 0 : index
    %swap3A_609 = arith.constant 0 : index
    %swap3A_610 = vector.load %arg6[%swap3A_607, %swap3A_608, %swap3A_609] : memref<24x1x256xi32, #tpu.memory_space<vmem>>, vector<1x1x256xi32>
    %swap3A_611 = vector.shape_cast %swap3A_610 : vector<1x1x256xi32> to vector<1x256xi32>
    %swap3A_612 = vector.shape_cast %add3A_606 : vector<1x256xi32> to vector<1x1x256xi32>
    tpu.vector_store %arg6[%swap3A_607, %swap3A_608, %swap3A_609], %swap3A_612 {strides = array<i32>} : memref<24x1x256xi32, #tpu.memory_space<vmem>>, vector<1x1x256xi32>,
    %iota3A_613 = tpu.iota {dimensions = array<i32: 1>} : vector<1x256xi32>
    %add3A_614 = arith.constant 4608 : i32
    %add3A_615 = vector.broadcast %add3A_614 : i32 to vector<1x256xi32>
    %add3A_616 = arith.addi %add3A_615, %iota3A_613 : vector<1x256xi32>
    %eq3A_617 = vector.broadcast %convert_element_type3A_82 : vector<2048x1xi32> to vector<2048x256xi32>
    %eq3A_618 = vector.broadcast %add3A_616 : vector<1x256xi32> to vector<2048x256xi32>
    %eq3A_619 = arith.cmpi eq, %eq3A_617, %eq3A_618 : vector<2048x256xi32>
    %jit3A_620 = arith.constant 0 : i32
    %broadcast_in_dim3A_621 = vector.broadcast %jit3A_620 : i32 to vector<2048x256xi32>
    %select_n3A_622 = arith.select %eq3A_619, %iota3A_90, %broadcast_in_dim3A_621 : vector<2048x256xi1>, vector<2048x256xi32>
    %reduce_sum3A_623 = arith.constant dense<0> : vector<256xi32>
    %reduce_sum3A_624 = vector.multi_reduction <add>, %select_n3A_622, %reduce_sum3A_623 [0] : vector<2048x256xi32> to vector<256xi32>
    %broadcast_in_dim3A_625 = vector.shape_cast %reduce_sum3A_624 : vector<256xi32> to vector<1x256xi32>
    %eq3A_626 = vector.broadcast %convert_element_type3A_83 : vector<2048x1xi32> to vector<2048x256xi32>
    %eq3A_627 = vector.broadcast %add3A_616 : vector<1x256xi32> to vector<2048x256xi32>
    %eq3A_628 = arith.cmpi eq, %eq3A_626, %eq3A_627 : vector<2048x256xi32>
    %jit3A_629 = arith.constant 0 : i32
    %broadcast_in_dim3A_630 = vector.broadcast %jit3A_629 : i32 to vector<2048x256xi32>
    %select_n3A_631 = arith.select %eq3A_628, %iota3A_90, %broadcast_in_dim3A_630 : vector<2048x256xi1>, vector<2048x256xi32>
    %reduce_sum3A_632 = arith.constant dense<0> : vector<256xi32>
    %reduce_sum3A_633 = vector.multi_reduction <add>, %select_n3A_631, %reduce_sum3A_632 [0] : vector<2048x256xi32> to vector<256xi32>
    %broadcast_in_dim3A_634 = vector.shape_cast %reduce_sum3A_633 : vector<256xi32> to vector<1x256xi32>
    %add3A_635 = arith.addi %broadcast_in_dim3A_625, %broadcast_in_dim3A_634 : vector<1x256xi32>
    %swap3A_636 = arith.constant 18 : index
    %swap3A_637 = arith.constant 0 : index
    %swap3A_638 = arith.constant 0 : index
    %swap3A_639 = vector.load %arg6[%swap3A_636, %swap3A_637, %swap3A_638] : memref<24x1x256xi32, #tpu.memory_space<vmem>>, vector<1x1x256xi32>
    %swap3A_640 = vector.shape_cast %swap3A_639 : vector<1x1x256xi32> to vector<1x256xi32>
    %swap3A_641 = vector.shape_cast %add3A_635 : vector<1x256xi32> to vector<1x1x256xi32>
    tpu.vector_store %arg6[%swap3A_636, %swap3A_637, %swap3A_638], %swap3A_641 {strides = array<i32>} : memref<24x1x256xi32, #tpu.memory_space<vmem>>, vector<1x1x256xi32>,
    %iota3A_642 = tpu.iota {dimensions = array<i32: 1>} : vector<1x256xi32>
    %add3A_643 = arith.constant 4864 : i32
    %add3A_644 = vector.broadcast %add3A_643 : i32 to vector<1x256xi32>
    %add3A_645 = arith.addi %add3A_644, %iota3A_642 : vector<1x256xi32>
    %eq3A_646 = vector.broadcast %convert_element_type3A_82 : vector<2048x1xi32> to vector<2048x256xi32>
    %eq3A_647 = vector.broadcast %add3A_645 : vector<1x256xi32> to vector<2048x256xi32>
    %eq3A_648 = arith.cmpi eq, %eq3A_646, %eq3A_647 : vector<2048x256xi32>
    %jit3A_649 = arith.constant 0 : i32
    %broadcast_in_dim3A_650 = vector.broadcast %jit3A_649 : i32 to vector<2048x256xi32>
    %select_n3A_651 = arith.select %eq3A_648, %iota3A_90, %broadcast_in_dim3A_650 : vector<2048x256xi1>, vector<2048x256xi32>
    %reduce_sum3A_652 = arith.constant dense<0> : vector<256xi32>
    %reduce_sum3A_653 = vector.multi_reduction <add>, %select_n3A_651, %reduce_sum3A_652 [0] : vector<2048x256xi32> to vector<256xi32>
    %broadcast_in_dim3A_654 = vector.shape_cast %reduce_sum3A_653 : vector<256xi32> to vector<1x256xi32>
    %eq3A_655 = vector.broadcast %convert_element_type3A_83 : vector<2048x1xi32> to vector<2048x256xi32>
    %eq3A_656 = vector.broadcast %add3A_645 : vector<1x256xi32> to vector<2048x256xi32>
    %eq3A_657 = arith.cmpi eq, %eq3A_655, %eq3A_656 : vector<2048x256xi32>
    %jit3A_658 = arith.constant 0 : i32
    %broadcast_in_dim3A_659 = vector.broadcast %jit3A_658 : i32 to vector<2048x256xi32>
    %select_n3A_660 = arith.select %eq3A_657, %iota3A_90, %broadcast_in_dim3A_659 : vector<2048x256xi1>, vector<2048x256xi32>
    %reduce_sum3A_661 = arith.constant dense<0> : vector<256xi32>
    %reduce_sum3A_662 = vector.multi_reduction <add>, %select_n3A_660, %reduce_sum3A_661 [0] : vector<2048x256xi32> to vector<256xi32>
    %broadcast_in_dim3A_663 = vector.shape_cast %reduce_sum3A_662 : vector<256xi32> to vector<1x256xi32>
    %add3A_664 = arith.addi %broadcast_in_dim3A_654, %broadcast_in_dim3A_663 : vector<1x256xi32>
    %swap3A_665 = arith.constant 19 : index
    %swap3A_666 = arith.constant 0 : index
    %swap3A_667 = arith.constant 0 : index
    %swap3A_668 = vector.load %arg6[%swap3A_665, %swap3A_666, %swap3A_667] : memref<24x1x256xi32, #tpu.memory_space<vmem>>, vector<1x1x256xi32>
    %swap3A_669 = vector.shape_cast %swap3A_668 : vector<1x1x256xi32> to vector<1x256xi32>
    %swap3A_670 = vector.shape_cast %add3A_664 : vector<1x256xi32> to vector<1x1x256xi32>
    tpu.vector_store %arg6[%swap3A_665, %swap3A_666, %swap3A_667], %swap3A_670 {strides = array<i32>} : memref<24x1x256xi32, #tpu.memory_space<vmem>>, vector<1x1x256xi32>,
    %iota3A_671 = tpu.iota {dimensions = array<i32: 1>} : vector<1x256xi32>
    %add3A_672 = arith.constant 5120 : i32
    %add3A_673 = vector.broadcast %add3A_672 : i32 to vector<1x256xi32>
    %add3A_674 = arith.addi %add3A_673, %iota3A_671 : vector<1x256xi32>
    %eq3A_675 = vector.broadcast %convert_element_type3A_82 : vector<2048x1xi32> to vector<2048x256xi32>
    %eq3A_676 = vector.broadcast %add3A_674 : vector<1x256xi32> to vector<2048x256xi32>
    %eq3A_677 = arith.cmpi eq, %eq3A_675, %eq3A_676 : vector<2048x256xi32>
    %jit3A_678 = arith.constant 0 : i32
    %broadcast_in_dim3A_679 = vector.broadcast %jit3A_678 : i32 to vector<2048x256xi32>
    %select_n3A_680 = arith.select %eq3A_677, %iota3A_90, %broadcast_in_dim3A_679 : vector<2048x256xi1>, vector<2048x256xi32>
    %reduce_sum3A_681 = arith.constant dense<0> : vector<256xi32>
    %reduce_sum3A_682 = vector.multi_reduction <add>, %select_n3A_680, %reduce_sum3A_681 [0] : vector<2048x256xi32> to vector<256xi32>
    %broadcast_in_dim3A_683 = vector.shape_cast %reduce_sum3A_682 : vector<256xi32> to vector<1x256xi32>
    %eq3A_684 = vector.broadcast %convert_element_type3A_83 : vector<2048x1xi32> to vector<2048x256xi32>
    %eq3A_685 = vector.broadcast %add3A_674 : vector<1x256xi32> to vector<2048x256xi32>
    %eq3A_686 = arith.cmpi eq, %eq3A_684, %eq3A_685 : vector<2048x256xi32>
    %jit3A_687 = arith.constant 0 : i32
    %broadcast_in_dim3A_688 = vector.broadcast %jit3A_687 : i32 to vector<2048x256xi32>
    %select_n3A_689 = arith.select %eq3A_686, %iota3A_90, %broadcast_in_dim3A_688 : vector<2048x256xi1>, vector<2048x256xi32>
    %reduce_sum3A_690 = arith.constant dense<0> : vector<256xi32>
    %reduce_sum3A_691 = vector.multi_reduction <add>, %select_n3A_689, %reduce_sum3A_690 [0] : vector<2048x256xi32> to vector<256xi32>
    %broadcast_in_dim3A_692 = vector.shape_cast %reduce_sum3A_691 : vector<256xi32> to vector<1x256xi32>
    %add3A_693 = arith.addi %broadcast_in_dim3A_683, %broadcast_in_dim3A_692 : vector<1x256xi32>
    %swap3A_694 = arith.constant 20 : index
    %swap3A_695 = arith.constant 0 : index
    %swap3A_696 = arith.constant 0 : index
    %swap3A_697 = vector.load %arg6[%swap3A_694, %swap3A_695, %swap3A_696] : memref<24x1x256xi32, #tpu.memory_space<vmem>>, vector<1x1x256xi32>
    %swap3A_698 = vector.shape_cast %swap3A_697 : vector<1x1x256xi32> to vector<1x256xi32>
    %swap3A_699 = vector.shape_cast %add3A_693 : vector<1x256xi32> to vector<1x1x256xi32>
    tpu.vector_store %arg6[%swap3A_694, %swap3A_695, %swap3A_696], %swap3A_699 {strides = array<i32>} : memref<24x1x256xi32, #tpu.memory_space<vmem>>, vector<1x1x256xi32>,
    %iota3A_700 = tpu.iota {dimensions = array<i32: 1>} : vector<1x256xi32>
    %add3A_701 = arith.constant 5376 : i32
    %add3A_702 = vector.broadcast %add3A_701 : i32 to vector<1x256xi32>
    %add3A_703 = arith.addi %add3A_702, %iota3A_700 : vector<1x256xi32>
    %eq3A_704 = vector.broadcast %convert_element_type3A_82 : vector<2048x1xi32> to vector<2048x256xi32>
    %eq3A_705 = vector.broadcast %add3A_703 : vector<1x256xi32> to vector<2048x256xi32>
    %eq3A_706 = arith.cmpi eq, %eq3A_704, %eq3A_705 : vector<2048x256xi32>
    %jit3A_707 = arith.constant 0 : i32
    %broadcast_in_dim3A_708 = vector.broadcast %jit3A_707 : i32 to vector<2048x256xi32>
    %select_n3A_709 = arith.select %eq3A_706, %iota3A_90, %broadcast_in_dim3A_708 : vector<2048x256xi1>, vector<2048x256xi32>
    %reduce_sum3A_710 = arith.constant dense<0> : vector<256xi32>
    %reduce_sum3A_711 = vector.multi_reduction <add>, %select_n3A_709, %reduce_sum3A_710 [0] : vector<2048x256xi32> to vector<256xi32>
    %broadcast_in_dim3A_712 = vector.shape_cast %reduce_sum3A_711 : vector<256xi32> to vector<1x256xi32>
    %eq3A_713 = vector.broadcast %convert_element_type3A_83 : vector<2048x1xi32> to vector<2048x256xi32>
    %eq3A_714 = vector.broadcast %add3A_703 : vector<1x256xi32> to vector<2048x256xi32>
    %eq3A_715 = arith.cmpi eq, %eq3A_713, %eq3A_714 : vector<2048x256xi32>
    %jit3A_716 = arith.constant 0 : i32
    %broadcast_in_dim3A_717 = vector.broadcast %jit3A_716 : i32 to vector<2048x256xi32>
    %select_n3A_718 = arith.select %eq3A_715, %iota3A_90, %broadcast_in_dim3A_717 : vector<2048x256xi1>, vector<2048x256xi32>
    %reduce_sum3A_719 = arith.constant dense<0> : vector<256xi32>
    %reduce_sum3A_720 = vector.multi_reduction <add>, %select_n3A_718, %reduce_sum3A_719 [0] : vector<2048x256xi32> to vector<256xi32>
    %broadcast_in_dim3A_721 = vector.shape_cast %reduce_sum3A_720 : vector<256xi32> to vector<1x256xi32>
    %add3A_722 = arith.addi %broadcast_in_dim3A_712, %broadcast_in_dim3A_721 : vector<1x256xi32>
    %swap3A_723 = arith.constant 21 : index
    %swap3A_724 = arith.constant 0 : index
    %swap3A_725 = arith.constant 0 : index
    %swap3A_726 = vector.load %arg6[%swap3A_723, %swap3A_724, %swap3A_725] : memref<24x1x256xi32, #tpu.memory_space<vmem>>, vector<1x1x256xi32>
    %swap3A_727 = vector.shape_cast %swap3A_726 : vector<1x1x256xi32> to vector<1x256xi32>
    %swap3A_728 = vector.shape_cast %add3A_722 : vector<1x256xi32> to vector<1x1x256xi32>
    tpu.vector_store %arg6[%swap3A_723, %swap3A_724, %swap3A_725], %swap3A_728 {strides = array<i32>} : memref<24x1x256xi32, #tpu.memory_space<vmem>>, vector<1x1x256xi32>,
    %iota3A_729 = tpu.iota {dimensions = array<i32: 1>} : vector<1x256xi32>
    %add3A_730 = arith.constant 5632 : i32
    %add3A_731 = vector.broadcast %add3A_730 : i32 to vector<1x256xi32>
    %add3A_732 = arith.addi %add3A_731, %iota3A_729 : vector<1x256xi32>
    %eq3A_733 = vector.broadcast %convert_element_type3A_82 : vector<2048x1xi32> to vector<2048x256xi32>
    %eq3A_734 = vector.broadcast %add3A_732 : vector<1x256xi32> to vector<2048x256xi32>
    %eq3A_735 = arith.cmpi eq, %eq3A_733, %eq3A_734 : vector<2048x256xi32>
    %jit3A_736 = arith.constant 0 : i32
    %broadcast_in_dim3A_737 = vector.broadcast %jit3A_736 : i32 to vector<2048x256xi32>
    %select_n3A_738 = arith.select %eq3A_735, %iota3A_90, %broadcast_in_dim3A_737 : vector<2048x256xi1>, vector<2048x256xi32>
    %reduce_sum3A_739 = arith.constant dense<0> : vector<256xi32>
    %reduce_sum3A_740 = vector.multi_reduction <add>, %select_n3A_738, %reduce_sum3A_739 [0] : vector<2048x256xi32> to vector<256xi32>
    %broadcast_in_dim3A_741 = vector.shape_cast %reduce_sum3A_740 : vector<256xi32> to vector<1x256xi32>
    %eq3A_742 = vector.broadcast %convert_element_type3A_83 : vector<2048x1xi32> to vector<2048x256xi32>
    %eq3A_743 = vector.broadcast %add3A_732 : vector<1x256xi32> to vector<2048x256xi32>
    %eq3A_744 = arith.cmpi eq, %eq3A_742, %eq3A_743 : vector<2048x256xi32>
    %jit3A_745 = arith.constant 0 : i32
    %broadcast_in_dim3A_746 = vector.broadcast %jit3A_745 : i32 to vector<2048x256xi32>
    %select_n3A_747 = arith.select %eq3A_744, %iota3A_90, %broadcast_in_dim3A_746 : vector<2048x256xi1>, vector<2048x256xi32>
    %reduce_sum3A_748 = arith.constant dense<0> : vector<256xi32>
    %reduce_sum3A_749 = vector.multi_reduction <add>, %select_n3A_747, %reduce_sum3A_748 [0] : vector<2048x256xi32> to vector<256xi32>
    %broadcast_in_dim3A_750 = vector.shape_cast %reduce_sum3A_749 : vector<256xi32> to vector<1x256xi32>
    %add3A_751 = arith.addi %broadcast_in_dim3A_741, %broadcast_in_dim3A_750 : vector<1x256xi32>
    %swap3A_752 = arith.constant 22 : index
    %swap3A_753 = arith.constant 0 : index
    %swap3A_754 = arith.constant 0 : index
    %swap3A_755 = vector.load %arg6[%swap3A_752, %swap3A_753, %swap3A_754] : memref<24x1x256xi32, #tpu.memory_space<vmem>>, vector<1x1x256xi32>
    %swap3A_756 = vector.shape_cast %swap3A_755 : vector<1x1x256xi32> to vector<1x256xi32>
    %swap3A_757 = vector.shape_cast %add3A_751 : vector<1x256xi32> to vector<1x1x256xi32>
    tpu.vector_store %arg6[%swap3A_752, %swap3A_753, %swap3A_754], %swap3A_757 {strides = array<i32>} : memref<24x1x256xi32, #tpu.memory_space<vmem>>, vector<1x1x256xi32>,
    %iota3A_758 = tpu.iota {dimensions = array<i32: 1>} : vector<1x256xi32>
    %add3A_759 = arith.constant 5888 : i32
    %add3A_760 = vector.broadcast %add3A_759 : i32 to vector<1x256xi32>
    %add3A_761 = arith.addi %add3A_760, %iota3A_758 : vector<1x256xi32>
    %eq3A_762 = vector.broadcast %convert_element_type3A_82 : vector<2048x1xi32> to vector<2048x256xi32>
    %eq3A_763 = vector.broadcast %add3A_761 : vector<1x256xi32> to vector<2048x256xi32>
    %eq3A_764 = arith.cmpi eq, %eq3A_762, %eq3A_763 : vector<2048x256xi32>
    %jit3A_765 = arith.constant 0 : i32
    %broadcast_in_dim3A_766 = vector.broadcast %jit3A_765 : i32 to vector<2048x256xi32>
    %select_n3A_767 = arith.select %eq3A_764, %iota3A_90, %broadcast_in_dim3A_766 : vector<2048x256xi1>, vector<2048x256xi32>
    %reduce_sum3A_768 = arith.constant dense<0> : vector<256xi32>
    %reduce_sum3A_769 = vector.multi_reduction <add>, %select_n3A_767, %reduce_sum3A_768 [0] : vector<2048x256xi32> to vector<256xi32>
    %broadcast_in_dim3A_770 = vector.shape_cast %reduce_sum3A_769 : vector<256xi32> to vector<1x256xi32>
    %eq3A_771 = vector.broadcast %convert_element_type3A_83 : vector<2048x1xi32> to vector<2048x256xi32>
    %eq3A_772 = vector.broadcast %add3A_761 : vector<1x256xi32> to vector<2048x256xi32>
    %eq3A_773 = arith.cmpi eq, %eq3A_771, %eq3A_772 : vector<2048x256xi32>
    %jit3A_774 = arith.constant 0 : i32
    %broadcast_in_dim3A_775 = vector.broadcast %jit3A_774 : i32 to vector<2048x256xi32>
    %select_n3A_776 = arith.select %eq3A_773, %iota3A_90, %broadcast_in_dim3A_775 : vector<2048x256xi1>, vector<2048x256xi32>
    %reduce_sum3A_777 = arith.constant dense<0> : vector<256xi32>
    %reduce_sum3A_778 = vector.multi_reduction <add>, %select_n3A_776, %reduce_sum3A_777 [0] : vector<2048x256xi32> to vector<256xi32>
    %broadcast_in_dim3A_779 = vector.shape_cast %reduce_sum3A_778 : vector<256xi32> to vector<1x256xi32>
    %add3A_780 = arith.addi %broadcast_in_dim3A_770, %broadcast_in_dim3A_779 : vector<1x256xi32>
    %swap3A_781 = arith.constant 23 : index
    %swap3A_782 = arith.constant 0 : index
    %swap3A_783 = arith.constant 0 : index
    %swap3A_784 = vector.load %arg6[%swap3A_781, %swap3A_782, %swap3A_783] : memref<24x1x256xi32, #tpu.memory_space<vmem>>, vector<1x1x256xi32>
    %swap3A_785 = vector.shape_cast %swap3A_784 : vector<1x1x256xi32> to vector<1x256xi32>
    %swap3A_786 = vector.shape_cast %add3A_780 : vector<1x256xi32> to vector<1x1x256xi32>
    tpu.vector_store %arg6[%swap3A_781, %swap3A_782, %swap3A_783], %swap3A_786 {strides = array<i32>} : memref<24x1x256xi32, #tpu.memory_space<vmem>>, vector<1x1x256xi32>,
    %eq3A_787 = arith.cmpi eq, %iota3A_62, %iota3A_63 : vector<8x8xi32>
    %convert_element_type3A_788 = arith.extui %eq3A_787 : vector<8x8xi1> to vector<8x8xi32>
    %convert_element_type3A_789 = arith.sitofp %convert_element_type3A_788 : vector<8x8xi32> to vector<8x8xf32>
    %mul3A_790 = vector.broadcast %mul3A_61 : vector<1x8xf32> to vector<8x8xf32>
    %mul3A_791 = arith.mulf %convert_element_type3A_789, %mul3A_790 : vector<8x8xf32>
    %reduce_sum3A_792 = arith.constant dense<0.000000e+00> : vector<8xf32>
    %reduce_sum3A_793 = vector.multi_reduction <add>, %mul3A_791, %reduce_sum3A_792 [1] : vector<8x8xf32> to vector<8xf32>
    %broadcast_in_dim3A_794 = vector.shape_cast %reduce_sum3A_793 : vector<8xf32> to vector<8x1xf32>
    %mul3A_795 = vector.broadcast %dot_general3A_68 : vector<1x8xf32> to vector<8x8xf32>
    %mul3A_796 = arith.mulf %convert_element_type3A_789, %mul3A_795 : vector<8x8xf32>
    %reduce_sum3A_797 = arith.constant dense<0.000000e+00> : vector<8xf32>
    %reduce_sum3A_798 = vector.multi_reduction <add>, %mul3A_796, %reduce_sum3A_797 [1] : vector<8x8xf32> to vector<8xf32>
    %broadcast_in_dim3A_799 = vector.shape_cast %reduce_sum3A_798 : vector<8xf32> to vector<8x1xf32>
    %iota3A_800 = tpu.iota {dimensions = array<i32: 1>} : vector<8x32xi32>
    %convert_element_type3A_801 = arith.sitofp %iota3A_800 : vector<8x32xi32> to vector<8x32xf32>
    %mul3A_802 = arith.constant 2.560000e+02 : f32
    %mul3A_803 = vector.broadcast %mul3A_802 : f32 to vector<8x32xf32>
    %mul3A_804 = arith.mulf %convert_element_type3A_801, %mul3A_803 : vector<8x32xf32>
    %ge3A = vector.broadcast %broadcast_in_dim3A_799 : vector<8x1xf32> to vector<8x32xf32>
    %ge3A_805 = arith.cmpf oge, %mul3A_804, %ge3A : vector<8x32xf32>
    %add3A_806 = arith.addf %broadcast_in_dim3A_799, %broadcast_in_dim3A_794 : vector<8x1xf32>
    %lt3A_807 = vector.broadcast %add3A_806 : vector<8x1xf32> to vector<8x32xf32>
    %lt3A_808 = arith.cmpf olt, %mul3A_804, %lt3A_807 : vector<8x32xf32>
    %and3A = arith.andi %ge3A_805, %lt3A_808 : vector<8x32xi1>
    %iota3A_809 = tpu.iota {dimensions = array<i32: 0>} : vector<8x32xi32>
    %convert_element_type3A_810 = arith.sitofp %iota3A_809 : vector<8x32xi32> to vector<8x32xf32>
    %jit3A_811 = arith.constant 0.000000e+00 : f32
    %broadcast_in_dim3A_812 = vector.broadcast %jit3A_811 : f32 to vector<8x32xf32>
    %select_n3A_813 = arith.select %and3A, %convert_element_type3A_810, %broadcast_in_dim3A_812 : vector<8x32xi1>, vector<8x32xf32>
    %reduce_sum3A_814 = arith.constant dense<0.000000e+00> : vector<32xf32>
    %reduce_sum3A_815 = vector.multi_reduction <add>, %select_n3A_813, %reduce_sum3A_814 [0] : vector<8x32xf32> to vector<32xf32>
    %broadcast_in_dim3A_816 = vector.shape_cast %reduce_sum3A_815 : vector<32xf32> to vector<1x32xf32>
    %reduce_sum3A_817 = arith.constant dense<0.000000e+00> : vector<1xf32>
    %reduce_sum3A_818 = vector.multi_reduction <add>, %mul3A_61, %reduce_sum3A_817 [1] : vector<1x8xf32> to vector<1xf32>
    %broadcast_in_dim3A_819 = vector.shape_cast %reduce_sum3A_818 : vector<1xf32> to vector<1x1xf32>
    %mul3A_820 = arith.constant 3.906250e-03 : f32
    %mul3A_821 = vector.broadcast %mul3A_820 : f32 to vector<1x1xf32>
    %mul3A_822 = arith.mulf %broadcast_in_dim3A_819, %mul3A_821 : vector<1x1xf32>
    %reduce_max3A_823 = arith.constant dense<0xFF800000> : vector<1xf32>
    %reduce_max3A_824 = vector.multi_reduction <maximumf>, %broadcast_in_dim3A_816, %reduce_max3A_823 [1] : vector<1x32xf32> to vector<1xf32>
    %broadcast_in_dim3A_825 = vector.shape_cast %reduce_max3A_824 : vector<1xf32> to vector<1x1xf32>
    %iota3A_826 = tpu.iota {dimensions = array<i32: 1>} : vector<1x32xi32>
    %convert_element_type3A_827 = arith.sitofp %iota3A_826 : vector<1x32xi32> to vector<1x32xf32>
    %lt3A_828 = vector.broadcast %mul3A_822 : vector<1x1xf32> to vector<1x32xf32>
    %lt3A_829 = arith.cmpf olt, %convert_element_type3A_827, %lt3A_828 : vector<1x32xf32>
    %broadcast_in_dim3A_830 = vector.shape_cast %broadcast_in_dim3A_825 : vector<1x1xf32> to vector<1x1xf32>
    %broadcast_in_dim3A_831 = vector.broadcast %broadcast_in_dim3A_830 : vector<1x1xf32> to vector<1x32xf32>
    %select_n3A_832 = arith.select %lt3A_829, %broadcast_in_dim3A_816, %broadcast_in_dim3A_831 : vector<1x32xi1>, vector<1x32xf32>
    %slice3A = vector.extract_strided_slice %select_n3A_832 {offsets = [0, 0], sizes = [1, 31], strides = [1, 1]} : vector<1x32xf32> to vector<1x31xf32>
    %concatenate3A = tpu.concatenate %mul3A_822, %slice3A in 1 : vector<1x1xf32>, vector<1x31xf32> -> vector<1x32xf32>
    %convert_element_type3A_833 = arith.fptosi %concatenate3A : vector<1x32xf32> to vector<1x32xi32>
    %swap3A_834 = arith.constant 0 : index
    %swap3A_835 = arith.constant 0 : index
    %swap3A_836 = vector.load %arg5[%swap3A_834, %swap3A_835] : memref<1x32xi32, #tpu.memory_space<vmem>>, vector<1x32xi32>
    tpu.vector_store %arg5[%swap3A_834, %swap3A_835], %convert_element_type3A_833 {strides = array<i32>} : memref<1x32xi32, #tpu.memory_space<vmem>>, vector<1x32xi32>,
    return
  }
}

module attributes {stable_mosaic.version = 14 : i64} {
  func.func @_post_kernel(%arg0: i32, %arg1: memref<512x1024xf32, #tpu.memory_space<vmem>>, %arg2: memref<512x1024xf32, #tpu.memory_space<vmem>>, %arg3: memref<1024x1024xf32, #tpu.memory_space<vmem>>, %arg4: memref<1x1024xf32, #tpu.memory_space<vmem>>, %arg5: memref<1x1024xf32, #tpu.memory_space<vmem>>, %arg6: memref<1024x8xf32, #tpu.memory_space<vmem>>, %arg7: memref<1x8xf32, #tpu.memory_space<vmem>>, %arg8: memref<512x1024xf32, #tpu.memory_space<vmem>>, %arg9: memref<512x1024xf32, #tpu.memory_space<vmem>>, %arg10: memref<512x8xf32, #tpu.memory_space<vmem>>) attributes {dimension_semantics = [#tpu.dimension_semantics<arbitrary>], iteration_bounds = array<i64: 4>, scalar_prefetch = 0 : i64, scratch_operands = 0 : i64, tpu.core_type = #tpu.core_type<tc>, window_params = [{transform_indices = @transform_0, window_bounds = array<i64: 512, 1024>}, {transform_indices = @transform_1, window_bounds = array<i64: 512, 1024>}, {pipeline_mode = #tpu.pipeline_mode<synchronous>, transform_indices = @transform_2, window_bounds = array<i64: 1024, 1024>}, {pipeline_mode = #tpu.pipeline_mode<synchronous>, transform_indices = @transform_3, window_bounds = array<i64: 1, 1024>}, {pipeline_mode = #tpu.pipeline_mode<synchronous>, transform_indices = @transform_4, window_bounds = array<i64: 1, 1024>}, {pipeline_mode = #tpu.pipeline_mode<synchronous>, transform_indices = @transform_5, window_bounds = array<i64: 1024, 8>}, {pipeline_mode = #tpu.pipeline_mode<synchronous>, transform_indices = @transform_6, window_bounds = array<i64: 1, 8>}, {transform_indices = @transform_7, window_bounds = array<i64: 512, 1024>}, {transform_indices = @transform_8, window_bounds = array<i64: 512, 1024>}, {transform_indices = @transform_9, window_bounds = array<i64: 512, 8>}]} {
    %get3A = arith.constant 0 : index
    %get3A_0 = arith.constant 0 : index
    %get3A_1 = vector.load %arg1[%get3A, %get3A_0] : memref<512x1024xf32, #tpu.memory_space<vmem>>, vector<512x1024xf32>
    %get3A_2 = arith.constant 0 : index
    %get3A_3 = arith.constant 0 : index
    %get3A_4 = vector.load %arg3[%get3A_2, %get3A_3] : memref<1024x1024xf32, #tpu.memory_space<vmem>>, vector<1024x1024xf32>
    %dot_general3A = arith.constant dense<0.000000e+00> : vector<512x1024xf32>
    %dot_general3A_5 = tpu.matmul %get3A_1, %get3A_4, %dot_general3A {dimension_numbers = #tpu.dot_dimension_numbers<[1], [0], [0], [1], [0, 0, 1, 1], [], []>, transpose_lhs_hint = false} : vector<512x1024xf32>, vector<1024x1024xf32>, vector<512x1024xf32> -> vector<512x1024xf32>
    %get3A_6 = arith.constant 0 : index
    %get3A_7 = arith.constant 0 : index
    %get3A_8 = vector.load %arg4[%get3A_6, %get3A_7] : memref<1x1024xf32, #tpu.memory_space<vmem>>, vector<1x1024xf32>
    %add3A = vector.broadcast %get3A_8 : vector<1x1024xf32> to vector<512x1024xf32>
    %add3A_9 = arith.addf %dot_general3A_5, %add3A : vector<512x1024xf32>
    %get3A_10 = arith.constant 0 : index
    %get3A_11 = arith.constant 0 : index
    %get3A_12 = vector.load %arg2[%get3A_10, %get3A_11] : memref<512x1024xf32, #tpu.memory_space<vmem>>, vector<512x1024xf32>
    %add3A_13 = arith.addf %add3A_9, %get3A_12 : vector<512x1024xf32>
    %swap3A = arith.constant 0 : index
    %swap3A_14 = arith.constant 0 : index
    %swap3A_15 = vector.load %arg8[%swap3A, %swap3A_14] : memref<512x1024xf32, #tpu.memory_space<vmem>>, vector<512x1024xf32>
    tpu.vector_store %arg8[%swap3A, %swap3A_14], %add3A_13 {strides = array<i32>} : memref<512x1024xf32, #tpu.memory_space<vmem>>, vector<512x1024xf32>,
    %mul3A = arith.mulf %add3A_13, %add3A_13 : vector<512x1024xf32>
    %reduce_sum3A = arith.constant dense<0.000000e+00> : vector<512xf32>
    %reduce_sum3A_16 = vector.multi_reduction <add>, %mul3A, %reduce_sum3A [1] : vector<512x1024xf32> to vector<512xf32>
    %broadcast_in_dim3A = vector.shape_cast %reduce_sum3A_16 : vector<512xf32> to vector<512x1xf32>
    %div3A = arith.constant 1.024000e+03 : f32
    %div3A_17 = vector.broadcast %div3A : f32 to vector<512x1xf32>
    %div3A_18 = arith.divf %broadcast_in_dim3A, %div3A_17 : vector<512x1xf32>
    %add3A_19 = arith.constant 9.99999974E-6 : f32
    %add3A_20 = vector.broadcast %add3A_19 : f32 to vector<512x1xf32>
    %add3A_21 = arith.addf %div3A_18, %add3A_20 : vector<512x1xf32>
    %rsqrt3A = math.rsqrt %add3A_21 : vector<512x1xf32>
    %mul3A_22 = vector.broadcast %rsqrt3A : vector<512x1xf32> to vector<512x1024xf32>
    %mul3A_23 = arith.mulf %add3A_13, %mul3A_22 : vector<512x1024xf32>
    %get3A_24 = arith.constant 0 : index
    %get3A_25 = arith.constant 0 : index
    %get3A_26 = vector.load %arg5[%get3A_24, %get3A_25] : memref<1x1024xf32, #tpu.memory_space<vmem>>, vector<1x1024xf32>
    %mul3A_27 = vector.broadcast %get3A_26 : vector<1x1024xf32> to vector<512x1024xf32>
    %mul3A_28 = arith.mulf %mul3A_23, %mul3A_27 : vector<512x1024xf32>
    %swap3A_29 = arith.constant 0 : index
    %swap3A_30 = arith.constant 0 : index
    %swap3A_31 = vector.load %arg9[%swap3A_29, %swap3A_30] : memref<512x1024xf32, #tpu.memory_space<vmem>>, vector<512x1024xf32>
    tpu.vector_store %arg9[%swap3A_29, %swap3A_30], %mul3A_28 {strides = array<i32>} : memref<512x1024xf32, #tpu.memory_space<vmem>>, vector<512x1024xf32>,
    %get3A_32 = arith.constant 0 : index
    %get3A_33 = arith.constant 0 : index
    %get3A_34 = vector.load %arg6[%get3A_32, %get3A_33] : memref<1024x8xf32, #tpu.memory_space<vmem>>, vector<1024x8xf32>
    %dot_general3A_35 = arith.constant dense<0.000000e+00> : vector<512x8xf32>
    %dot_general3A_36 = tpu.matmul %mul3A_28, %get3A_34, %dot_general3A_35 {dimension_numbers = #tpu.dot_dimension_numbers<[1], [0], [0], [1], [0, 0, 1, 1], [], []>, transpose_lhs_hint = false} : vector<512x1024xf32>, vector<1024x8xf32>, vector<512x8xf32> -> vector<512x8xf32>
    %get3A_37 = arith.constant 0 : index
    %get3A_38 = arith.constant 0 : index
    %get3A_39 = vector.load %arg7[%get3A_37, %get3A_38] : memref<1x8xf32, #tpu.memory_space<vmem>>, vector<1x8xf32>
    %add3A_40 = vector.broadcast %get3A_39 : vector<1x8xf32> to vector<512x8xf32>
    %add3A_41 = arith.addf %dot_general3A_36, %add3A_40 : vector<512x8xf32>
    %swap3A_42 = arith.constant 0 : index
    %swap3A_43 = arith.constant 0 : index
    %swap3A_44 = vector.load %arg10[%swap3A_42, %swap3A_43] : memref<512x8xf32, #tpu.memory_space<vmem>>, vector<512x8xf32>
    tpu.vector_store %arg10[%swap3A_42, %swap3A_43], %add3A_41 {strides = array<i32>} : memref<512x8xf32, #tpu.memory_space<vmem>>, vector<512x8xf32>,
    return
  }
  func.func @transform_0(%arg0: i32) -> (i32, i32) {
    %c0_i32 = arith.constant 0 : i32
    %c0_i32_0 = arith.constant 0 : i32
    return %arg0, %c0_i32 : i32, i32
  }
  func.func @transform_1(%arg0: i32) -> (i32, i32) {
    %c0_i32 = arith.constant 0 : i32
    %c0_i32_0 = arith.constant 0 : i32
    return %arg0, %c0_i32 : i32, i32
  }
  func.func @transform_2(%arg0: i32) -> (i32, i32) {
    %c0_i32 = arith.constant 0 : i32
    %c0_i32_0 = arith.constant 0 : i32
    %c0_i32_1 = arith.constant 0 : i32
    return %c0_i32, %c0_i32_0 : i32, i32
  }
  func.func @transform_3(%arg0: i32) -> (i32, i32) {
    %c0_i32 = arith.constant 0 : i32
    %c0_i32_0 = arith.constant 0 : i32
    %c0_i32_1 = arith.constant 0 : i32
    return %c0_i32, %c0_i32_0 : i32, i32
  }
  func.func @transform_4(%arg0: i32) -> (i32, i32) {
    %c0_i32 = arith.constant 0 : i32
    %c0_i32_0 = arith.constant 0 : i32
    %c0_i32_1 = arith.constant 0 : i32
    return %c0_i32, %c0_i32_0 : i32, i32
  }
  func.func @transform_5(%arg0: i32) -> (i32, i32) {
    %c0_i32 = arith.constant 0 : i32
    %c0_i32_0 = arith.constant 0 : i32
    %c0_i32_1 = arith.constant 0 : i32
    return %c0_i32, %c0_i32_0 : i32, i32
  }
  func.func @transform_6(%arg0: i32) -> (i32, i32) {
    %c0_i32 = arith.constant 0 : i32
    %c0_i32_0 = arith.constant 0 : i32
    %c0_i32_1 = arith.constant 0 : i32
    return %c0_i32, %c0_i32_0 : i32, i32
  }
  func.func @transform_7(%arg0: i32) -> (i32, i32) {
    %c0_i32 = arith.constant 0 : i32
    %c0_i32_0 = arith.constant 0 : i32
    return %arg0, %c0_i32 : i32, i32
  }
  func.func @transform_8(%arg0: i32) -> (i32, i32) {
    %c0_i32 = arith.constant 0 : i32
    %c0_i32_0 = arith.constant 0 : i32
    return %arg0, %c0_i32 : i32, i32
  }
  func.func @transform_9(%arg0: i32) -> (i32, i32) {
    %c0_i32 = arith.constant 0 : i32
    %c0_i32_0 = arith.constant 0 : i32
    return %arg0, %c0_i32 : i32, i32
  }
}

module attributes {stable_mosaic.version = 14 : i64} {
  func.func @_expert_kernel(%arg0: i32, %arg1: memref<32xi32, #tpu.memory_space<smem>>, %arg2: memref<256x1024xf32, #tpu.memory_space<vmem>>, %arg3: memref<1x1024x2048xf32, #tpu.memory_space<vmem>>, %arg4: memref<1x1x2048xf32, #tpu.memory_space<vmem>>, %arg5: memref<1x1024x1024xf32, #tpu.memory_space<vmem>>, %arg6: memref<1x1x1024xf32, #tpu.memory_space<vmem>>, %arg7: memref<256x1024xf32, #tpu.memory_space<vmem>>) attributes {dimension_semantics = [#tpu.dimension_semantics<arbitrary>], iteration_bounds = array<i64: 24>, scalar_prefetch = 1 : i64, scratch_operands = 0 : i64, tpu.core_type = #tpu.core_type<tc>, window_params = [{transform_indices = @transform_0, window_bounds = array<i64: 256, 1024>}, {transform_indices = @transform_1, window_bounds = array<i64: 1, 1024, 2048>}, {transform_indices = @transform_2, window_bounds = array<i64: 1, 1, 2048>}, {transform_indices = @transform_3, window_bounds = array<i64: 1, 1024, 1024>}, {transform_indices = @transform_4, window_bounds = array<i64: 1, 1, 1024>}, {transform_indices = @transform_5, window_bounds = array<i64: 256, 1024>}]} {
    %get3A = arith.constant 0 : index
    %get3A_0 = memref.load %arg1[%get3A] : memref<32xi32, #tpu.memory_space<smem>>
    %lt3A = arith.cmpi slt, %arg0, %get3A_0 : i32
    %convert_element_type3A = arith.extui %lt3A : i1 to i32
    %cond3A = arith.constant 0 : i32
    %cond3A_1 = arith.cmpi ne, %convert_element_type3A, %cond3A : i32
    scf.if %cond3A_1 {
      %get3A_2 = arith.constant 0 : index
      %get3A_3 = arith.constant 0 : index
      %get3A_4 = vector.load %arg2[%get3A_2, %get3A_3] : memref<256x1024xf32, #tpu.memory_space<vmem>>, vector<256x1024xf32>
      %get3A_5 = arith.constant 0 : index
      %get3A_6 = arith.constant 0 : index
      %get3A_7 = arith.constant 0 : index
      %get3A_8 = vector.load %arg3[%get3A_5, %get3A_6, %get3A_7] : memref<1x1024x2048xf32, #tpu.memory_space<vmem>>, vector<1x1024x2048xf32>
      %get3A_9 = vector.shape_cast %get3A_8 : vector<1x1024x2048xf32> to vector<1024x2048xf32>
      %dot_general3A = arith.constant dense<0.000000e+00> : vector<256x2048xf32>
      %dot_general3A_10 = tpu.matmul %get3A_4, %get3A_9, %dot_general3A {dimension_numbers = #tpu.dot_dimension_numbers<[1], [0], [0], [1], [0, 0, 1, 1], [], []>, transpose_lhs_hint = false} : vector<256x1024xf32>, vector<1024x2048xf32>, vector<256x2048xf32> -> vector<256x2048xf32>
      %get3A_11 = arith.constant 0 : index
      %get3A_12 = arith.constant 0 : index
      %get3A_13 = arith.constant 0 : index
      %get3A_14 = vector.load %arg4[%get3A_11, %get3A_12, %get3A_13] : memref<1x1x2048xf32, #tpu.memory_space<vmem>>, vector<1x1x2048xf32>
      %get3A_15 = vector.shape_cast %get3A_14 : vector<1x1x2048xf32> to vector<1x2048xf32>
      %add3A = vector.broadcast %get3A_15 : vector<1x2048xf32> to vector<256x2048xf32>
      %add3A_16 = arith.addf %dot_general3A_10, %add3A : vector<256x2048xf32>
      %slice3A = vector.extract_strided_slice %add3A_16 {offsets = [0, 0], sizes = [256, 1024], strides = [1, 1]} : vector<256x2048xf32> to vector<256x1024xf32>
      %slice3A_17 = vector.extract_strided_slice %add3A_16 {offsets = [0, 1024], sizes = [256, 1024], strides = [1, 1]} : vector<256x2048xf32> to vector<256x1024xf32>
      %mul3A = arith.constant 1.702000e+00 : f32
      %mul3A_18 = vector.broadcast %mul3A : f32 to vector<256x1024xf32>
      %mul3A_19 = arith.mulf %mul3A_18, %slice3A : vector<256x1024xf32>
      %logistic3A = arith.negf %mul3A_19 : vector<256x1024xf32>
      %logistic3A_20 = math.exp %logistic3A : vector<256x1024xf32>
      %logistic3A_21 = arith.constant 1.000000e+00 : f32
      %logistic3A_22 = vector.broadcast %logistic3A_21 : f32 to vector<256x1024xf32>
      %logistic3A_23 = arith.addf %logistic3A_22, %logistic3A_20 : vector<256x1024xf32>
      %logistic3A_24 = arith.divf %logistic3A_22, %logistic3A_23 : vector<256x1024xf32>
      %mul3A_25 = arith.mulf %slice3A, %logistic3A_24 : vector<256x1024xf32>
      %add3A_26 = arith.constant 1.000000e+00 : f32
      %add3A_27 = vector.broadcast %add3A_26 : f32 to vector<256x1024xf32>
      %add3A_28 = arith.addf %slice3A_17, %add3A_27 : vector<256x1024xf32>
      %mul3A_29 = arith.mulf %add3A_28, %mul3A_25 : vector<256x1024xf32>
      %get3A_30 = arith.constant 0 : index
      %get3A_31 = arith.constant 0 : index
      %get3A_32 = arith.constant 0 : index
      %get3A_33 = vector.load %arg5[%get3A_30, %get3A_31, %get3A_32] : memref<1x1024x1024xf32, #tpu.memory_space<vmem>>, vector<1x1024x1024xf32>
      %get3A_34 = vector.shape_cast %get3A_33 : vector<1x1024x1024xf32> to vector<1024x1024xf32>
      %dot_general3A_35 = arith.constant dense<0.000000e+00> : vector<256x1024xf32>
      %dot_general3A_36 = tpu.matmul %mul3A_29, %get3A_34, %dot_general3A_35 {dimension_numbers = #tpu.dot_dimension_numbers<[1], [0], [0], [1], [0, 0, 1, 1], [], []>, transpose_lhs_hint = false} : vector<256x1024xf32>, vector<1024x1024xf32>, vector<256x1024xf32> -> vector<256x1024xf32>
      %get3A_37 = arith.constant 0 : index
      %get3A_38 = arith.constant 0 : index
      %get3A_39 = arith.constant 0 : index
      %get3A_40 = vector.load %arg6[%get3A_37, %get3A_38, %get3A_39] : memref<1x1x1024xf32, #tpu.memory_space<vmem>>, vector<1x1x1024xf32>
      %get3A_41 = vector.shape_cast %get3A_40 : vector<1x1x1024xf32> to vector<1x1024xf32>
      %add3A_42 = vector.broadcast %get3A_41 : vector<1x1024xf32> to vector<256x1024xf32>
      %add3A_43 = arith.addf %dot_general3A_36, %add3A_42 : vector<256x1024xf32>
      %swap3A = arith.constant 0 : index
      %swap3A_44 = arith.constant 0 : index
      %swap3A_45 = vector.load %arg7[%swap3A, %swap3A_44] : memref<256x1024xf32, #tpu.memory_space<vmem>>, vector<256x1024xf32>
      tpu.vector_store %arg7[%swap3A, %swap3A_44], %add3A_43 {strides = array<i32>} : memref<256x1024xf32, #tpu.memory_space<vmem>>, vector<256x1024xf32>,
    } else {
    }
    return
  }
  func.func @transform_0(%arg0: i32, %arg1: memref<32xi32, #tpu.memory_space<smem>>) -> (i32, i32) {
    %c0_i32 = arith.constant 0 : i32
    %c0_i32_0 = arith.constant 0 : i32
    return %arg0, %c0_i32 : i32, i32
  }
  func.func @transform_1(%arg0: i32, %arg1: memref<32xi32, #tpu.memory_space<smem>>) -> (i32, i32, i32) {
    %add3A = arith.constant 1 : i32
    %add3A_0 = arith.addi %add3A, %arg0 : i32
    %get3A = arith.index_cast %add3A_0 : i32 to index
    %get3A_1 = memref.load %arg1[%get3A] : memref<32xi32, #tpu.memory_space<smem>>
    %c0_i32 = arith.constant 0 : i32
    %c0_i32_2 = arith.constant 0 : i32
    %c0_i32_3 = arith.constant 0 : i32
    return %get3A_1, %c0_i32, %c0_i32_2 : i32, i32, i32
  }
  func.func @transform_2(%arg0: i32, %arg1: memref<32xi32, #tpu.memory_space<smem>>) -> (i32, i32, i32) {
    %add3A = arith.constant 1 : i32
    %add3A_0 = arith.addi %add3A, %arg0 : i32
    %get3A = arith.index_cast %add3A_0 : i32 to index
    %get3A_1 = memref.load %arg1[%get3A] : memref<32xi32, #tpu.memory_space<smem>>
    %c0_i32 = arith.constant 0 : i32
    %c0_i32_2 = arith.constant 0 : i32
    %c0_i32_3 = arith.constant 0 : i32
    return %get3A_1, %c0_i32, %c0_i32_2 : i32, i32, i32
  }
  func.func @transform_3(%arg0: i32, %arg1: memref<32xi32, #tpu.memory_space<smem>>) -> (i32, i32, i32) {
    %add3A = arith.constant 1 : i32
    %add3A_0 = arith.addi %add3A, %arg0 : i32
    %get3A = arith.index_cast %add3A_0 : i32 to index
    %get3A_1 = memref.load %arg1[%get3A] : memref<32xi32, #tpu.memory_space<smem>>
    %c0_i32 = arith.constant 0 : i32
    %c0_i32_2 = arith.constant 0 : i32
    %c0_i32_3 = arith.constant 0 : i32
    return %get3A_1, %c0_i32, %c0_i32_2 : i32, i32, i32
  }
  func.func @transform_4(%arg0: i32, %arg1: memref<32xi32, #tpu.memory_space<smem>>) -> (i32, i32, i32) {
    %add3A = arith.constant 1 : i32
    %add3A_0 = arith.addi %add3A, %arg0 : i32
    %get3A = arith.index_cast %add3A_0 : i32 to index
    %get3A_1 = memref.load %arg1[%get3A] : memref<32xi32, #tpu.memory_space<smem>>
    %c0_i32 = arith.constant 0 : i32
    %c0_i32_2 = arith.constant 0 : i32
    %c0_i32_3 = arith.constant 0 : i32
    return %get3A_1, %c0_i32, %c0_i32_2 : i32, i32, i32
  }
  func.func @transform_5(%arg0: i32, %arg1: memref<32xi32, #tpu.memory_space<smem>>) -> (i32, i32) {
    %c0_i32 = arith.constant 0 : i32
    %c0_i32_0 = arith.constant 0 : i32
    return %arg0, %c0_i32 : i32, i32
  }
}

module attributes {stable_mosaic.version = 14 : i64} {
  func.func @_combine_kernel(%arg0: i32, %arg1: memref<512x1024xf32, #tpu.memory_space<vmem>>, %arg2: memref<512x1024xf32, #tpu.memory_space<vmem>>, %arg3: memref<512x1024xf32, #tpu.memory_space<vmem>>, %arg4: memref<512x1xf32, #tpu.memory_space<vmem>>, %arg5: memref<512x1xf32, #tpu.memory_space<vmem>>, %arg6: memref<512x1024xf32, #tpu.memory_space<vmem>>) attributes {dimension_semantics = [#tpu.dimension_semantics<arbitrary>], iteration_bounds = array<i64: 4>, scalar_prefetch = 0 : i64, scratch_operands = 0 : i64, tpu.core_type = #tpu.core_type<tc>, window_params = [{transform_indices = @transform_0, window_bounds = array<i64: 512, 1024>}, {transform_indices = @transform_1, window_bounds = array<i64: 512, 1024>}, {transform_indices = @transform_2, window_bounds = array<i64: 512, 1024>}, {transform_indices = @transform_3, window_bounds = array<i64: 512, 1>}, {transform_indices = @transform_4, window_bounds = array<i64: 512, 1>}, {transform_indices = @transform_5, window_bounds = array<i64: 512, 1024>}]} {
    %get3A = arith.constant 0 : index
    %get3A_0 = arith.constant 0 : index
    %get3A_1 = vector.load %arg1[%get3A, %get3A_0] : memref<512x1024xf32, #tpu.memory_space<vmem>>, vector<512x1024xf32>
    %get3A_2 = arith.constant 0 : index
    %get3A_3 = arith.constant 0 : index
    %get3A_4 = vector.load %arg4[%get3A_2, %get3A_3] : memref<512x1xf32, #tpu.memory_space<vmem>>, vector<512x1xf32>
    %get3A_5 = arith.constant 0 : index
    %get3A_6 = arith.constant 0 : index
    %get3A_7 = vector.load %arg2[%get3A_5, %get3A_6] : memref<512x1024xf32, #tpu.memory_space<vmem>>, vector<512x1024xf32>
    %mul3A = vector.broadcast %get3A_4 : vector<512x1xf32> to vector<512x1024xf32>
    %mul3A_8 = arith.mulf %mul3A, %get3A_7 : vector<512x1024xf32>
    %add3A = arith.addf %get3A_1, %mul3A_8 : vector<512x1024xf32>
    %get3A_9 = arith.constant 0 : index
    %get3A_10 = arith.constant 0 : index
    %get3A_11 = vector.load %arg5[%get3A_9, %get3A_10] : memref<512x1xf32, #tpu.memory_space<vmem>>, vector<512x1xf32>
    %get3A_12 = arith.constant 0 : index
    %get3A_13 = arith.constant 0 : index
    %get3A_14 = vector.load %arg3[%get3A_12, %get3A_13] : memref<512x1024xf32, #tpu.memory_space<vmem>>, vector<512x1024xf32>
    %mul3A_15 = vector.broadcast %get3A_11 : vector<512x1xf32> to vector<512x1024xf32>
    %mul3A_16 = arith.mulf %mul3A_15, %get3A_14 : vector<512x1024xf32>
    %add3A_17 = arith.addf %add3A, %mul3A_16 : vector<512x1024xf32>
    %swap3A = arith.constant 0 : index
    %swap3A_18 = arith.constant 0 : index
    %swap3A_19 = vector.load %arg6[%swap3A, %swap3A_18] : memref<512x1024xf32, #tpu.memory_space<vmem>>, vector<512x1024xf32>
    tpu.vector_store %arg6[%swap3A, %swap3A_18], %add3A_17 {strides = array<i32>} : memref<512x1024xf32, #tpu.memory_space<vmem>>, vector<512x1024xf32>,
    return
  }
  func.func @transform_0(%arg0: i32) -> (i32, i32) {
    %c0_i32 = arith.constant 0 : i32
    %c0_i32_0 = arith.constant 0 : i32
    return %arg0, %c0_i32 : i32, i32
  }
  func.func @transform_1(%arg0: i32) -> (i32, i32) {
    %c0_i32 = arith.constant 0 : i32
    %c0_i32_0 = arith.constant 0 : i32
    return %arg0, %c0_i32 : i32, i32
  }
  func.func @transform_2(%arg0: i32) -> (i32, i32) {
    %c0_i32 = arith.constant 0 : i32
    %c0_i32_0 = arith.constant 0 : i32
    return %arg0, %c0_i32 : i32, i32
  }
  func.func @transform_3(%arg0: i32) -> (i32, i32) {
    %c0_i32 = arith.constant 0 : i32
    %c0_i32_0 = arith.constant 0 : i32
    return %arg0, %c0_i32 : i32, i32
  }
  func.func @transform_4(%arg0: i32) -> (i32, i32) {
    %c0_i32 = arith.constant 0 : i32
    %c0_i32_0 = arith.constant 0 : i32
    return %arg0, %c0_i32 : i32, i32
  }
  func.func @transform_5(%arg0: i32) -> (i32, i32) {
    %c0_i32 = arith.constant 0 : i32
    %c0_i32_0 = arith.constant 0 : i32
    return %arg0, %c0_i32 : i32, i32
  }
}

</mosaic_0001>

<sc_bundles>
// kernel: kernel.10.cloned.1.call-start
scs
__scs_entry_jumppad:
0x0: {  	(pc) =	sbr.rel $0x88, $3  }
0x1: {  	(tag) =	ssettag $0x0;
	lr =	simm.s32 $0x1  }
0x2: {  	[smem:$0x3F90] =	sst lr;
	_ =	strace $0xD0000000  }
0x3: {  	_ = 	snop  }
0x4: {  	_ = 	snop  }
0x5: {  	_ = 	snop  }
0x6: {  	_ = 	snop  }
0x7: {  	_ = 	snop  }
__scs_overlays_trampoline_lowered:
0x8: {  	[smem:$0x3F9F] =	sst s0  }
0x9: {  	[smem:$0x3FA0] =	sst s1  }
0xa: {  	[smem:$0x3FA1] =	sst s2  }
0xb: {  	[smem:$0x3FA2] =	sst s3  }
0xc: {  	[smem:$0x3FA3] =	sst s4  }
0xd: {  	[smem:$0x3FA4] =	sst s5  }
0xe: {  	[smem:$0x3FA5] =	sst s6  }
0xf: {  	[smem:$0x3FA6] =	sst s7  }
0x10: {  	[smem:$0x3FA7] =	sst s8  }
0x11: {  	[smem:$0x3FA8] =	sst s9;
	s0 =	simm.s32 @!p0 $0x0  }
0x12: {  	s1 =	sld [smem:$0x3F8E];
	s0 =	simm.s32 @p0 $0x1  }
0x13: {  	[smem:$0x3FA9] =	sst s0;
	s0 =	simm.s32 @!p1 $0x0  }
0x14: {  	s2 =	sld [smem:$0x3F8D];
	s0 =	simm.s32 @p1 $0x1  }
0x15: {  	[smem:$0x3FAA] =	sst s0;
	s0 =	simm.s32 @!p2 $0x0  }
0x16: {  	s3 =	sld [smem:$0x3FDB];
	s0 =	simm.s32 @p2 $0x1  }
0x17: {  	s4 =	simm.s32 $0x1BF5;
	[smem:$0x3FAC] =	sst s0  }
0x18: {  	s0 =	sld [smem:$0x3F8F];
	_ =	swait.ge [sflag:s4], $0x0  }
0x19: {  	s7 =	sld [smem:$0x3F90]  }
0x1a: {  	s8 =	sadd.s32 $0xFFFFE003, lr  }
0x1b: {  	s9 =	sadd.s32 $0xFFFFFEF7, lr;
	s5 =	simm.s32 $0xFFFFFFFF;
	p2 =	slt.u32 s8, $0xFFFFF086  }
0x1c: {  	p1 =	slt.u32 s9, $0xF7A;
	s5 =	simm.s32 @!p2 $0x0  }
0x1d: {  	s5 =	simm.s32 @p1 $0x1;
	p0 =	seq.s32 s7, s2  }
0x1e: {  	s7 =	smul.u32 @!p0 $0xF7A, s2;
	p2 =	seq.s32 @!p0 s5, $0x0  }
0x1f: {  	s9 =	smul.u32 $0xF7A, s1;
	s8 =	simm.s32 @!p0 $0x1BF5;
	p2 =	por !p2, p0  }
0x20: {  	[sflag:s8] =	ssyncset.s32 @!p0 $0xFFFFF086;
	s6 =	sadd.s32 @!p0 s3, s7;
	s7 =	simm.s32 @!p0 $0x108  }
0x21: {  	s3 =	sadd.s32 s3, s9;
	s6 =	sadd.s32 @!p0 $0x88, s6;
	s7 =	simm.s32 @p2 $0x1082  }
0x22: {  	[simem:s7], [sflag:s8] =	dma.local @!p0 [hbm:s6], $0xF7A  }
0x23: {  	s9 =	sor.u32 $0xD0000000, s2;
	s6 =	simm.s32 $0x108;
	_ =	swait.ge @!p0 [sflag:s8], $0x0  }
0x24: {  	s3 =	sadd.s32 $0x88, s3;
	s6 =	simm.s32 @!p1 $0x1082;
	[sflag:s4] =	ssyncset.s32 $0xFFFFF086  }
0x25: {  	[simem:s6], [sflag:s4] =	dma.local [hbm:s3], $0xF7A  }
0x26: {  	[smem:$0x3F90] =	sst s1;
	(tag) =	ssettag s2;
	_ =	strace s9  }
0x27: {  	s1 =	sld [smem:$0x3FA0]  }
0x28: {  	s2 =	sld [smem:$0x3FA1]  }
0x29: {  	s4 =	sld [smem:$0x3FA3]  }
0x2a: {  	p0 =	seq.s32 s5, $0x0;
	s5 =	sld [smem:$0x3FA4]  }
0x2b: {  	s6 =	sld [smem:$0x3FA5]  }
0x2c: {  	s7 =	sld [smem:$0x3FA6]  }
0x2d: {  	s3 =	simm.s32 $0x108;
	s8 =	sld [smem:$0x3FA7]  }
0x2e: {  	s3 =	simm.s32 @!p0 $0x1082;
	s9 =	sld [smem:$0x3FA8]  }
0x2f: {  	lr =	sadd.s32 s0, s3;
	s0 =	sld [smem:$0x3F9F]  }
0x30: {  	s3 =	sld [smem:$0x3FA2]  }
0x31: {  	[smem:$0x3FAB] =	sst s10  }
0x32: {  	s10 =	sld [smem:$0x3FA9];
	_ =	sdelay $0x3  }
0x33: {  	p0 =	seq.s32 s10, $0x1;
	s10 =	sld [smem:$0x3FAB];
	_ =	sdelay $0x3  }
0x34: {  	[smem:$0x3FAB] =	sst s10  }
0x35: {  	s10 =	sld [smem:$0x3FAA];
	_ =	sdelay $0x3  }
0x36: {  	p1 =	seq.s32 s10, $0x1;
	s10 =	sld [smem:$0x3FAB];
	_ =	sdelay $0x3  }
0x37: {  	[smem:$0x3FAB] =	sst s10  }
0x38: {  	s10 =	sld [smem:$0x3FAC]  }
0x39: {  	_ = 	snop;
	(pc) =	sbr.ind lr, $3  }
0x3a: {  	_ = 	snop  }
0x3b: {  	_ = 	snop  }
0x3c: {  	p2 =	seq.s32 s10, $0x1;
	s10 =	sld [smem:$0x3FAB]  }
0x3d: {  	_ =	shalt  }
0x3e: {  	_ =	shalt  }
0x3f: {  	_ =	shalt  }
0x40: {  	_ =	shalt  }
0x41: {  	_ =	shalt  }
0x42: {  	_ =	shalt  }
0x43: {  	_ =	shalt  }
0x44: {  	_ =	shalt  }
0x45: {  	_ =	shalt  }
0x46: {  	_ =	shalt  }
0x47: {  	_ =	shalt  }
0x48: {  	_ =	shalt  }
0x49: {  	_ =	shalt  }
0x4a: {  	_ =	shalt  }
0x4b: {  	_ =	shalt  }
0x4c: {  	_ =	shalt  }
0x4d: {  	_ =	shalt  }
0x4e: {  	_ =	shalt  }
0x4f: {  	_ =	shalt  }
0x50: {  	_ =	shalt  }
0x51: {  	_ =	shalt  }
0x52: {  	_ =	shalt  }
0x53: {  	_ =	shalt  }
0x54: {  	_ =	shalt  }
0x55: {  	_ =	shalt  }
0x56: {  	_ =	shalt  }
0x57: {  	_ =	shalt  }
0x58: {  	_ =	shalt  }
0x59: {  	_ =	shalt  }
0x5a: {  	_ =	shalt  }
0x5b: {  	_ =	shalt  }
0x5c: {  	_ =	shalt  }
0x5d: {  	_ =	shalt  }
0x5e: {  	_ =	shalt  }
0x5f: {  	_ =	shalt  }
0x60: {  	_ =	shalt  }
0x61: {  	_ =	shalt  }
0x62: {  	_ =	shalt  }
0x63: {  	_ =	shalt  }
0x64: {  	_ =	shalt  }
0x65: {  	_ =	shalt  }
0x66: {  	_ =	shalt  }
0x67: {  	_ =	shalt  }
0x68: {  	_ =	shalt  }
0x69: {  	_ =	shalt  }
0x6a: {  	_ =	shalt  }
0x6b: {  	_ =	shalt  }
0x6c: {  	_ =	shalt  }
0x6d: {  	_ =	shalt  }
0x6e: {  	_ =	shalt  }
0x6f: {  	_ =	shalt  }
0x70: {  	_ =	shalt  }
0x71: {  	_ =	shalt  }
0x72: {  	_ =	shalt  }
0x73: {  	_ =	shalt  }
0x74: {  	_ =	shalt  }
0x75: {  	_ =	shalt  }
0x76: {  	_ =	shalt  }
0x77: {  	_ =	shalt  }
0x78: {  	_ =	shalt  }
0x79: {  	_ =	shalt  }
0x7a: {  	_ =	shalt  }
0x7b: {  	_ =	shalt  }
0x7c: {  	_ =	shalt  }
0x7d: {  	_ =	shalt  }
0x7e: {  	_ =	shalt  }
0x7f: {  	_ =	shalt  }
0x80: {  	_ =	shalt  }
0x81: {  	_ =	shalt  }
0x82: {  	_ =	shalt  }
0x83: {  	_ =	shalt  }
0x84: {  	_ =	shalt  }
0x85: {  	_ =	shalt  }
0x86: {  	_ =	shalt  }
0x87: {  	_ =	shalt  }
.Lfunc_end0:
.L_simem_size_0:
called_computation_lowered:
.L_overlay_start_0:
0x88: {  	s2 =	sld [smem:$0x3FD9]  }
0x89: {  	s3 =	sld [smem:$0x3FFE];
	_ =	sdelay $0x1  }
0x8a: {  	s1 =	srdreg.scid  }
0x8b: {  	s0 =	sand.u32 $0x1, s1  }
0x8c: {  	s17 =	sshll.u32 s0, $0xA;
	s2 =	sadd.s32 s3, s2  }
0x8d: {  	s2 =	sadd.s32 s2, s17  }
0x8e: {  	[smem:$0x3FB7] =	sst s2  }
0x8f: {  	_ = 	snop  }
0x90: {  	s2 =	sld [smem:$0x3FD0];
	(tm) =	ssettm $0x1  }
0x91: {  	s18 =	sld [smem:$0x3FFB];
	_ =	sdelay $0x3  }
0x92: {  	_ =	strace s18  }
0x93: {  	s3 =	sld [smem:$0x3FFC];
	_ =	sdelay $0x3  }
0x94: {  	_ =	strace s3  }
0x95: {  	s3 =	sld [smem:$0x3FFD];
	_ =	sdelay $0x3  }
0x96: {  	_ =	strace s3  }
0x97: {  	_ =	strace $0x8FFFFFFF  }
0x98: {  	s19 =	sld [smem:$0x3FDB];
	_ =	sdelay $0x1  }
0x99: {  	s4 =	simm.s32 $_scs_section_size  }
0x9a: {  	s5 =	simm.s32 $_size__tile_overlayer_lowered;
	s6 =	simm.s32 $_tile_overlayer_lowered  }
0x9b: {  	s22 =	simm.s32 $0x1BFF;
	s21 =	sshll.u32 s6, $0x1;
	s3 =	sadd.s32 s4, s19  }
0x9c: {  	s7 =	simm.s32 $0x0;
	s20 =	sshll.u32 s5, $0x1;
	s5 =	sadd.s32 s21, s3  }
0x9d: {  	[timem:s7], [sflag:s22] =	dma.local [hbm:s5], s20  }
0x9e: {  	_ =	swait.ge [sflag:s22], s20  }
0x9f: {  	s4 =	ssub.s32 $0x0, s20;
	[sflag:s22] =	ssyncset.done $0x0  }
0xa0: {  	[sflag:s22] =	ssyncadd.s32 s4;
	_ =	sdelay $0x1  }
0xa1: {  	s23 =	simm.s32 $0x1B8B  }
0xa2: {  	_ =	swait.ge [sflag:s23], $0x1  }
0xa3: {  	[sflag:s23] =	ssyncset.done $0x0  }
0xa4: {  	s25 =	simm.s32 $0x1B8E;
	s24 =	sld [smem:$0x3FFE];
	[sflag:s23] =	ssyncadd.s32 $0xFFFFFFFF  }
0xa5: {  	s26 =	simm.s32 $execute0_lowered;
	[smem:$0x3FD2] =	sst s25  }
0xa6: {  	s5 =	sshll.u32 s26, $0x1;
	_ =	strace $0x80000046;
	[dreg:$0x1] =	wrdreg $0xFFFFFFFF  }
0xa7: {  	s28 =	simm.s32 $_size_execute0_lowered;
	s3 =	sadd.s32 s3, s5;
	[dreg:$0x0] =	wrdreg $0x0  }
0xa8: {  	s5 =	sshll.u32 s28, $0x1;
	[dreg:$0x2] =	wrdreg s3  }
0xa9: {  	[dreg:$0x3] =	wrdreg s5  }
0xaa: {  	[dreg:$0x4] =	wrdreg $0xC0  }
0xab: {  	_ =	task [dreg:s7], $0x5FFFF  }
0xac: {  	[dreg:$0x1] =	wrdreg $0xFFFFFFFF  }
0xad: {  	[dreg:$0x0] =	wrdreg $0x60  }
0xae: {  	[dreg:$0x2] =	wrdreg s2  }
0xaf: {  	[dreg:$0x3] =	wrdreg s24  }
0xb0: {  	[dreg:$0x4] =	wrdreg $0x9  }
0xb1: {  	_ =	task.clear_ibuf [dreg:s7], $0x5FFFF;
	_ =	strace $0x90000046  }
0xb2: {  	s29 =	simm.s32 $0x9;
	_ =	strace $0x80000048  }
0xb3: {  	_ =	swait.ge [sflag:s29], $0x1  }
0xb4: {  	[sflag:s29] =	ssyncadd.s32 $0xFFFFFFFF  }
0xb5: {  	_ =	strace $0x90000048  }
0xb6: {  	_ =	sfence  }
0xb7: {  	s30 =	sld [smem:$0x0];
	_ =	sdelay $0x2  }
0xb8: {  	s31 =	sshll.u32 s1, $0xD;
	s1 =	sshrl.u32 s1, $0x2  }
0xb9: {  	s3 =	sand.u32 $0x4000, s31;
	s1 =	sadd.s32 s1, s30  }
0xba: {  	s0 =	sor.u32 s3, s0;
	s1 =	sshll.u32 s1, $0x11  }
0xbb: {  	s0 =	sor.u32 s1, s0  }
0xbc: {  	s0 =	sadd.s32 $0x8F2B, s0  }
0xbd: {  	[sflag:s0] =	ssyncadd.remote.s32 $0x1  }
0xbe: {  	_ =	sfence.sel $0xFFFF  }
0xbf: {  	[dreg:$0x0] =	wrdreg $0xFFFFFFFF;
	(pc) =	sbr.abs _section_cstart, $3  }
0xc0: {  	[dreg:$0x1] =	wrdreg $0xFFFFFFFF  }
0xc1: {  	_ =	task.clear_ibuf [dreg:s7], $0x2FFFF;
	_ =	strace $0x9FFFFFFF  }
0xc2: {  	(tm) =	ssettm $0x7FFFFFFF  }
0xc3: {  	_ =	shalt  }
tec
execute0_lowered:
.L_overlay_start_1:
0x0: {  	(tag) =	ssettag $0x1  }
0x1: {  	s0 =	srdreg.scid  }
0x2: {  	s1 =	stileid.u32;
	s2 =	rddreg [dreg:$0x0]  }
0x3: {  	s4 =	rddreg [dreg:$0x1];
	s3 =	simm.s32 $0x0;
	s18 =	simm.s32 $0x900  }
0x4: {  	s19 =	simm.s32 $0x1100;
	s20 =	simm.s32 $0x1900;
	s21 =	simm.s32 $0x2100  }
0x5: {  	s22 =	simm.s32 $0x2900;
	s23 =	simm.s32 $0x3100;
	s24 =	simm.s32 $0x3900  }
0x6: {  	s25 =	simm.s32 $0x4100;
	s28 =	simm.s32 $0x5100;
	s29 =	simm.s32 $0x5900  }
0x7: {  	s30 =	simm.s32 $0x6100;
	s31 =	simm.s32 $0x6900;
	s12 =	simm.s32 $0x8900  }
0x8: {  	s11 =	simm.s32 $0xA100;
	s0 =	sand.u32 $0x1, s0;
	s1 =	sshll.u32 s1, $0x1  }
0x9: {  	s13 =	simm.s32 $0xA900;
	s14 =	simm.s32 $0xB100;
	s1 =	sor.u32 s0, s1  }
0xa: {  	s15 =	simm.s32 $0xB900;
	s16 =	simm.s32 $0xC100;
	s5 =	smul.u32 $0x18, s1  }
0xb: {  	[smem:$0x7FF] =	sst s3;
	s0 =	ssub.s32 $0x2, s0;
	s6 =	smul.u32 $0x6000, s1  }
0xc: {  	_ =	strace $0x80000047;
	s1 =	smul.u32 $0x30000, s1;
	s7 =	sshrl.u32 s0, $0x1  }
0xd: {  	s0 =	ssub.s32 s0, s7;
	s7 =	sadd.s32 $0x300, s2;
	s5 =	sadd.s32 s5, s4  }
0xe: {  	s4 =	sadd.s32 $0x2E00, s4;
	s1 =	sshrl.u32 s1, $0x3;
	s5 =	sadd.s32 $0x2A00, s5  }
0xf: {  	s10 =	smax.u32 s0, $0x1;
	s6 =	sadd.s32 s4, s6;
	[dreg:$0x3] =	wrdreg s5  }
0x10: {  	s1 =	sadd.s32 s4, s1;
	[dreg:$0x7] =	wrdreg s6;
	s26 =	sadd.s32 $0x1800, s6  }
0x11: {  	v2 =	vlaneseq.u32;
	s4 =	sadd.s32 $0x3000, s1;
	s5 =	sadd.s32 $0x100, s2;
	[dreg:$0x4] =	wrdreg s26  }
0x12: {  	vm0 =	vmmov $0xffff;
	v1 =	vshrl.u32 v2, $0x3;
	s1 =	sadd.s32 $0x4800, s1;
	s6 =	sadd.s32 $0x200, s2;
	[dreg:$0x5] =	wrdreg s4  }
0x13: {  	v0 =	vand.u32 $0x7, v2;
	v2 =	vor.u32 $0x8, v2;
	v1 =	vmul.u32 $0x8, v1;
	[dreg:$0x6] =	wrdreg s1;
	s26 =	simm.s32 $0x4900;
	s1 =	simm.s32 $0x3  }
.LBB2_1:
0x14: {  	s17 =	rddreg [dreg:$0x3];
	s0 =	simm.s32 $0x5  }
0x15: {  	[tilespmem:s3], [sflag:$0x5] =	stream.linear.gather [hbm4b:s17+s3], $0xC0, $0x38;
	[tilespmem:$0x18100] =	vst v63  }
0x16: {  	_ =	swait.ge [sflag:s0], $0xC0  }
0x17: {  	[sflag:s0] =	ssyncset.done $0x0  }
0x18: {  	[sflag:s0] =	ssyncadd.s32 $0xFFFFFF40  }
0x19: {  	v3 =	vld [tilespmem:$0x0];
	_ =	sdelay $0x4  }
0x1a: {  	v4 =	vshll.u32 v3, $0x3  }
0x1b: {  	v3 =	vand.u32 $0x7, v3;
	v4 =	vand.u32 $0xFFFFFFC0, v4  }
0x1c: {  	v3 =	vor.u32 v3, v4  }
0x1d: {  	v4 =	vperm.xlane v3, v0;
	_ =	sdelay $0x1  }
0x1e: {  	v4 =	vadd.s32 v1, v4;
	_ =	sdelay $0x3  }
0x1f: {  	s4 =	simm.s32 $0x100  }
0x20: {  	[tilespmem:s4], [sflag:$0x1] =	stream.indirect_vreg.gather [hbm4b:s2+s3], $0x80, v4, vm0, $0xb8;
	[tilespmem:$0x18100] =	vst v63  }
0x21: {  	v3 =	vperm.xlane v3, v2  }
0x22: {  	[tilespmem:s18], [sflag:$0x1] =	stream.indirect_vreg.gather [hbm4b:s5+s3], $0x80, v4, vm0, $0xb8;
	[tilespmem:$0x18100] =	vst v63  }
0x23: {  	v3 =	vadd.s32 v1, v3  }
0x24: {  	[tilespmem:s19], [sflag:$0x1] =	stream.indirect_vreg.gather [hbm4b:s6+s3], $0x80, v4, vm0, $0xb8;
	[tilespmem:$0x18100] =	vst v63  }
0x25: {  	_ = 	snop  }
0x26: {  	[tilespmem:s20], [sflag:$0x1] =	stream.indirect_vreg.gather [hbm4b:s7+s3], $0x80, v4, vm0, $0xb8;
	[tilespmem:$0x18100] =	vst v63  }
0x27: {  	_ = 	snop  }
0x28: {  	[tilespmem:s21], [sflag:$0x1] =	stream.indirect_vreg.gather [hbm4b:s2+s3], $0x80, v3, vm0, $0xb8;
	[tilespmem:$0x18100] =	vst v63  }
0x29: {  	_ = 	snop  }
0x2a: {  	[tilespmem:s22], [sflag:$0x1] =	stream.indirect_vreg.gather [hbm4b:s5+s3], $0x80, v3, vm0, $0xb8;
	[tilespmem:$0x18100] =	vst v63  }
0x2b: {  	_ = 	snop  }
0x2c: {  	[tilespmem:s23], [sflag:$0x1] =	stream.indirect_vreg.gather [hbm4b:s6+s3], $0x80, v3, vm0, $0xb8;
	[tilespmem:$0x18100] =	vst v63  }
0x2d: {  	_ = 	snop  }
0x2e: {  	[tilespmem:s24], [sflag:$0x1] =	stream.indirect_vreg.gather [hbm4b:s7+s3], $0x80, v3, vm0, $0xb8;
	[tilespmem:$0x18100] =	vst v63  }
0x2f: {  	v3 =	vld [tilespmem:$0x10];
	_ =	sdelay $0x4  }
0x30: {  	v53 =	vshll.u32 v3, $0x3  }
0x31: {  	v3 =	vand.u32 $0x7, v3;
	v4 =	vand.u32 $0xFFFFFFC0, v53  }
0x32: {  	v3 =	vor.u32 v3, v4  }
0x33: {  	v4 =	vperm.xlane v3, v0;
	_ =	sdelay $0x1  }
0x34: {  	v4 =	vadd.s32 v1, v4;
	_ =	sdelay $0x4  }
0x35: {  	[tilespmem:s25], [sflag:$0x1] =	stream.indirect_vreg.gather [hbm4b:s2+s3], $0x80, v4, vm0, $0xb8;
	[tilespmem:$0x18100] =	vst v63  }
0x36: {  	v3 =	vperm.xlane v3, v2  }
0x37: {  	[tilespmem:s26], [sflag:$0x1] =	stream.indirect_vreg.gather [hbm4b:s5+s3], $0x80, v4, vm0, $0xb8;
	[tilespmem:$0x18100] =	vst v63  }
0x38: {  	v3 =	vadd.s32 v1, v3  }
0x39: {  	[tilespmem:s28], [sflag:$0x1] =	stream.indirect_vreg.gather [hbm4b:s6+s3], $0x80, v4, vm0, $0xb8;
	[tilespmem:$0x18100] =	vst v63  }
0x3a: {  	_ = 	snop  }
0x3b: {  	[tilespmem:s29], [sflag:$0x1] =	stream.indirect_vreg.gather [hbm4b:s7+s3], $0x80, v4, vm0, $0xb8;
	[tilespmem:$0x18100] =	vst v63  }
0x3c: {  	_ = 	snop  }
0x3d: {  	[tilespmem:s30], [sflag:$0x1] =	stream.indirect_vreg.gather [hbm4b:s2+s3], $0x80, v3, vm0, $0xb8;
	[tilespmem:$0x18100] =	vst v63  }
0x3e: {  	_ = 	snop  }
0x3f: {  	[tilespmem:s31], [sflag:$0x1] =	stream.indirect_vreg.gather [hbm4b:s5+s3], $0x80, v3, vm0, $0xb8;
	[tilespmem:$0x18100] =	vst v63  }
0x40: {  	s8 =	simm.s32 $0x7100  }
0x41: {  	[tilespmem:s8], [sflag:$0x1] =	stream.indirect_vreg.gather [hbm4b:s6+s3], $0x80, v3, vm0, $0xb8;
	[tilespmem:$0x18100] =	vst v63  }
0x42: {  	s9 =	simm.s32 $0x7900  }
0x43: {  	[tilespmem:s9], [sflag:$0x1] =	stream.indirect_vreg.gather [hbm4b:s7+s3], $0x80, v3, vm0, $0xb8;
	[tilespmem:$0x18100] =	vst v63  }
0x44: {  	v3 =	vld [tilespmem:$0x20];
	_ =	sdelay $0x4  }
0x45: {  	v54 =	vshll.u32 v3, $0x3  }
0x46: {  	v3 =	vand.u32 $0x7, v3;
	v4 =	vand.u32 $0xFFFFFFC0, v54  }
0x47: {  	v3 =	vor.u32 v3, v4  }
0x48: {  	v4 =	vperm.xlane v3, v0;
	_ =	sdelay $0x1  }
0x49: {  	v4 =	vadd.s32 v1, v4;
	_ =	sdelay $0x3  }
0x4a: {  	s4 =	simm.s32 $0x8100  }
0x4b: {  	[tilespmem:s4], [sflag:$0x1] =	stream.indirect_vreg.gather [hbm4b:s2+s3], $0x80, v4, vm0, $0xb8;
	[tilespmem:$0x18100] =	vst v63  }
0x4c: {  	v3 =	vperm.xlane v3, v2  }
0x4d: {  	[tilespmem:s12], [sflag:$0x1] =	stream.indirect_vreg.gather [hbm4b:s5+s3], $0x80, v4, vm0, $0xb8;
	[tilespmem:$0x18100] =	vst v63  }
0x4e: {  	s9 =	simm.s32 $0x9100;
	v3 =	vadd.s32 v1, v3  }
0x4f: {  	[tilespmem:s9], [sflag:$0x1] =	stream.indirect_vreg.gather [hbm4b:s6+s3], $0x80, v4, vm0, $0xb8;
	[tilespmem:$0x18100] =	vst v63  }
0x50: {  	s17 =	simm.s32 $0x9900  }
0x51: {  	[tilespmem:s17], [sflag:$0x1] =	stream.indirect_vreg.gather [hbm4b:s7+s3], $0x80, v4, vm0, $0xb8;
	[tilespmem:$0x18100] =	vst v63  }
0x52: {  	_ = 	snop  }
0x53: {  	[tilespmem:s11], [sflag:$0x1] =	stream.indirect_vreg.gather [hbm4b:s2+s3], $0x80, v3, vm0, $0xb8;
	[tilespmem:$0x18100] =	vst v63  }
0x54: {  	_ = 	snop  }
0x55: {  	[tilespmem:s13], [sflag:$0x1] =	stream.indirect_vreg.gather [hbm4b:s5+s3], $0x80, v3, vm0, $0xb8;
	[tilespmem:$0x18100] =	vst v63  }
0x56: {  	_ = 	snop  }
0x57: {  	[tilespmem:s14], [sflag:$0x1] =	stream.indirect_vreg.gather [hbm4b:s6+s3], $0x80, v3, vm0, $0xb8;
	[tilespmem:$0x18100] =	vst v63  }
0x58: {  	_ = 	snop  }
0x59: {  	[tilespmem:s15], [sflag:$0x1] =	stream.indirect_vreg.gather [hbm4b:s7+s3], $0x80, v3, vm0, $0xb8;
	[tilespmem:$0x18100] =	vst v63  }
0x5a: {  	v3 =	vld [tilespmem:$0x30];
	_ =	sdelay $0x4  }
0x5b: {  	v55 =	vshll.u32 v3, $0x3  }
0x5c: {  	v3 =	vand.u32 $0x7, v3;
	v4 =	vand.u32 $0xFFFFFFC0, v55  }
0x5d: {  	v3 =	vor.u32 v3, v4  }
0x5e: {  	v4 =	vperm.xlane v3, v0;
	_ =	sdelay $0x1  }
0x5f: {  	v4 =	vadd.s32 v1, v4;
	_ =	sdelay $0x4  }
0x60: {  	[tilespmem:s16], [sflag:$0x2] =	stream.indirect_vreg.gather [hbm4b:s2+s3], $0x80, v4, vm0, $0xb8;
	[tilespmem:$0x18100] =	vst v63  }
0x61: {  	s8 =	simm.s32 $0xC900;
	v3 =	vperm.xlane v3, v2  }
0x62: {  	[tilespmem:s8], [sflag:$0x2] =	stream.indirect_vreg.gather [hbm4b:s5+s3], $0x80, v4, vm0, $0xb8;
	[tilespmem:$0x18100] =	vst v63  }
0x63: {  	s17 =	simm.s32 $0xD100;
	v3 =	vadd.s32 v1, v3  }
0x64: {  	[tilespmem:s17], [sflag:$0x2] =	stream.indirect_vreg.gather [hbm4b:s6+s3], $0x80, v4, vm0, $0xb8;
	[tilespmem:$0x18100] =	vst v63  }
0x65: {  	s8 =	simm.s32 $0xD900  }
0x66: {  	[tilespmem:s8], [sflag:$0x2] =	stream.indirect_vreg.gather [hbm4b:s7+s3], $0x80, v4, vm0, $0xb8;
	[tilespmem:$0x18100] =	vst v63  }
0x67: {  	s17 =	simm.s32 $0xE100  }
0x68: {  	[tilespmem:s17], [sflag:$0x2] =	stream.indirect_vreg.gather [hbm4b:s2+s3], $0x80, v3, vm0, $0xb8;
	[tilespmem:$0x18100] =	vst v63  }
0x69: {  	s8 =	simm.s32 $0xE900  }
0x6a: {  	[tilespmem:s8], [sflag:$0x2] =	stream.indirect_vreg.gather [hbm4b:s5+s3], $0x80, v3, vm0, $0xb8;
	[tilespmem:$0x18100] =	vst v63  }
0x6b: {  	s17 =	simm.s32 $0xF100  }
0x6c: {  	[tilespmem:s17], [sflag:$0x2] =	stream.indirect_vreg.gather [hbm4b:s6+s3], $0x80, v3, vm0, $0xb8;
	[tilespmem:$0x18100] =	vst v63  }
0x6d: {  	s8 =	simm.s32 $0xF900  }
0x6e: {  	[tilespmem:s8], [sflag:$0x2] =	stream.indirect_vreg.gather [hbm4b:s7+s3], $0x80, v3, vm0, $0xb8;
	[tilespmem:$0x18100] =	vst v63  }
0x6f: {  	v3 =	vld [tilespmem:$0x40];
	_ =	sdelay $0x4  }
0x70: {  	v56 =	vshll.u32 v3, $0x3  }
0x71: {  	v3 =	vand.u32 $0x7, v3;
	v4 =	vand.u32 $0xFFFFFFC0, v56  }
0x72: {  	v3 =	vor.u32 v3, v4  }
0x73: {  	v4 =	vperm.xlane v3, v0;
	_ =	sdelay $0x1  }
0x74: {  	v4 =	vadd.s32 v1, v4;
	_ =	sdelay $0x3  }
0x75: {  	s17 =	simm.s32 $0x10100  }
0x76: {  	[tilespmem:s17], [sflag:$0x2] =	stream.indirect_vreg.gather [hbm4b:s2+s3], $0x80, v4, vm0, $0xb8;
	[tilespmem:$0x18100] =	vst v63  }
0x77: {  	s8 =	simm.s32 $0x10900;
	v3 =	vperm.xlane v3, v2  }
0x78: {  	[tilespmem:s8], [sflag:$0x2] =	stream.indirect_vreg.gather [hbm4b:s5+s3], $0x80, v4, vm0, $0xb8;
	[tilespmem:$0x18100] =	vst v63  }
0x79: {  	v3 =	vadd.s32 v1, v3;
	s17 =	simm.s32 $0x11100  }
0x7a: {  	[tilespmem:s17], [sflag:$0x2] =	stream.indirect_vreg.gather [hbm4b:s6+s3], $0x80, v4, vm0, $0xb8;
	[tilespmem:$0x18100] =	vst v63  }
0x7b: {  	s8 =	simm.s32 $0x11900  }
0x7c: {  	[tilespmem:s8], [sflag:$0x2] =	stream.indirect_vreg.gather [hbm4b:s7+s3], $0x80, v4, vm0, $0xb8;
	[tilespmem:$0x18100] =	vst v63  }
0x7d: {  	s17 =	simm.s32 $0x12100  }
0x7e: {  	[tilespmem:s17], [sflag:$0x2] =	stream.indirect_vreg.gather [hbm4b:s2+s3], $0x80, v3, vm0, $0xb8;
	[tilespmem:$0x18100] =	vst v63  }
0x7f: {  	s8 =	simm.s32 $0x12900  }
0x80: {  	[tilespmem:s8], [sflag:$0x2] =	stream.indirect_vreg.gather [hbm4b:s5+s3], $0x80, v3, vm0, $0xb8;
	[tilespmem:$0x18100] =	vst v63  }
0x81: {  	s17 =	simm.s32 $0x13100  }
0x82: {  	[tilespmem:s17], [sflag:$0x2] =	stream.indirect_vreg.gather [hbm4b:s6+s3], $0x80, v3, vm0, $0xb8;
	[tilespmem:$0x18100] =	vst v63  }
0x83: {  	s8 =	simm.s32 $0x13900  }
0x84: {  	[tilespmem:s8], [sflag:$0x2] =	stream.indirect_vreg.gather [hbm4b:s7+s3], $0x80, v3, vm0, $0xb8;
	[tilespmem:$0x18100] =	vst v63  }
0x85: {  	v3 =	vld [tilespmem:$0x50];
	_ =	sdelay $0x4  }
0x86: {  	v57 =	vshll.u32 v3, $0x3  }
0x87: {  	v3 =	vand.u32 $0x7, v3;
	v4 =	vand.u32 $0xFFFFFFC0, v57  }
0x88: {  	v3 =	vor.u32 v3, v4  }
0x89: {  	v4 =	vperm.xlane v3, v0;
	_ =	sdelay $0x1  }
0x8a: {  	v4 =	vadd.s32 v1, v4;
	_ =	sdelay $0x3  }
0x8b: {  	s17 =	simm.s32 $0x14100  }
0x8c: {  	[tilespmem:s17], [sflag:$0x2] =	stream.indirect_vreg.gather [hbm4b:s2+s3], $0x80, v4, vm0, $0xb8;
	[tilespmem:$0x18100] =	vst v63  }
0x8d: {  	s8 =	simm.s32 $0x14900;
	v3 =	vperm.xlane v3, v2  }
0x8e: {  	[tilespmem:s8], [sflag:$0x2] =	stream.indirect_vreg.gather [hbm4b:s5+s3], $0x80, v4, vm0, $0xb8;
	[tilespmem:$0x18100] =	vst v63  }
0x8f: {  	v3 =	vadd.s32 v1, v3;
	s17 =	simm.s32 $0x15100  }
0x90: {  	[tilespmem:s17], [sflag:$0x2] =	stream.indirect_vreg.gather [hbm4b:s6+s3], $0x80, v4, vm0, $0xb8;
	[tilespmem:$0x18100] =	vst v63  }
0x91: {  	s8 =	simm.s32 $0x15900  }
0x92: {  	[tilespmem:s8], [sflag:$0x2] =	stream.indirect_vreg.gather [hbm4b:s7+s3], $0x80, v4, vm0, $0xb8;
	[tilespmem:$0x18100] =	vst v63  }
0x93: {  	s17 =	simm.s32 $0x16100  }
0x94: {  	[tilespmem:s17], [sflag:$0x2] =	stream.indirect_vreg.gather [hbm4b:s2+s3], $0x80, v3, vm0, $0xb8;
	[tilespmem:$0x18100] =	vst v63  }
0x95: {  	s8 =	simm.s32 $0x16900  }
0x96: {  	[tilespmem:s8], [sflag:$0x2] =	stream.indirect_vreg.gather [hbm4b:s5+s3], $0x80, v3, vm0, $0xb8;
	[tilespmem:$0x18100] =	vst v63  }
0x97: {  	s17 =	simm.s32 $0x17100  }
0x98: {  	[tilespmem:s17], [sflag:$0x2] =	stream.indirect_vreg.gather [hbm4b:s6+s3], $0x80, v3, vm0, $0xb8;
	[tilespmem:$0x18100] =	vst v63  }
0x99: {  	s0 =	simm.s32 $0x1;
	s8 =	simm.s32 $0x17900  }
0x9a: {  	[tilespmem:s8], [sflag:$0x2] =	stream.indirect_vreg.gather [hbm4b:s7+s3], $0x80, v3, vm0, $0xb8;
	[tilespmem:$0x18100] =	vst v63  }
0x9b: {  	_ =	swait.ge [sflag:s0], $0xC000  }
0x9c: {  	[sflag:s0] =	ssyncset.done $0x0  }
0x9d: {  	s8 =	simm.s32 $0x100;
	s17 =	rddreg [dreg:$0x7];
	[sflag:s0] =	ssyncadd.s32 $0xFFFF4000  }
0x9e: {  	[hbm4b:s17+s3] =	stream.linear.scatter [tilespmem:s8], [sflag:$0x3], $0xC000, $0x38;
	[tilespmem:$0x18100] =	vst v63  }
0x9f: {  	_ =	swait.ge [sflag:s1], $0xC000  }
0xa0: {  	[sflag:s1] =	ssyncset.done $0x0  }
0xa1: {  	[sflag:s1] =	ssyncadd.s32 $0xFFFF4000  }
0xa2: {  	v3 =	vld [tilespmem:$0x60];
	_ =	sdelay $0x4  }
0xa3: {  	v58 =	vshll.u32 v3, $0x3  }
0xa4: {  	v3 =	vand.u32 $0x7, v3;
	v4 =	vand.u32 $0xFFFFFFC0, v58  }
0xa5: {  	v3 =	vor.u32 v3, v4  }
0xa6: {  	v4 =	vperm.xlane v3, v0;
	_ =	sdelay $0x1  }
0xa7: {  	v4 =	vadd.s32 v1, v4;
	_ =	sdelay $0x4  }
0xa8: {  	[tilespmem:s8], [sflag:$0x1] =	stream.indirect_vreg.gather [hbm4b:s2+s3], $0x80, v4, vm0, $0xb8;
	[tilespmem:$0x18100] =	vst v63  }
0xa9: {  	v3 =	vperm.xlane v3, v2  }
0xaa: {  	[tilespmem:s18], [sflag:$0x1] =	stream.indirect_vreg.gather [hbm4b:s5+s3], $0x80, v4, vm0, $0xb8;
	[tilespmem:$0x18100] =	vst v63  }
0xab: {  	v3 =	vadd.s32 v1, v3  }
0xac: {  	[tilespmem:s19], [sflag:$0x1] =	stream.indirect_vreg.gather [hbm4b:s6+s3], $0x80, v4, vm0, $0xb8;
	[tilespmem:$0x18100] =	vst v63  }
0xad: {  	_ = 	snop  }
0xae: {  	[tilespmem:s20], [sflag:$0x1] =	stream.indirect_vreg.gather [hbm4b:s7+s3], $0x80, v4, vm0, $0xb8;
	[tilespmem:$0x18100] =	vst v63  }
0xaf: {  	_ = 	snop  }
0xb0: {  	[tilespmem:s21], [sflag:$0x1] =	stream.indirect_vreg.gather [hbm4b:s2+s3], $0x80, v3, vm0, $0xb8;
	[tilespmem:$0x18100] =	vst v63  }
0xb1: {  	_ = 	snop  }
0xb2: {  	[tilespmem:s22], [sflag:$0x1] =	stream.indirect_vreg.gather [hbm4b:s5+s3], $0x80, v3, vm0, $0xb8;
	[tilespmem:$0x18100] =	vst v63  }
0xb3: {  	_ = 	snop  }
0xb4: {  	[tilespmem:s23], [sflag:$0x1] =	stream.indirect_vreg.gather [hbm4b:s6+s3], $0x80, v3, vm0, $0xb8;
	[tilespmem:$0x18100] =	vst v63  }
0xb5: {  	_ = 	snop  }
0xb6: {  	[tilespmem:s24], [sflag:$0x1] =	stream.indirect_vreg.gather [hbm4b:s7+s3], $0x80, v3, vm0, $0xb8;
	[tilespmem:$0x18100] =	vst v63  }
0xb7: {  	v3 =	vld [tilespmem:$0x70];
	_ =	sdelay $0x4  }
0xb8: {  	v59 =	vshll.u32 v3, $0x3  }
0xb9: {  	v3 =	vand.u32 $0x7, v3;
	v4 =	vand.u32 $0xFFFFFFC0, v59  }
0xba: {  	v3 =	vor.u32 v3, v4  }
0xbb: {  	v4 =	vperm.xlane v3, v0;
	_ =	sdelay $0x1  }
0xbc: {  	v4 =	vadd.s32 v1, v4;
	_ =	sdelay $0x4  }
0xbd: {  	[tilespmem:s25], [sflag:$0x1] =	stream.indirect_vreg.gather [hbm4b:s2+s3], $0x80, v4, vm0, $0xb8;
	[tilespmem:$0x18100] =	vst v63  }
0xbe: {  	v3 =	vperm.xlane v3, v2  }
0xbf: {  	[tilespmem:s26], [sflag:$0x1] =	stream.indirect_vreg.gather [hbm4b:s5+s3], $0x80, v4, vm0, $0xb8;
	[tilespmem:$0x18100] =	vst v63  }
0xc0: {  	v3 =	vadd.s32 v1, v3  }
0xc1: {  	[tilespmem:s28], [sflag:$0x1] =	stream.indirect_vreg.gather [hbm4b:s6+s3], $0x80, v4, vm0, $0xb8;
	[tilespmem:$0x18100] =	vst v63  }
0xc2: {  	_ = 	snop  }
0xc3: {  	[tilespmem:s29], [sflag:$0x1] =	stream.indirect_vreg.gather [hbm4b:s7+s3], $0x80, v4, vm0, $0xb8;
	[tilespmem:$0x18100] =	vst v63  }
0xc4: {  	_ = 	snop  }
0xc5: {  	[tilespmem:s30], [sflag:$0x1] =	stream.indirect_vreg.gather [hbm4b:s2+s3], $0x80, v3, vm0, $0xb8;
	[tilespmem:$0x18100] =	vst v63  }
0xc6: {  	_ = 	snop  }
0xc7: {  	[tilespmem:s31], [sflag:$0x1] =	stream.indirect_vreg.gather [hbm4b:s5+s3], $0x80, v3, vm0, $0xb8;
	[tilespmem:$0x18100] =	vst v63  }
0xc8: {  	s17 =	simm.s32 $0x7100  }
0xc9: {  	[tilespmem:s17], [sflag:$0x1] =	stream.indirect_vreg.gather [hbm4b:s6+s3], $0x80, v3, vm0, $0xb8;
	[tilespmem:$0x18100] =	vst v63  }
0xca: {  	s17 =	simm.s32 $0x7900  }
0xcb: {  	[tilespmem:s17], [sflag:$0x1] =	stream.indirect_vreg.gather [hbm4b:s7+s3], $0x80, v3, vm0, $0xb8;
	[tilespmem:$0x18100] =	vst v63  }
0xcc: {  	v3 =	vld [tilespmem:$0x80];
	_ =	sdelay $0x4  }
0xcd: {  	v60 =	vshll.u32 v3, $0x3  }
0xce: {  	v3 =	vand.u32 $0x7, v3;
	v4 =	vand.u32 $0xFFFFFFC0, v60  }
0xcf: {  	v3 =	vor.u32 v3, v4  }
0xd0: {  	v4 =	vperm.xlane v3, v0;
	_ =	sdelay $0x1  }
0xd1: {  	v4 =	vadd.s32 v1, v4;
	_ =	sdelay $0x4  }
0xd2: {  	[tilespmem:s4], [sflag:$0x1] =	stream.indirect_vreg.gather [hbm4b:s2+s3], $0x80, v4, vm0, $0xb8;
	[tilespmem:$0x18100] =	vst v63  }
0xd3: {  	v3 =	vperm.xlane v3, v2  }
0xd4: {  	[tilespmem:s12], [sflag:$0x1] =	stream.indirect_vreg.gather [hbm4b:s5+s3], $0x80, v4, vm0, $0xb8;
	[tilespmem:$0x18100] =	vst v63  }
0xd5: {  	v3 =	vadd.s32 v1, v3  }
0xd6: {  	[tilespmem:s9], [sflag:$0x1] =	stream.indirect_vreg.gather [hbm4b:s6+s3], $0x80, v4, vm0, $0xb8;
	[tilespmem:$0x18100] =	vst v63  }
0xd7: {  	s8 =	simm.s32 $0x9900  }
0xd8: {  	[tilespmem:s8], [sflag:$0x1] =	stream.indirect_vreg.gather [hbm4b:s7+s3], $0x80, v4, vm0, $0xb8;
	[tilespmem:$0x18100] =	vst v63  }
0xd9: {  	_ = 	snop  }
0xda: {  	[tilespmem:s11], [sflag:$0x1] =	stream.indirect_vreg.gather [hbm4b:s2+s3], $0x80, v3, vm0, $0xb8;
	[tilespmem:$0x18100] =	vst v63  }
0xdb: {  	_ = 	snop  }
0xdc: {  	[tilespmem:s13], [sflag:$0x1] =	stream.indirect_vreg.gather [hbm4b:s5+s3], $0x80, v3, vm0, $0xb8;
	[tilespmem:$0x18100] =	vst v63  }
0xdd: {  	_ = 	snop  }
0xde: {  	[tilespmem:s14], [sflag:$0x1] =	stream.indirect_vreg.gather [hbm4b:s6+s3], $0x80, v3, vm0, $0xb8;
	[tilespmem:$0x18100] =	vst v63  }
0xdf: {  	s4 =	simm.s32 $0x2  }
0xe0: {  	[tilespmem:s15], [sflag:$0x1] =	stream.indirect_vreg.gather [hbm4b:s7+s3], $0x80, v3, vm0, $0xb8;
	[tilespmem:$0x18100] =	vst v63  }
0xe1: {  	_ =	swait.ge [sflag:s4], $0xC000  }
0xe2: {  	[sflag:s4] =	ssyncset.done $0x0  }
0xe3: {  	s9 =	rddreg [dreg:$0x4];
	[sflag:s4] =	ssyncadd.s32 $0xFFFF4000  }
0xe4: {  	[hbm4b:s9+s3] =	stream.linear.scatter [tilespmem:s16], [sflag:$0x4], $0xC000, $0x38;
	[tilespmem:$0x18100] =	vst v63  }
0xe5: {  	s9 =	simm.s32 $0x4  }
0xe6: {  	_ =	swait.ge [sflag:s9], $0xC000  }
0xe7: {  	[sflag:s9] =	ssyncset.done $0x0  }
0xe8: {  	[sflag:s9] =	ssyncadd.s32 $0xFFFF4000  }
0xe9: {  	v3 =	vld [tilespmem:$0x90];
	_ =	sdelay $0x4  }
0xea: {  	v61 =	vshll.u32 v3, $0x3  }
0xeb: {  	v3 =	vand.u32 $0x7, v3;
	v4 =	vand.u32 $0xFFFFFFC0, v61  }
0xec: {  	v3 =	vor.u32 v3, v4  }
0xed: {  	v4 =	vperm.xlane v3, v0;
	_ =	sdelay $0x1  }
0xee: {  	v4 =	vadd.s32 v1, v4;
	_ =	sdelay $0x4  }
0xef: {  	[tilespmem:s16], [sflag:$0x2] =	stream.indirect_vreg.gather [hbm4b:s2+s3], $0x80, v4, vm0, $0xb8;
	[tilespmem:$0x18100] =	vst v63  }
0xf0: {  	s17 =	simm.s32 $0xC900;
	v3 =	vperm.xlane v3, v2  }
0xf1: {  	[tilespmem:s17], [sflag:$0x2] =	stream.indirect_vreg.gather [hbm4b:s5+s3], $0x80, v4, vm0, $0xb8;
	[tilespmem:$0x18100] =	vst v63  }
0xf2: {  	v3 =	vadd.s32 v1, v3;
	s17 =	simm.s32 $0xD100  }
0xf3: {  	[tilespmem:s17], [sflag:$0x2] =	stream.indirect_vreg.gather [hbm4b:s6+s3], $0x80, v4, vm0, $0xb8;
	[tilespmem:$0x18100] =	vst v63  }
0xf4: {  	s17 =	simm.s32 $0xD900  }
0xf5: {  	[tilespmem:s17], [sflag:$0x2] =	stream.indirect_vreg.gather [hbm4b:s7+s3], $0x80, v4, vm0, $0xb8;
	[tilespmem:$0x18100] =	vst v63  }
0xf6: {  	s17 =	simm.s32 $0xE100  }
0xf7: {  	[tilespmem:s17], [sflag:$0x2] =	stream.indirect_vreg.gather [hbm4b:s2+s3], $0x80, v3, vm0, $0xb8;
	[tilespmem:$0x18100] =	vst v63  }
0xf8: {  	s17 =	simm.s32 $0xE900  }
0xf9: {  	[tilespmem:s17], [sflag:$0x2] =	stream.indirect_vreg.gather [hbm4b:s5+s3], $0x80, v3, vm0, $0xb8;
	[tilespmem:$0x18100] =	vst v63  }
0xfa: {  	s17 =	simm.s32 $0xF100  }
0xfb: {  	[tilespmem:s17], [sflag:$0x2] =	stream.indirect_vreg.gather [hbm4b:s6+s3], $0x80, v3, vm0, $0xb8;
	[tilespmem:$0x18100] =	vst v63  }
0xfc: {  	s17 =	simm.s32 $0xF900  }
0xfd: {  	[tilespmem:s17], [sflag:$0x2] =	stream.indirect_vreg.gather [hbm4b:s7+s3], $0x80, v3, vm0, $0xb8;
	[tilespmem:$0x18100] =	vst v63  }
0xfe: {  	v3 =	vld [tilespmem:$0xA0];
	_ =	sdelay $0x4  }
0xff: {  	v62 =	vshll.u32 v3, $0x3  }
0x100: {  	v3 =	vand.u32 $0x7, v3;
	v4 =	vand.u32 $0xFFFFFFC0, v62  }
0x101: {  	v3 =	vor.u32 v3, v4  }
0x102: {  	v4 =	vperm.xlane v3, v0;
	_ =	sdelay $0x1  }
0x103: {  	v4 =	vadd.s32 v1, v4;
	_ =	sdelay $0x3  }
0x104: {  	s17 =	simm.s32 $0x10100  }
0x105: {  	[tilespmem:s17], [sflag:$0x2] =	stream.indirect_vreg.gather [hbm4b:s2+s3], $0x80, v4, vm0, $0xb8;
	[tilespmem:$0x18100] =	vst v63  }
0x106: {  	v3 =	vperm.xlane v3, v2;
	s17 =	simm.s32 $0x10900  }
0x107: {  	[tilespmem:s17], [sflag:$0x2] =	stream.indirect_vreg.gather [hbm4b:s5+s3], $0x80, v4, vm0, $0xb8;
	[tilespmem:$0x18100] =	vst v63  }
0x108: {  	v3 =	vadd.s32 v1, v3;
	s17 =	simm.s32 $0x11100  }
0x109: {  	[tilespmem:s17], [sflag:$0x2] =	stream.indirect_vreg.gather [hbm4b:s6+s3], $0x80, v4, vm0, $0xb8;
	[tilespmem:$0x18100] =	vst v63  }
0x10a: {  	s17 =	simm.s32 $0x11900  }
0x10b: {  	[tilespmem:s17], [sflag:$0x2] =	stream.indirect_vreg.gather [hbm4b:s7+s3], $0x80, v4, vm0, $0xb8;
	[tilespmem:$0x18100] =	vst v63  }
0x10c: {  	s17 =	simm.s32 $0x12100  }
0x10d: {  	[tilespmem:s17], [sflag:$0x2] =	stream.indirect_vreg.gather [hbm4b:s2+s3], $0x80, v3, vm0, $0xb8;
	[tilespmem:$0x18100] =	vst v63  }
0x10e: {  	s17 =	simm.s32 $0x12900  }
0x10f: {  	[tilespmem:s17], [sflag:$0x2] =	stream.indirect_vreg.gather [hbm4b:s5+s3], $0x80, v3, vm0, $0xb8;
	[tilespmem:$0x18100] =	vst v63  }
0x110: {  	s17 =	simm.s32 $0x13100  }
0x111: {  	[tilespmem:s17], [sflag:$0x2] =	stream.indirect_vreg.gather [hbm4b:s6+s3], $0x80, v3, vm0, $0xb8;
	[tilespmem:$0x18100] =	vst v63  }
0x112: {  	s17 =	simm.s32 $0x13900  }
0x113: {  	[tilespmem:s17], [sflag:$0x2] =	stream.indirect_vreg.gather [hbm4b:s7+s3], $0x80, v3, vm0, $0xb8;
	[tilespmem:$0x18100] =	vst v63  }
0x114: {  	v3 =	vld [tilespmem:$0xB0];
	_ =	sdelay $0x4  }
0x115: {  	v63 =	vshll.u32 v3, $0x3  }
0x116: {  	v3 =	vand.u32 $0x7, v3;
	v4 =	vand.u32 $0xFFFFFFC0, v63  }
0x117: {  	v3 =	vor.u32 v3, v4  }
0x118: {  	v4 =	vperm.xlane v3, v0;
	_ =	sdelay $0x1  }
0x119: {  	v4 =	vadd.s32 v1, v4;
	_ =	sdelay $0x3  }
0x11a: {  	s17 =	simm.s32 $0x14100  }
0x11b: {  	[tilespmem:s17], [sflag:$0x2] =	stream.indirect_vreg.gather [hbm4b:s2+s3], $0x80, v4, vm0, $0xb8;
	[tilespmem:$0x18100] =	vst v63  }
0x11c: {  	v3 =	vperm.xlane v3, v2;
	s17 =	simm.s32 $0x14900  }
0x11d: {  	[tilespmem:s17], [sflag:$0x2] =	stream.indirect_vreg.gather [hbm4b:s5+s3], $0x80, v4, vm0, $0xb8;
	[tilespmem:$0x18100] =	vst v63  }
0x11e: {  	v3 =	vadd.s32 v1, v3;
	s17 =	simm.s32 $0x15100  }
0x11f: {  	[tilespmem:s17], [sflag:$0x2] =	stream.indirect_vreg.gather [hbm4b:s6+s3], $0x80, v4, vm0, $0xb8;
	[tilespmem:$0x18100] =	vst v63  }
0x120: {  	s17 =	simm.s32 $0x15900  }
0x121: {  	[tilespmem:s17], [sflag:$0x2] =	stream.indirect_vreg.gather [hbm4b:s7+s3], $0x80, v4, vm0, $0xb8;
	[tilespmem:$0x18100] =	vst v63  }
0x122: {  	s17 =	simm.s32 $0x16100  }
0x123: {  	[tilespmem:s17], [sflag:$0x2] =	stream.indirect_vreg.gather [hbm4b:s2+s3], $0x80, v3, vm0, $0xb8;
	[tilespmem:$0x18100] =	vst v63  }
0x124: {  	s17 =	simm.s32 $0x16900  }
0x125: {  	[tilespmem:s17], [sflag:$0x2] =	stream.indirect_vreg.gather [hbm4b:s5+s3], $0x80, v3, vm0, $0xb8;
	[tilespmem:$0x18100] =	vst v63  }
0x126: {  	s17 =	simm.s32 $0x17100  }
0x127: {  	[tilespmem:s17], [sflag:$0x2] =	stream.indirect_vreg.gather [hbm4b:s6+s3], $0x80, v3, vm0, $0xb8;
	[tilespmem:$0x18100] =	vst v63  }
0x128: {  	s17 =	simm.s32 $0x17900  }
0x129: {  	[tilespmem:s17], [sflag:$0x2] =	stream.indirect_vreg.gather [hbm4b:s7+s3], $0x80, v3, vm0, $0xb8;
	[tilespmem:$0x18100] =	vst v63  }
0x12a: {  	_ =	swait.ge [sflag:s0], $0xC000  }
0x12b: {  	[sflag:s0] =	ssyncset.done $0x0  }
0x12c: {  	s8 =	simm.s32 $0x100;
	s17 =	rddreg [dreg:$0x5];
	[sflag:s0] =	ssyncadd.s32 $0xFFFF4000  }
0x12d: {  	[hbm4b:s17+s3] =	stream.linear.scatter [tilespmem:s8], [sflag:$0x3], $0xC000, $0x38;
	[tilespmem:$0x18100] =	vst v63  }
0x12e: {  	_ =	swait.ge [sflag:s4], $0xC000  }
0x12f: {  	[sflag:s4] =	ssyncset.done $0x0  }
0x130: {  	s8 =	rddreg [dreg:$0x6];
	[sflag:s4] =	ssyncadd.s32 $0xFFFF4000  }
0x131: {  	[hbm4b:s8+s3] =	stream.linear.scatter [tilespmem:s16], [sflag:$0x4], $0xC000, $0x38;
	[tilespmem:$0x18100] =	vst v63  }
0x132: {  	p0 =	sne.s32 s10, $0x1;
	_ =	swait.ge [sflag:s1], $0xC000  }
.Ltmp0:
0x133: {  	[sflag:s1] =	ssyncset.done $0x0;
	(pc) =	sbr.rel @p0 .LBB2_1-.Ltmp0, $4  }
0x134: {  	[sflag:s1] =	ssyncadd.s32 $0xFFFF4000  }
0x135: {  	_ =	swait.ge [sflag:s9], $0xC000  }
0x136: {  	[sflag:s9] =	ssyncset.done $0x0  }
0x137: {  	s10 =	sadd.s32 $0xFFFFFFFF, s10;
	[sflag:s9] =	ssyncadd.s32 $0xFFFF4000  }
0x138: {  	_ =	sfence.sel $0x180000  }
0x139: {  	[bflag:$0x0] =	sbarrier.arrive $0xFFFF  }
0x13a: {  	_ =	strace $0x90000047  }
0x13b: {  	s0 =	stileid.u32;
	[bflag:$0x2] =	sbarrier.arrive $0xFFFF  }
0x13c: {  	p0 =	sne.s32 s0, $0x0;
	s0 =	rddreg [dreg:$0x2]  }
0x13d: {  	s0 =	sadd.s32 @!p0 $0x100000, s0  }
0x13e: {  	[sflag:s0] =	ssyncadd.tile.s32 @!p0 $0x1;
	_ =	shalt  }
.Lfunc_end2:
_tile_overlayer_lowered:
.L_overlay_start_2:
0x13f: {  	(tag) =	ssettag $0x2  }
0x140: {  	s0 =	rddreg [dreg:$0x0];
	s2 =	stileid.u32  }
0x141: {  	s1 =	rddreg [dreg:$0x1];
	p0 =	sne.s32 s2, $0x0  }
0x142: {  	s3 =	rddreg [dreg:$0x2];
	[bflag:$0x3] =	sbarrier.arrive $0xFFFF;
	s2 =	simm.s32 @!p0 $0x1C05  }
0x143: {  	[timem:s3], [sflag:s2] =	dma.local @!p0 [hbm:s0], s1  }
0x144: {  	s0 =	simm.s32 @!p0 $0x5  }
0x145: {  	_ =	swait.ge @!p0 [sflag:s0], s1  }
0x146: {  	s1 =	ssub.s32 @!p0 $0x0, s1;
	[sflag:s0] =	ssyncset.done @!p0 $0x0  }
0x147: {  	[sflag:s0] =	ssyncadd.s32 @!p0 s1  }
0x148: {  	[bflag:$0x3] =	sbarrier.arrive $0xFFFF  }
0x149: {  	_ =	shalt  }

// kernel: kernel.13.cloned.1.call-start
scs
__scs_entry_jumppad:
0x0: {  	(pc) =	sbr.rel $0x88, $3  }
0x1: {  	(tag) =	ssettag $0x0;
	lr =	simm.s32 $0x1  }
0x2: {  	[smem:$0x3F90] =	sst lr;
	_ =	strace $0xD0000000  }
0x3: {  	_ = 	snop  }
0x4: {  	_ = 	snop  }
0x5: {  	_ = 	snop  }
0x6: {  	_ = 	snop  }
0x7: {  	_ = 	snop  }
__scs_overlays_trampoline_lowered:
0x8: {  	[smem:$0x3F9F] =	sst s0  }
0x9: {  	[smem:$0x3FA0] =	sst s1  }
0xa: {  	[smem:$0x3FA1] =	sst s2  }
0xb: {  	[smem:$0x3FA2] =	sst s3  }
0xc: {  	[smem:$0x3FA3] =	sst s4  }
0xd: {  	[smem:$0x3FA4] =	sst s5  }
0xe: {  	[smem:$0x3FA5] =	sst s6  }
0xf: {  	[smem:$0x3FA6] =	sst s7  }
0x10: {  	[smem:$0x3FA7] =	sst s8  }
0x11: {  	[smem:$0x3FA8] =	sst s9;
	s0 =	simm.s32 @!p0 $0x0  }
0x12: {  	s1 =	sld [smem:$0x3F8E];
	s0 =	simm.s32 @p0 $0x1  }
0x13: {  	[smem:$0x3FA9] =	sst s0;
	s0 =	simm.s32 @!p1 $0x0  }
0x14: {  	s2 =	sld [smem:$0x3F8D];
	s0 =	simm.s32 @p1 $0x1  }
0x15: {  	[smem:$0x3FAA] =	sst s0;
	s0 =	simm.s32 @!p2 $0x0  }
0x16: {  	s3 =	sld [smem:$0x3FDB];
	s0 =	simm.s32 @p2 $0x1  }
0x17: {  	s4 =	simm.s32 $0x1BF5;
	[smem:$0x3FAC] =	sst s0  }
0x18: {  	s0 =	sld [smem:$0x3F8F];
	_ =	swait.ge [sflag:s4], $0x0  }
0x19: {  	s7 =	sld [smem:$0x3F90]  }
0x1a: {  	s8 =	sadd.s32 $0xFFFFE003, lr  }
0x1b: {  	s9 =	sadd.s32 $0xFFFFFEF7, lr;
	s5 =	simm.s32 $0xFFFFFFFF;
	p2 =	slt.u32 s8, $0xFFFFF086  }
0x1c: {  	p1 =	slt.u32 s9, $0xF7A;
	s5 =	simm.s32 @!p2 $0x0  }
0x1d: {  	s5 =	simm.s32 @p1 $0x1;
	p0 =	seq.s32 s7, s2  }
0x1e: {  	s7 =	smul.u32 @!p0 $0xF7A, s2;
	p2 =	seq.s32 @!p0 s5, $0x0  }
0x1f: {  	s9 =	smul.u32 $0xF7A, s1;
	s8 =	simm.s32 @!p0 $0x1BF5;
	p2 =	por !p2, p0  }
0x20: {  	[sflag:s8] =	ssyncset.s32 @!p0 $0xFFFFF086;
	s6 =	sadd.s32 @!p0 s3, s7;
	s7 =	simm.s32 @!p0 $0x108  }
0x21: {  	s3 =	sadd.s32 s3, s9;
	s6 =	sadd.s32 @!p0 $0x88, s6;
	s7 =	simm.s32 @p2 $0x1082  }
0x22: {  	[simem:s7], [sflag:s8] =	dma.local @!p0 [hbm:s6], $0xF7A  }
0x23: {  	s9 =	sor.u32 $0xD0000000, s2;
	s6 =	simm.s32 $0x108;
	_ =	swait.ge @!p0 [sflag:s8], $0x0  }
0x24: {  	s3 =	sadd.s32 $0x88, s3;
	s6 =	simm.s32 @!p1 $0x1082;
	[sflag:s4] =	ssyncset.s32 $0xFFFFF086  }
0x25: {  	[simem:s6], [sflag:s4] =	dma.local [hbm:s3], $0xF7A  }
0x26: {  	[smem:$0x3F90] =	sst s1;
	(tag) =	ssettag s2;
	_ =	strace s9  }
0x27: {  	s1 =	sld [smem:$0x3FA0]  }
0x28: {  	s2 =	sld [smem:$0x3FA1]  }
0x29: {  	s4 =	sld [smem:$0x3FA3]  }
0x2a: {  	p0 =	seq.s32 s5, $0x0;
	s5 =	sld [smem:$0x3FA4]  }
0x2b: {  	s6 =	sld [smem:$0x3FA5]  }
0x2c: {  	s7 =	sld [smem:$0x3FA6]  }
0x2d: {  	s3 =	simm.s32 $0x108;
	s8 =	sld [smem:$0x3FA7]  }
0x2e: {  	s3 =	simm.s32 @!p0 $0x1082;
	s9 =	sld [smem:$0x3FA8]  }
0x2f: {  	lr =	sadd.s32 s0, s3;
	s0 =	sld [smem:$0x3F9F]  }
0x30: {  	s3 =	sld [smem:$0x3FA2]  }
0x31: {  	[smem:$0x3FAB] =	sst s10  }
0x32: {  	s10 =	sld [smem:$0x3FA9];
	_ =	sdelay $0x3  }
0x33: {  	p0 =	seq.s32 s10, $0x1;
	s10 =	sld [smem:$0x3FAB];
	_ =	sdelay $0x3  }
0x34: {  	[smem:$0x3FAB] =	sst s10  }
0x35: {  	s10 =	sld [smem:$0x3FAA];
	_ =	sdelay $0x3  }
0x36: {  	p1 =	seq.s32 s10, $0x1;
	s10 =	sld [smem:$0x3FAB];
	_ =	sdelay $0x3  }
0x37: {  	[smem:$0x3FAB] =	sst s10  }
0x38: {  	s10 =	sld [smem:$0x3FAC]  }
0x39: {  	_ = 	snop;
	(pc) =	sbr.ind lr, $3  }
0x3a: {  	_ = 	snop  }
0x3b: {  	_ = 	snop  }
0x3c: {  	p2 =	seq.s32 s10, $0x1;
	s10 =	sld [smem:$0x3FAB]  }
0x3d: {  	_ =	shalt  }
0x3e: {  	_ =	shalt  }
0x3f: {  	_ =	shalt  }
0x40: {  	_ =	shalt  }
0x41: {  	_ =	shalt  }
0x42: {  	_ =	shalt  }
0x43: {  	_ =	shalt  }
0x44: {  	_ =	shalt  }
0x45: {  	_ =	shalt  }
0x46: {  	_ =	shalt  }
0x47: {  	_ =	shalt  }
0x48: {  	_ =	shalt  }
0x49: {  	_ =	shalt  }
0x4a: {  	_ =	shalt  }
0x4b: {  	_ =	shalt  }
0x4c: {  	_ =	shalt  }
0x4d: {  	_ =	shalt  }
0x4e: {  	_ =	shalt  }
0x4f: {  	_ =	shalt  }
0x50: {  	_ =	shalt  }
0x51: {  	_ =	shalt  }
0x52: {  	_ =	shalt  }
0x53: {  	_ =	shalt  }
0x54: {  	_ =	shalt  }
0x55: {  	_ =	shalt  }
0x56: {  	_ =	shalt  }
0x57: {  	_ =	shalt  }
0x58: {  	_ =	shalt  }
0x59: {  	_ =	shalt  }
0x5a: {  	_ =	shalt  }
0x5b: {  	_ =	shalt  }
0x5c: {  	_ =	shalt  }
0x5d: {  	_ =	shalt  }
0x5e: {  	_ =	shalt  }
0x5f: {  	_ =	shalt  }
0x60: {  	_ =	shalt  }
0x61: {  	_ =	shalt  }
0x62: {  	_ =	shalt  }
0x63: {  	_ =	shalt  }
0x64: {  	_ =	shalt  }
0x65: {  	_ =	shalt  }
0x66: {  	_ =	shalt  }
0x67: {  	_ =	shalt  }
0x68: {  	_ =	shalt  }
0x69: {  	_ =	shalt  }
0x6a: {  	_ =	shalt  }
0x6b: {  	_ =	shalt  }
0x6c: {  	_ =	shalt  }
0x6d: {  	_ =	shalt  }
0x6e: {  	_ =	shalt  }
0x6f: {  	_ =	shalt  }
0x70: {  	_ =	shalt  }
0x71: {  	_ =	shalt  }
0x72: {  	_ =	shalt  }
0x73: {  	_ =	shalt  }
0x74: {  	_ =	shalt  }
0x75: {  	_ =	shalt  }
0x76: {  	_ =	shalt  }
0x77: {  	_ =	shalt  }
0x78: {  	_ =	shalt  }
0x79: {  	_ =	shalt  }
0x7a: {  	_ =	shalt  }
0x7b: {  	_ =	shalt  }
0x7c: {  	_ =	shalt  }
0x7d: {  	_ =	shalt  }
0x7e: {  	_ =	shalt  }
0x7f: {  	_ =	shalt  }
0x80: {  	_ =	shalt  }
0x81: {  	_ =	shalt  }
0x82: {  	_ =	shalt  }
0x83: {  	_ =	shalt  }
0x84: {  	_ =	shalt  }
0x85: {  	_ =	shalt  }
0x86: {  	_ =	shalt  }
0x87: {  	_ =	shalt  }
.Lfunc_end0:
.L_simem_size_0:
called_computation.1_lowered:
.L_overlay_start_0:
0x88: {  	s2 =	sld [smem:$0x3FD9]  }
0x89: {  	s3 =	sld [smem:$0x3FFE];
	_ =	sdelay $0x1  }
0x8a: {  	s1 =	srdreg.scid  }
0x8b: {  	s0 =	sand.u32 $0x1, s1  }
0x8c: {  	s16 =	sshll.u32 s0, $0xA;
	s2 =	sadd.s32 s3, s2  }
0x8d: {  	s2 =	sadd.s32 s2, s16  }
0x8e: {  	[smem:$0x3FB7] =	sst s2  }
0x8f: {  	_ = 	snop  }
0x90: {  	(tm) =	ssettm $0x1  }
0x91: {  	s17 =	sld [smem:$0x3FFB];
	_ =	sdelay $0x3  }
0x92: {  	_ =	strace s17  }
0x93: {  	s2 =	sld [smem:$0x3FFC];
	_ =	sdelay $0x3  }
0x94: {  	_ =	strace s2  }
0x95: {  	s2 =	sld [smem:$0x3FFD];
	_ =	sdelay $0x3  }
0x96: {  	_ =	strace s2  }
0x97: {  	_ =	strace $0x8FFFFFFF  }
0x98: {  	s18 =	sld [smem:$0x3FDB];
	_ =	sdelay $0x1  }
0x99: {  	s19 =	simm.s32 $_scs_section_size  }
0x9a: {  	s4 =	simm.s32 $_size__tile_overlayer_lowered;
	s5 =	simm.s32 $_tile_overlayer_lowered  }
0x9b: {  	s22 =	simm.s32 $0x1BFF;
	s21 =	sshll.u32 s5, $0x1;
	s2 =	sadd.s32 s19, s18  }
0x9c: {  	s6 =	simm.s32 $0x0;
	s20 =	sshll.u32 s4, $0x1;
	s4 =	sadd.s32 s21, s2  }
0x9d: {  	[timem:s6], [sflag:s22] =	dma.local [hbm:s4], s20  }
0x9e: {  	_ =	swait.ge [sflag:s22], s20  }
0x9f: {  	s3 =	ssub.s32 $0x0, s20;
	[sflag:s22] =	ssyncset.done $0x0  }
0xa0: {  	[sflag:s22] =	ssyncadd.s32 s3;
	_ =	sdelay $0x1  }
0xa1: {  	s23 =	simm.s32 $0x1B8B  }
0xa2: {  	_ =	swait.ge [sflag:s23], $0x1  }
0xa3: {  	[sflag:s23] =	ssyncset.done $0x0  }
0xa4: {  	s25 =	simm.s32 $0x1B8E;
	s24 =	sld [smem:$0x3FFE];
	[sflag:s23] =	ssyncadd.s32 $0xFFFFFFFF  }
0xa5: {  	s26 =	simm.s32 $execute0_lowered;
	[smem:$0x3FD2] =	sst s25  }
0xa6: {  	s4 =	sshll.u32 s26, $0x1;
	_ =	strace $0x80000049;
	[dreg:$0x1] =	wrdreg $0xFFFFFFFF  }
0xa7: {  	s28 =	simm.s32 $_size_execute0_lowered;
	s2 =	sadd.s32 s2, s4;
	[dreg:$0x0] =	wrdreg $0x0  }
0xa8: {  	s4 =	sshll.u32 s28, $0x1;
	[dreg:$0x2] =	wrdreg s2  }
0xa9: {  	[dreg:$0x3] =	wrdreg s4  }
0xaa: {  	[dreg:$0x4] =	wrdreg $0xC0  }
0xab: {  	_ =	task [dreg:s6], $0x5FFFF  }
0xac: {  	[dreg:$0x1] =	wrdreg $0xFFFFFFFF  }
0xad: {  	[dreg:$0x0] =	wrdreg $0x60  }
0xae: {  	[dreg:$0x2] =	wrdreg s24  }
0xaf: {  	[dreg:$0x3] =	wrdreg $0x9  }
0xb0: {  	_ =	task.clear_ibuf [dreg:s6], $0x4FFFF;
	_ =	strace $0x90000049  }
0xb1: {  	s29 =	simm.s32 $0x9;
	_ =	strace $0x8000004B  }
0xb2: {  	_ =	swait.ge [sflag:s29], $0x1  }
0xb3: {  	[sflag:s29] =	ssyncadd.s32 $0xFFFFFFFF  }
0xb4: {  	_ =	strace $0x9000004B  }
0xb5: {  	_ =	sfence  }
0xb6: {  	s30 =	sld [smem:$0x0];
	_ =	sdelay $0x2  }
0xb7: {  	s31 =	sshll.u32 s1, $0xD;
	s1 =	sshrl.u32 s1, $0x2  }
0xb8: {  	s3 =	sand.u32 $0x4000, s31;
	s1 =	sadd.s32 s1, s30  }
0xb9: {  	s0 =	sor.u32 s3, s0;
	s1 =	sshll.u32 s1, $0x11  }
0xba: {  	s0 =	sor.u32 s1, s0  }
0xbb: {  	s0 =	sadd.s32 $0x8F2B, s0  }
0xbc: {  	[sflag:s0] =	ssyncadd.remote.s32 $0x1  }
0xbd: {  	_ =	sfence.sel $0xFFFF  }
0xbe: {  	[dreg:$0x0] =	wrdreg $0xFFFFFFFF;
	(pc) =	sbr.abs _section_cstart, $3  }
0xbf: {  	[dreg:$0x1] =	wrdreg $0xFFFFFFFF  }
0xc0: {  	_ =	task.clear_ibuf [dreg:s6], $0x2FFFF;
	_ =	strace $0x9FFFFFFF  }
0xc1: {  	(tm) =	ssettm $0x7FFFFFFF  }
tec
execute0_lowered:
.L_overlay_start_1:
0x0: {  	(tag) =	ssettag $0x1  }
0x1: {  	s0 =	rddreg [dreg:$0x0]  }
0x2: {  	s1 =	srdreg.scid;
	s3 =	stileid.u32  }
0x3: {  	s2 =	simm.s32 $0x0;
	s19 =	simm.s32 $0x3;
	s20 =	simm.s32 $0x2  }
0x4: {  	s21 =	simm.s32 $0x4;
	s23 =	simm.s32 $0x880;
	s28 =	simm.s32 $0x2080  }
0x5: {  	s29 =	simm.s32 $0x2880;
	s30 =	simm.s32 $0x3080;
	s31 =	simm.s32 $0x3880  }
0x6: {  	s10 =	simm.s32 $0x5080;
	s11 =	simm.s32 $0x5880;
	s12 =	simm.s32 $0x6080  }
0x7: {  	s13 =	simm.s32 $0x6880;
	s14 =	simm.s32 $0x7080;
	s15 =	simm.s32 $0x7880  }
0x8: {  	s18 =	simm.s32 $0x8080;
	s16 =	simm.s32 $0x8880;
	s1 =	sand.u32 $0x1, s1  }
0x9: {  	s3 =	sshll.u32 s3, $0x8;
	[smem:$0x7FF] =	sst s2;
	s4 =	sshll.u32 s1, $0x7  }
0xa: {  	s17 =	simm.s32 $0x9080;
	_ =	strace $0x8000004A;
	s4 =	sor.u32 s4, s3  }
0xb: {  	s1 =	ssub.s32 $0x2, s1;
	s3 =	sadd.s32 $0xC3000, s0;
	s5 =	sshrl.u32 s4, $0x3  }
0xc: {  	s24 =	sshrl.u32 s1, $0x1;
	s4 =	sshll.u32 s4, $0x7;
	s5 =	sadd.s32 s5, s0  }
0xd: {  	s1 =	ssub.s32 s1, s24;
	s7 =	sadd.s32 s4, s0;
	s5 =	sadd.s32 $0xC2E00, s5  }
0xe: {  	s24 =	simm.s32 $0x1080;
	s25 =	sadd.s32 $0x2A00, s7;
	[dreg:$0x2] =	wrdreg s5  }
0xf: {  	s4 =	sadd.s32 $0xC3100, s0;
	s6 =	sadd.s32 $0x3A00, s7;
	[dreg:$0x3] =	wrdreg s25  }
0x10: {  	s8 =	sadd.s32 $0x4A00, s7;
	s26 =	sadd.s32 $0x5A00, s7;
	[dreg:$0x4] =	wrdreg s6  }
0x11: {  	v2 =	vlaneseq.u32;
	s7 =	smax.u32 s1, $0x1;
	s1 =	simm.s32 $0x4880;
	[dreg:$0x5] =	wrdreg s8  }
0x12: {  	vm0 =	vmmov $0xffff;
	v1 =	vshrl.u32 v2, $0x3;
	s5 =	sadd.s32 $0xC3200, s0;
	s6 =	sadd.s32 $0xC3300, s0;
	[dreg:$0x6] =	wrdreg s26  }
0x13: {  	v0 =	vand.u32 $0x7, v2;
	v2 =	vor.u32 $0x8, v2;
	v1 =	vmul.u32 $0x8, v1;
	s8 =	simm.s32 $0x1;
	s25 =	simm.s32 $0x80;
	s26 =	simm.s32 $0x1880  }
.LBB2_1:
0x14: {  	s22 =	rddreg [dreg:$0x2];
	s0 =	simm.s32 $0x5  }
0x15: {  	[tilespmem:s2], [sflag:$0x5] =	stream.linear.gather [hbm4b:s22+s2], $0x80, $0x38;
	[tilespmem:$0x10080] =	vst v63  }
0x16: {  	_ =	swait.ge [sflag:s0], $0x80  }
0x17: {  	[sflag:s0] =	ssyncset.done $0x0  }
0x18: {  	[sflag:s0] =	ssyncadd.s32 $0xFFFFFF80  }
0x19: {  	v3 =	vld [tilespmem:$0x0];
	_ =	sdelay $0x4  }
0x1a: {  	v4 =	vshll.u32 v3, $0x3  }
0x1b: {  	v3 =	vand.u32 $0x7, v3;
	v4 =	vand.u32 $0xFFFFFFC0, v4  }
0x1c: {  	v3 =	vor.u32 v3, v4  }
0x1d: {  	v4 =	vperm.xlane v3, v0;
	_ =	sdelay $0x1  }
0x1e: {  	v4 =	vadd.s32 v1, v4;
	_ =	sdelay $0x4  }
0x1f: {  	[tilespmem:s25], [sflag:$0x1] =	stream.indirect_vreg.gather [hbm4b:s3+s2], $0x80, v4, vm0, $0xb8;
	[tilespmem:$0x10080] =	vst v63  }
0x20: {  	v3 =	vperm.xlane v3, v2  }
0x21: {  	[tilespmem:s23], [sflag:$0x1] =	stream.indirect_vreg.gather [hbm4b:s4+s2], $0x80, v4, vm0, $0xb8;
	[tilespmem:$0x10080] =	vst v63  }
0x22: {  	v3 =	vadd.s32 v1, v3  }
0x23: {  	[tilespmem:s24], [sflag:$0x1] =	stream.indirect_vreg.gather [hbm4b:s5+s2], $0x80, v4, vm0, $0xb8;
	[tilespmem:$0x10080] =	vst v63  }
0x24: {  	_ = 	snop  }
0x25: {  	[tilespmem:s26], [sflag:$0x1] =	stream.indirect_vreg.gather [hbm4b:s6+s2], $0x80, v4, vm0, $0xb8;
	[tilespmem:$0x10080] =	vst v63  }
0x26: {  	_ = 	snop  }
0x27: {  	[tilespmem:s28], [sflag:$0x1] =	stream.indirect_vreg.gather [hbm4b:s3+s2], $0x80, v3, vm0, $0xb8;
	[tilespmem:$0x10080] =	vst v63  }
0x28: {  	_ = 	snop  }
0x29: {  	[tilespmem:s29], [sflag:$0x1] =	stream.indirect_vreg.gather [hbm4b:s4+s2], $0x80, v3, vm0, $0xb8;
	[tilespmem:$0x10080] =	vst v63  }
0x2a: {  	_ = 	snop  }
0x2b: {  	[tilespmem:s30], [sflag:$0x1] =	stream.indirect_vreg.gather [hbm4b:s5+s2], $0x80, v3, vm0, $0xb8;
	[tilespmem:$0x10080] =	vst v63  }
0x2c: {  	_ = 	snop  }
0x2d: {  	[tilespmem:s31], [sflag:$0x1] =	stream.indirect_vreg.gather [hbm4b:s6+s2], $0x80, v3, vm0, $0xb8;
	[tilespmem:$0x10080] =	vst v63  }
0x2e: {  	v3 =	vld [tilespmem:$0x10];
	_ =	sdelay $0x4  }
0x2f: {  	v57 =	vshll.u32 v3, $0x3  }
0x30: {  	v3 =	vand.u32 $0x7, v3;
	v4 =	vand.u32 $0xFFFFFFC0, v57  }
0x31: {  	v3 =	vor.u32 v3, v4  }
0x32: {  	v4 =	vperm.xlane v3, v0;
	_ =	sdelay $0x1  }
0x33: {  	v4 =	vadd.s32 v1, v4;
	_ =	sdelay $0x3  }
0x34: {  	s0 =	simm.s32 $0x4080  }
0x35: {  	[tilespmem:s0], [sflag:$0x1] =	stream.indirect_vreg.gather [hbm4b:s3+s2], $0x80, v4, vm0, $0xb8;
	[tilespmem:$0x10080] =	vst v63  }
0x36: {  	v3 =	vperm.xlane v3, v2  }
0x37: {  	[tilespmem:s1], [sflag:$0x1] =	stream.indirect_vreg.gather [hbm4b:s4+s2], $0x80, v4, vm0, $0xb8;
	[tilespmem:$0x10080] =	vst v63  }
0x38: {  	v3 =	vadd.s32 v1, v3  }
0x39: {  	[tilespmem:s10], [sflag:$0x1] =	stream.indirect_vreg.gather [hbm4b:s5+s2], $0x80, v4, vm0, $0xb8;
	[tilespmem:$0x10080] =	vst v63  }
0x3a: {  	_ = 	snop  }
0x3b: {  	[tilespmem:s11], [sflag:$0x1] =	stream.indirect_vreg.gather [hbm4b:s6+s2], $0x80, v4, vm0, $0xb8;
	[tilespmem:$0x10080] =	vst v63  }
0x3c: {  	_ = 	snop  }
0x3d: {  	[tilespmem:s12], [sflag:$0x1] =	stream.indirect_vreg.gather [hbm4b:s3+s2], $0x80, v3, vm0, $0xb8;
	[tilespmem:$0x10080] =	vst v63  }
0x3e: {  	_ = 	snop  }
0x3f: {  	[tilespmem:s13], [sflag:$0x1] =	stream.indirect_vreg.gather [hbm4b:s4+s2], $0x80, v3, vm0, $0xb8;
	[tilespmem:$0x10080] =	vst v63  }
0x40: {  	_ = 	snop  }
0x41: {  	[tilespmem:s14], [sflag:$0x1] =	stream.indirect_vreg.gather [hbm4b:s5+s2], $0x80, v3, vm0, $0xb8;
	[tilespmem:$0x10080] =	vst v63  }
0x42: {  	_ = 	snop  }
0x43: {  	[tilespmem:s15], [sflag:$0x1] =	stream.indirect_vreg.gather [hbm4b:s6+s2], $0x80, v3, vm0, $0xb8;
	[tilespmem:$0x10080] =	vst v63  }
0x44: {  	v3 =	vld [tilespmem:$0x20];
	_ =	sdelay $0x4  }
0x45: {  	v58 =	vshll.u32 v3, $0x3  }
0x46: {  	v3 =	vand.u32 $0x7, v3;
	v4 =	vand.u32 $0xFFFFFFC0, v58  }
0x47: {  	v3 =	vor.u32 v3, v4  }
0x48: {  	v4 =	vperm.xlane v3, v0;
	_ =	sdelay $0x1  }
0x49: {  	v4 =	vadd.s32 v1, v4;
	_ =	sdelay $0x4  }
0x4a: {  	[tilespmem:s18], [sflag:$0x2] =	stream.indirect_vreg.gather [hbm4b:s3+s2], $0x80, v4, vm0, $0xb8;
	[tilespmem:$0x10080] =	vst v63  }
0x4b: {  	v3 =	vperm.xlane v3, v2  }
0x4c: {  	[tilespmem:s16], [sflag:$0x2] =	stream.indirect_vreg.gather [hbm4b:s4+s2], $0x80, v4, vm0, $0xb8;
	[tilespmem:$0x10080] =	vst v63  }
0x4d: {  	v3 =	vadd.s32 v1, v3  }
0x4e: {  	[tilespmem:s17], [sflag:$0x2] =	stream.indirect_vreg.gather [hbm4b:s5+s2], $0x80, v4, vm0, $0xb8;
	[tilespmem:$0x10080] =	vst v63  }
0x4f: {  	s9 =	simm.s32 $0x9880  }
0x50: {  	[tilespmem:s9], [sflag:$0x2] =	stream.indirect_vreg.gather [hbm4b:s6+s2], $0x80, v4, vm0, $0xb8;
	[tilespmem:$0x10080] =	vst v63  }
0x51: {  	s9 =	simm.s32 $0xA080  }
0x52: {  	[tilespmem:s9], [sflag:$0x2] =	stream.indirect_vreg.gather [hbm4b:s3+s2], $0x80, v3, vm0, $0xb8;
	[tilespmem:$0x10080] =	vst v63  }
0x53: {  	s22 =	simm.s32 $0xA880  }
0x54: {  	[tilespmem:s22], [sflag:$0x2] =	stream.indirect_vreg.gather [hbm4b:s4+s2], $0x80, v3, vm0, $0xb8;
	[tilespmem:$0x10080] =	vst v63  }
0x55: {  	s22 =	simm.s32 $0xB080  }
0x56: {  	[tilespmem:s22], [sflag:$0x2] =	stream.indirect_vreg.gather [hbm4b:s5+s2], $0x80, v3, vm0, $0xb8;
	[tilespmem:$0x10080] =	vst v63  }
0x57: {  	s22 =	simm.s32 $0xB880  }
0x58: {  	[tilespmem:s22], [sflag:$0x2] =	stream.indirect_vreg.gather [hbm4b:s6+s2], $0x80, v3, vm0, $0xb8;
	[tilespmem:$0x10080] =	vst v63  }
0x59: {  	v3 =	vld [tilespmem:$0x30];
	_ =	sdelay $0x4  }
0x5a: {  	v59 =	vshll.u32 v3, $0x3  }
0x5b: {  	v3 =	vand.u32 $0x7, v3;
	v4 =	vand.u32 $0xFFFFFFC0, v59  }
0x5c: {  	v3 =	vor.u32 v3, v4  }
0x5d: {  	v4 =	vperm.xlane v3, v0;
	_ =	sdelay $0x1  }
0x5e: {  	v4 =	vadd.s32 v1, v4;
	_ =	sdelay $0x3  }
0x5f: {  	s22 =	simm.s32 $0xC080  }
0x60: {  	[tilespmem:s22], [sflag:$0x2] =	stream.indirect_vreg.gather [hbm4b:s3+s2], $0x80, v4, vm0, $0xb8;
	[tilespmem:$0x10080] =	vst v63  }
0x61: {  	v3 =	vperm.xlane v3, v2;
	s22 =	simm.s32 $0xC880  }
0x62: {  	[tilespmem:s22], [sflag:$0x2] =	stream.indirect_vreg.gather [hbm4b:s4+s2], $0x80, v4, vm0, $0xb8;
	[tilespmem:$0x10080] =	vst v63  }
0x63: {  	v3 =	vadd.s32 v1, v3;
	s22 =	simm.s32 $0xD080  }
0x64: {  	[tilespmem:s22], [sflag:$0x2] =	stream.indirect_vreg.gather [hbm4b:s5+s2], $0x80, v4, vm0, $0xb8;
	[tilespmem:$0x10080] =	vst v63  }
0x65: {  	s22 =	simm.s32 $0xD880  }
0x66: {  	[tilespmem:s22], [sflag:$0x2] =	stream.indirect_vreg.gather [hbm4b:s6+s2], $0x80, v4, vm0, $0xb8;
	[tilespmem:$0x10080] =	vst v63  }
0x67: {  	s22 =	simm.s32 $0xE080  }
0x68: {  	[tilespmem:s22], [sflag:$0x2] =	stream.indirect_vreg.gather [hbm4b:s3+s2], $0x80, v3, vm0, $0xb8;
	[tilespmem:$0x10080] =	vst v63  }
0x69: {  	s22 =	simm.s32 $0xE880  }
0x6a: {  	[tilespmem:s22], [sflag:$0x2] =	stream.indirect_vreg.gather [hbm4b:s4+s2], $0x80, v3, vm0, $0xb8;
	[tilespmem:$0x10080] =	vst v63  }
0x6b: {  	s22 =	simm.s32 $0xF080  }
0x6c: {  	[tilespmem:s22], [sflag:$0x2] =	stream.indirect_vreg.gather [hbm4b:s5+s2], $0x80, v3, vm0, $0xb8;
	[tilespmem:$0x10080] =	vst v63  }
0x6d: {  	s22 =	simm.s32 $0xF880  }
0x6e: {  	[tilespmem:s22], [sflag:$0x2] =	stream.indirect_vreg.gather [hbm4b:s6+s2], $0x80, v3, vm0, $0xb8;
	[tilespmem:$0x10080] =	vst v63  }
0x6f: {  	_ =	swait.ge [sflag:s8], $0x8000  }
0x70: {  	[sflag:s8] =	ssyncset.done $0x0  }
0x71: {  	s22 =	rddreg [dreg:$0x3];
	[sflag:s8] =	ssyncadd.s32 $0xFFFF8000  }
0x72: {  	[hbm4b:s22+s2] =	stream.linear.scatter [tilespmem:s25], [sflag:$0x3], $0x8000, $0x38;
	[tilespmem:$0x10080] =	vst v63  }
0x73: {  	_ =	swait.ge [sflag:s19], $0x8000  }
0x74: {  	[sflag:s19] =	ssyncset.done $0x0  }
0x75: {  	[sflag:s19] =	ssyncadd.s32 $0xFFFF8000  }
0x76: {  	v3 =	vld [tilespmem:$0x40];
	_ =	sdelay $0x4  }
0x77: {  	v60 =	vshll.u32 v3, $0x3  }
0x78: {  	v3 =	vand.u32 $0x7, v3;
	v4 =	vand.u32 $0xFFFFFFC0, v60  }
0x79: {  	v3 =	vor.u32 v3, v4  }
0x7a: {  	v4 =	vperm.xlane v3, v0;
	_ =	sdelay $0x1  }
0x7b: {  	v4 =	vadd.s32 v1, v4;
	_ =	sdelay $0x4  }
0x7c: {  	[tilespmem:s25], [sflag:$0x1] =	stream.indirect_vreg.gather [hbm4b:s3+s2], $0x80, v4, vm0, $0xb8;
	[tilespmem:$0x10080] =	vst v63  }
0x7d: {  	v3 =	vperm.xlane v3, v2  }
0x7e: {  	[tilespmem:s23], [sflag:$0x1] =	stream.indirect_vreg.gather [hbm4b:s4+s2], $0x80, v4, vm0, $0xb8;
	[tilespmem:$0x10080] =	vst v63  }
0x7f: {  	v3 =	vadd.s32 v1, v3  }
0x80: {  	[tilespmem:s24], [sflag:$0x1] =	stream.indirect_vreg.gather [hbm4b:s5+s2], $0x80, v4, vm0, $0xb8;
	[tilespmem:$0x10080] =	vst v63  }
0x81: {  	_ = 	snop  }
0x82: {  	[tilespmem:s26], [sflag:$0x1] =	stream.indirect_vreg.gather [hbm4b:s6+s2], $0x80, v4, vm0, $0xb8;
	[tilespmem:$0x10080] =	vst v63  }
0x83: {  	_ = 	snop  }
0x84: {  	[tilespmem:s28], [sflag:$0x1] =	stream.indirect_vreg.gather [hbm4b:s3+s2], $0x80, v3, vm0, $0xb8;
	[tilespmem:$0x10080] =	vst v63  }
0x85: {  	_ = 	snop  }
0x86: {  	[tilespmem:s29], [sflag:$0x1] =	stream.indirect_vreg.gather [hbm4b:s4+s2], $0x80, v3, vm0, $0xb8;
	[tilespmem:$0x10080] =	vst v63  }
0x87: {  	_ = 	snop  }
0x88: {  	[tilespmem:s30], [sflag:$0x1] =	stream.indirect_vreg.gather [hbm4b:s5+s2], $0x80, v3, vm0, $0xb8;
	[tilespmem:$0x10080] =	vst v63  }
0x89: {  	_ = 	snop  }
0x8a: {  	[tilespmem:s31], [sflag:$0x1] =	stream.indirect_vreg.gather [hbm4b:s6+s2], $0x80, v3, vm0, $0xb8;
	[tilespmem:$0x10080] =	vst v63  }
0x8b: {  	v3 =	vld [tilespmem:$0x50];
	_ =	sdelay $0x4  }
0x8c: {  	v61 =	vshll.u32 v3, $0x3  }
0x8d: {  	v3 =	vand.u32 $0x7, v3;
	v4 =	vand.u32 $0xFFFFFFC0, v61  }
0x8e: {  	v3 =	vor.u32 v3, v4  }
0x8f: {  	v4 =	vperm.xlane v3, v0;
	_ =	sdelay $0x1  }
0x90: {  	v4 =	vadd.s32 v1, v4;
	_ =	sdelay $0x4  }
0x91: {  	[tilespmem:s0], [sflag:$0x1] =	stream.indirect_vreg.gather [hbm4b:s3+s2], $0x80, v4, vm0, $0xb8;
	[tilespmem:$0x10080] =	vst v63  }
0x92: {  	v3 =	vperm.xlane v3, v2  }
0x93: {  	[tilespmem:s1], [sflag:$0x1] =	stream.indirect_vreg.gather [hbm4b:s4+s2], $0x80, v4, vm0, $0xb8;
	[tilespmem:$0x10080] =	vst v63  }
0x94: {  	v3 =	vadd.s32 v1, v3  }
0x95: {  	[tilespmem:s10], [sflag:$0x1] =	stream.indirect_vreg.gather [hbm4b:s5+s2], $0x80, v4, vm0, $0xb8;
	[tilespmem:$0x10080] =	vst v63  }
0x96: {  	_ = 	snop  }
0x97: {  	[tilespmem:s11], [sflag:$0x1] =	stream.indirect_vreg.gather [hbm4b:s6+s2], $0x80, v4, vm0, $0xb8;
	[tilespmem:$0x10080] =	vst v63  }
0x98: {  	_ = 	snop  }
0x99: {  	[tilespmem:s12], [sflag:$0x1] =	stream.indirect_vreg.gather [hbm4b:s3+s2], $0x80, v3, vm0, $0xb8;
	[tilespmem:$0x10080] =	vst v63  }
0x9a: {  	_ = 	snop  }
0x9b: {  	[tilespmem:s13], [sflag:$0x1] =	stream.indirect_vreg.gather [hbm4b:s4+s2], $0x80, v3, vm0, $0xb8;
	[tilespmem:$0x10080] =	vst v63  }
0x9c: {  	_ = 	snop  }
0x9d: {  	[tilespmem:s14], [sflag:$0x1] =	stream.indirect_vreg.gather [hbm4b:s5+s2], $0x80, v3, vm0, $0xb8;
	[tilespmem:$0x10080] =	vst v63  }
0x9e: {  	_ = 	snop  }
0x9f: {  	[tilespmem:s15], [sflag:$0x1] =	stream.indirect_vreg.gather [hbm4b:s6+s2], $0x80, v3, vm0, $0xb8;
	[tilespmem:$0x10080] =	vst v63  }
0xa0: {  	_ =	swait.ge [sflag:s20], $0x8000  }
0xa1: {  	[sflag:s20] =	ssyncset.done $0x0  }
0xa2: {  	s0 =	rddreg [dreg:$0x4];
	[sflag:s20] =	ssyncadd.s32 $0xFFFF8000  }
0xa3: {  	[hbm4b:s0+s2] =	stream.linear.scatter [tilespmem:s18], [sflag:$0x4], $0x8000, $0x38;
	[tilespmem:$0x10080] =	vst v63  }
0xa4: {  	_ =	swait.ge [sflag:s21], $0x8000  }
0xa5: {  	[sflag:s21] =	ssyncset.done $0x0  }
0xa6: {  	[sflag:s21] =	ssyncadd.s32 $0xFFFF8000  }
0xa7: {  	v3 =	vld [tilespmem:$0x60];
	_ =	sdelay $0x4  }
0xa8: {  	v62 =	vshll.u32 v3, $0x3  }
0xa9: {  	v3 =	vand.u32 $0x7, v3;
	v4 =	vand.u32 $0xFFFFFFC0, v62  }
0xaa: {  	v3 =	vor.u32 v3, v4  }
0xab: {  	v4 =	vperm.xlane v3, v0;
	_ =	sdelay $0x1  }
0xac: {  	v4 =	vadd.s32 v1, v4;
	_ =	sdelay $0x4  }
0xad: {  	[tilespmem:s18], [sflag:$0x2] =	stream.indirect_vreg.gather [hbm4b:s3+s2], $0x80, v4, vm0, $0xb8;
	[tilespmem:$0x10080] =	vst v63  }
0xae: {  	v3 =	vperm.xlane v3, v2  }
0xaf: {  	[tilespmem:s16], [sflag:$0x2] =	stream.indirect_vreg.gather [hbm4b:s4+s2], $0x80, v4, vm0, $0xb8;
	[tilespmem:$0x10080] =	vst v63  }
0xb0: {  	v3 =	vadd.s32 v1, v3  }
0xb1: {  	[tilespmem:s17], [sflag:$0x2] =	stream.indirect_vreg.gather [hbm4b:s5+s2], $0x80, v4, vm0, $0xb8;
	[tilespmem:$0x10080] =	vst v63  }
0xb2: {  	s22 =	simm.s32 $0x9880  }
0xb3: {  	[tilespmem:s22], [sflag:$0x2] =	stream.indirect_vreg.gather [hbm4b:s6+s2], $0x80, v4, vm0, $0xb8;
	[tilespmem:$0x10080] =	vst v63  }
0xb4: {  	_ = 	snop  }
0xb5: {  	[tilespmem:s9], [sflag:$0x2] =	stream.indirect_vreg.gather [hbm4b:s3+s2], $0x80, v3, vm0, $0xb8;
	[tilespmem:$0x10080] =	vst v63  }
0xb6: {  	s22 =	simm.s32 $0xA880  }
0xb7: {  	[tilespmem:s22], [sflag:$0x2] =	stream.indirect_vreg.gather [hbm4b:s4+s2], $0x80, v3, vm0, $0xb8;
	[tilespmem:$0x10080] =	vst v63  }
0xb8: {  	s9 =	simm.s32 $0xB080  }
0xb9: {  	[tilespmem:s9], [sflag:$0x2] =	stream.indirect_vreg.gather [hbm4b:s5+s2], $0x80, v3, vm0, $0xb8;
	[tilespmem:$0x10080] =	vst v63  }
0xba: {  	s22 =	simm.s32 $0xB880  }
0xbb: {  	[tilespmem:s22], [sflag:$0x2] =	stream.indirect_vreg.gather [hbm4b:s6+s2], $0x80, v3, vm0, $0xb8;
	[tilespmem:$0x10080] =	vst v63  }
0xbc: {  	v3 =	vld [tilespmem:$0x70];
	_ =	sdelay $0x4  }
0xbd: {  	v63 =	vshll.u32 v3, $0x3  }
0xbe: {  	v3 =	vand.u32 $0x7, v3;
	v4 =	vand.u32 $0xFFFFFFC0, v63  }
0xbf: {  	v3 =	vor.u32 v3, v4  }
0xc0: {  	v4 =	vperm.xlane v3, v0;
	_ =	sdelay $0x1  }
0xc1: {  	v4 =	vadd.s32 v1, v4;
	_ =	sdelay $0x3  }
0xc2: {  	s9 =	simm.s32 $0xC080  }
0xc3: {  	[tilespmem:s9], [sflag:$0x2] =	stream.indirect_vreg.gather [hbm4b:s3+s2], $0x80, v4, vm0, $0xb8;
	[tilespmem:$0x10080] =	vst v63  }
0xc4: {  	s22 =	simm.s32 $0xC880;
	v3 =	vperm.xlane v3, v2  }
0xc5: {  	[tilespmem:s22], [sflag:$0x2] =	stream.indirect_vreg.gather [hbm4b:s4+s2], $0x80, v4, vm0, $0xb8;
	[tilespmem:$0x10080] =	vst v63  }
0xc6: {  	v3 =	vadd.s32 v1, v3;
	s9 =	simm.s32 $0xD080  }
0xc7: {  	[tilespmem:s9], [sflag:$0x2] =	stream.indirect_vreg.gather [hbm4b:s5+s2], $0x80, v4, vm0, $0xb8;
	[tilespmem:$0x10080] =	vst v63  }
0xc8: {  	s22 =	simm.s32 $0xD880  }
0xc9: {  	[tilespmem:s22], [sflag:$0x2] =	stream.indirect_vreg.gather [hbm4b:s6+s2], $0x80, v4, vm0, $0xb8;
	[tilespmem:$0x10080] =	vst v63  }
0xca: {  	s9 =	simm.s32 $0xE080  }
0xcb: {  	[tilespmem:s9], [sflag:$0x2] =	stream.indirect_vreg.gather [hbm4b:s3+s2], $0x80, v3, vm0, $0xb8;
	[tilespmem:$0x10080] =	vst v63  }
0xcc: {  	s22 =	simm.s32 $0xE880  }
0xcd: {  	[tilespmem:s22], [sflag:$0x2] =	stream.indirect_vreg.gather [hbm4b:s4+s2], $0x80, v3, vm0, $0xb8;
	[tilespmem:$0x10080] =	vst v63  }
0xce: {  	s9 =	simm.s32 $0xF080  }
0xcf: {  	[tilespmem:s9], [sflag:$0x2] =	stream.indirect_vreg.gather [hbm4b:s5+s2], $0x80, v3, vm0, $0xb8;
	[tilespmem:$0x10080] =	vst v63  }
0xd0: {  	s22 =	simm.s32 $0xF880  }
0xd1: {  	[tilespmem:s22], [sflag:$0x2] =	stream.indirect_vreg.gather [hbm4b:s6+s2], $0x80, v3, vm0, $0xb8;
	[tilespmem:$0x10080] =	vst v63  }
0xd2: {  	_ =	swait.ge [sflag:s8], $0x8000  }
0xd3: {  	[sflag:s8] =	ssyncset.done $0x0  }
0xd4: {  	s0 =	rddreg [dreg:$0x5];
	[sflag:s8] =	ssyncadd.s32 $0xFFFF8000  }
0xd5: {  	[hbm4b:s0+s2] =	stream.linear.scatter [tilespmem:s25], [sflag:$0x3], $0x8000, $0x38;
	[tilespmem:$0x10080] =	vst v63  }
0xd6: {  	_ =	swait.ge [sflag:s20], $0x8000  }
0xd7: {  	[sflag:s20] =	ssyncset.done $0x0  }
0xd8: {  	s9 =	rddreg [dreg:$0x6];
	[sflag:s20] =	ssyncadd.s32 $0xFFFF8000  }
0xd9: {  	[hbm4b:s9+s2] =	stream.linear.scatter [tilespmem:s18], [sflag:$0x4], $0x8000, $0x38;
	[tilespmem:$0x10080] =	vst v63  }
0xda: {  	p0 =	sne.s32 s7, $0x1;
	_ =	swait.ge [sflag:s19], $0x8000  }
.Ltmp0:
0xdb: {  	[sflag:s19] =	ssyncset.done $0x0;
	(pc) =	sbr.rel @p0 .LBB2_1-.Ltmp0, $4  }
0xdc: {  	[sflag:s19] =	ssyncadd.s32 $0xFFFF8000  }
0xdd: {  	_ =	swait.ge [sflag:s21], $0x8000  }
0xde: {  	[sflag:s21] =	ssyncset.done $0x0  }
0xdf: {  	s7 =	sadd.s32 $0xFFFFFFFF, s7;
	[sflag:s21] =	ssyncadd.s32 $0xFFFF8000  }
0xe0: {  	_ =	sfence.sel $0x180000  }
0xe1: {  	[bflag:$0x0] =	sbarrier.arrive $0xFFFF  }
0xe2: {  	_ =	strace $0x9000004A  }
0xe3: {  	s0 =	stileid.u32;
	[bflag:$0x2] =	sbarrier.arrive $0xFFFF  }
0xe4: {  	p0 =	sne.s32 s0, $0x0;
	s0 =	rddreg [dreg:$0x1]  }
0xe5: {  	s0 =	sadd.s32 @!p0 $0x100000, s0  }
0xe6: {  	[sflag:s0] =	ssyncadd.tile.s32 @!p0 $0x1;
	_ =	shalt  }
.Lfunc_end2:
_tile_overlayer_lowered:
.L_overlay_start_2:
0xe7: {  	(tag) =	ssettag $0x2  }
0xe8: {  	s0 =	rddreg [dreg:$0x0];
	s2 =	stileid.u32  }
0xe9: {  	s1 =	rddreg [dreg:$0x1];
	p0 =	sne.s32 s2, $0x0  }
0xea: {  	s3 =	rddreg [dreg:$0x2];
	[bflag:$0x3] =	sbarrier.arrive $0xFFFF;
	s2 =	simm.s32 @!p0 $0x1C05  }
0xeb: {  	[timem:s3], [sflag:s2] =	dma.local @!p0 [hbm:s0], s1  }
0xec: {  	s0 =	simm.s32 @!p0 $0x5  }
0xed: {  	_ =	swait.ge @!p0 [sflag:s0], s1  }
0xee: {  	s1 =	ssub.s32 @!p0 $0x0, s1;
	[sflag:s0] =	ssyncset.done @!p0 $0x0  }
0xef: {  	[sflag:s0] =	ssyncadd.s32 @!p0 s1  }
0xf0: {  	[bflag:$0x3] =	sbarrier.arrive $0xFFFF  }
0xf1: {  	_ =	shalt  }

</sc_bundles>
